<compile_context>
chip_gen: v7x
topology: tpu7x:2x2x1
jax: 0.10.2.dev20260603
libtpu: 0.0.44.dev20260713+nightly
codegen_flags: <defaults>
</compile_context>

<pallas_src>
import functools

import jax
import jax.numpy as jnp
from jax import lax
from jax.experimental import pallas as pl
from jax.experimental.pallas import tpu as pltpu
from jax.experimental.pallas import tpu_sc as plsc

N = 10000
E = 320000
D = 128
H = 128
HH = H // 2

_NC = 2
_NS = 16
_EPT = E // _NS
_B = 125
_NCH = _EPT // _B
_NP = 10240
_RP = _NP // _NS
_NBUF = 5
_PF = 3
_SLACK = _NBUF - _PF

_EPS = 1e-5


def _bn(h, g, b):
    mu = jnp.mean(h, axis=0, keepdims=True)
    var = jnp.mean((h - mu) ** 2, axis=0, keepdims=True)
    return (h - mu) / jnp.sqrt(var + _EPS) * g + b


def _matmul_t(a, w):
    return lax.dot_general(a, w, (((1,), (1,)), ((), ())),
                           preferred_element_type=jnp.float32)



def _pack_halves(h, feath_ref):
    h3 = h.reshape(N // 2, 2, H)
    even, odd = h3[:, 0, :], h3[:, 1, :]
    feath_ref[0] = jnp.concatenate([even[:, :HH], odd[:, :HH]], axis=1)
    feath_ref[1] = jnp.concatenate([even[:, HH:], odd[:, HH:]], axis=1)


def _mlp_body(x_ref, wi_ref, bi_ref, gi_ref, bei_ref, wh_ref, bh_ref,
              gh_ref, beh_ref, feat_ref, feath_ref):
    x = x_ref[...]
    h = _bn(_matmul_t(x, wi_ref[...]) + bi_ref[...], gi_ref[...], bei_ref[...])
    h = jnp.maximum(h, 0.0)
    h = _bn(_matmul_t(h, wh_ref[...]) + bh_ref[...], gh_ref[...], beh_ref[...])
    h = jnp.maximum(h, 0.0)
    feat_ref[...] = h
    _pack_halves(h, feath_ref)


_mlp_call = pl.pallas_call(
    _mlp_body,
    out_shape=(jax.ShapeDtypeStruct((N, H), jnp.float32),
               jax.ShapeDtypeStruct((_NC, N // 2, H), jnp.float32)),
)



def _make_sage_tc(emit_halves):
    def body(pagg_ref, pcnt_ref, h_ref, wl_ref, bl_ref, wr_ref, g_ref,
             be_ref, out_ref, *outh):
        cnt = (pcnt_ref[0] + pcnt_ref[1])[:N, 0:1]
        agg = pagg_ref[:N] / jnp.maximum(cnt, 1.0)
        o = _matmul_t(agg, wl_ref[...]) + bl_ref[...]
        o = o + _matmul_t(h_ref[...], wr_ref[...])
        o = _bn(o, g_ref[...], be_ref[...])
        out_ref[...] = o
        if emit_halves:
            _pack_halves(o, outh[0])

    if emit_halves:
        out_shape = (jax.ShapeDtypeStruct((N, H), jnp.float32),
                     jax.ShapeDtypeStruct((_NC, N // 2, H), jnp.float32))
    else:
        out_shape = jax.ShapeDtypeStruct((N, H), jnp.float32)
    return pl.pallas_call(body, out_shape=out_shape)


_sage_tc_h = _make_sage_tc(True)
_sage_tc = _make_sage_tc(False)



_mesh = plsc.VectorSubcoreMesh(core_axis_name="c", subcore_axis_name="s")


_agg_scratch = [
    pltpu.VMEM((_NCH, _B), jnp.int32),
    pltpu.VMEM((_NCH, _B), jnp.int32),
    pltpu.VMEM((_NBUF, _B, HH), jnp.float32),
    pltpu.VMEM_SHARED((_NP, HH), jnp.float32),
    pltpu.SemaphoreType.DMA((_NBUF,)),
    pltpu.SemaphoreType.DMA((_NBUF,)),
]


@functools.partial(
    pl.kernel,
    out_type=jax.ShapeDtypeStruct((_NP, H), jnp.float32),
    scratch_types=_agg_scratch, mesh=_mesh,
    compiler_params=pltpu.CompilerParams(use_tc_tiling_on_sc=False))
def _sc_agg(er_hbm, feath_hbm, zf_hbm, pagg_hbm, src_v, dst_v,
            rows_v, agg_s, gsem, ssem):
    c = lax.axis_index("c")
    s = lax.axis_index("s")

    feat_half = feath_hbm.at[c]

    pltpu.sync_copy(er_hbm.at[0, s], src_v)
    pltpu.sync_copy(er_hbm.at[1, s], dst_v)
    pltpu.sync_copy(zf_hbm, agg_s.at[pl.ds(s * _RP, _RP)])
    plsc.subcore_barrier()

    def fire_gather(j, b):
        pltpu.async_copy(feat_half.at[src_v.at[j]], rows_v.at[b],
                         gsem.at[b])

    def wait_gather(j, b):
        pltpu.make_async_copy(feat_half.at[src_v.at[j]],
                              rows_v.at[b], gsem.at[b]).wait()

    def wait_scatter(b):
        pltpu.make_async_copy(rows_v.at[b], agg_s.at[dst_v.at[0]],
                              ssem.at[b]).wait()

    for b in range(_PF):
        fire_gather(b, b)

    def body(g, carry):
        base = g * _NBUF
        for b in range(_NBUF):
            j = base + b
            wait_gather(j, b)
            pltpu.async_copy(rows_v.at[b], agg_s.at[dst_v.at[j]],
                             ssem.at[b], add=True)
            b2 = (b + _PF) % _NBUF
            @pl.when(j >= _SLACK)
            def _():
                wait_scatter(b2)

            @pl.when(j + _PF < _NCH)
            def _():
                fire_gather(j + _PF, b2)
        return carry

    lax.fori_loop(0, _NCH // _NBUF, body, 0)

    for k in range(_NCH - _SLACK, _NCH):
        wait_scatter(k % _NBUF)
    plsc.subcore_barrier()

    rs = pl.ds(s * _RP, _RP)
    pltpu.sync_copy(agg_s.at[rs], pagg_hbm.at[rs, pl.ds(c * HH, HH)])


_CNBUF = 4

_cnt_scratch = [
    pltpu.VMEM((_NCH, _B), jnp.int32),
    pltpu.VMEM((_B, 16), jnp.float32),
    pltpu.VMEM_SHARED((_NP, 16), jnp.float32),
    pltpu.SemaphoreType.DMA((_CNBUF,)),
]


@functools.partial(
    pl.kernel,
    out_type=jax.ShapeDtypeStruct((_NC, _NP, 16), jnp.float32),
    scratch_types=_cnt_scratch, mesh=_mesh,
    compiler_params=pltpu.CompilerParams(use_tc_tiling_on_sc=False))
def _sc_cnt(er_hbm, zc_hbm, ones_hbm, pcnt_hbm, dst_v, ones_v, cnt_s,
            csem):
    c = lax.axis_index("c")
    s = lax.axis_index("s")

    pltpu.sync_copy(er_hbm.at[1, s], dst_v)
    pltpu.sync_copy(ones_hbm, ones_v)
    pltpu.sync_copy(zc_hbm, cnt_s.at[pl.ds(s * _RP, _RP)])
    plsc.subcore_barrier()

    half = _NCH // 2
    lo = c * half

    def wait_cnt(j):
        pltpu.make_async_copy(ones_v, cnt_s.at[dst_v.at[0]],
                              csem.at[j % _CNBUF]).wait()

    def body(g, carry):
        for b in range(_CNBUF):
            j = g * _CNBUF + b

            @pl.when(j >= _CNBUF)
            def _():
                wait_cnt(j)
            pltpu.async_copy(ones_v, cnt_s.at[dst_v.at[lo + j]],
                             csem.at[b], add=True)
        return carry

    lax.fori_loop(0, half // _CNBUF, body, 0)
    for k in range(half - _CNBUF, half):
        wait_cnt(k)
    plsc.subcore_barrier()

    rs = pl.ds(s * _RP, _RP)
    pltpu.sync_copy(cnt_s.at[rs], pcnt_hbm.at[c, rs])


def kernel(x, edge_index, W_in, b_in, g_in, be_in, W_hid, b_hid, g_hid,
           be_hid, Wl1, bl1, Wr1, g1, be1, Wl2, bl2, Wr2, g2, be2):
    row = lambda v: v.reshape(1, -1)
    feat, feat_h2 = _mlp_call(x, W_in, row(b_in), row(g_in), row(be_in),
                              W_hid, row(b_hid), row(g_hid), row(be_hid))

    er = edge_index.reshape(2, _NS, _NCH, _B)
    zf = jnp.zeros((_RP, HH), jnp.float32)
    zc = jnp.zeros((_RP, 16), jnp.float32)
    ones = jnp.ones((_B, 16), jnp.float32)

    pcnt = _sc_cnt(er, zc, ones)
    pagg1 = _sc_agg(er, feat_h2.reshape(_NC, N, HH), zf)
    out1, out1_h2 = _sage_tc_h(pagg1, pcnt, feat, Wl1, row(bl1), Wr1,
                               row(g1), row(be1))
    pagg2 = _sc_agg(er, out1_h2.reshape(_NC, N, HH), zf)
    out2 = _sage_tc(pagg2, pcnt, out1, Wl2, row(bl2), Wr2, row(g2),
                    row(be2))
    return feat, out2

# --- scband reference (transcript-rebuilt; emitter-appended) ---
"""Pipeline reference for scband-custom-stellar-encoder-2-51342039056842 (READ-ONLY COPY).

The authoritative reference and input builder live on the scoring server;
editing this copy changes nothing except your own understanding.
"""

import jax, jax.numpy as jnp
import numpy as np

N = 10000
E = 320000
D = 128
H = 128


def _bn(x, g, b, eps=1e-5):
    mu = jnp.mean(x, axis=0)
    var = jnp.mean((x - mu) ** 2, axis=0)
    return (x - mu) / jnp.sqrt(var + eps) * g + b


def _sage(x, edge_index, Wl, bl, Wr):
    # PyG SAGEConv with mean aggregation: out = lin_l(mean_j x_j) + lin_r(x)
    src = edge_index[0]
    dst = edge_index[1]
    msg = jnp.take(x, src, axis=0)
    agg = jax.ops.segment_sum(msg, dst, num_segments=N)
    cnt = jax.ops.segment_sum(jnp.ones((edge_index.shape[1],), x.dtype), dst, num_segments=N)
    agg = agg / jnp.clip(cnt, 1.0)[:, None]
    return agg @ Wl.T + bl + x @ Wr.T


def setup_inputs(seed: int = 0) -> dict:
    key = jax.random.key(seed)
    ks = jax.random.split(key, 16)
    inp = {}
    inp["x"] = jax.random.normal(ks[0], (N, D), dtype=jnp.float32)
    inp["edge_index"] = jax.random.randint(ks[1], (2, E), 0, N, dtype=jnp.int32)
    s_in = 1.0 / np.sqrt(D)
    s_h = 1.0 / np.sqrt(H)
    inp["W_in"] = jax.random.uniform(ks[2], (H, D), jnp.float32, -s_in, s_in)
    inp["b_in"] = jax.random.uniform(ks[3], (H,), jnp.float32, -s_in, s_in)
    inp["g_in"] = jnp.ones((H,), jnp.float32)
    inp["be_in"] = jnp.zeros((H,), jnp.float32)
    inp["W_hid"] = jax.random.uniform(ks[4], (H, H), jnp.float32, -s_h, s_h)
    inp["b_hid"] = jax.random.uniform(ks[5], (H,), jnp.float32, -s_h, s_h)
    inp["g_hid"] = jnp.ones((H,), jnp.float32)
    inp["be_hid"] = jnp.zeros((H,), jnp.float32)
    inp["Wl1"] = jax.random.uniform(ks[6], (H, H), jnp.float32, -s_h, s_h)
    inp["bl1"] = jnp.zeros((H,), jnp.float32)
    inp["Wr1"] = jax.random.uniform(ks[7], (H, H), jnp.float32, -s_h, s_h)
    inp["g1"] = jnp.ones((H,), jnp.float32)
    inp["be1"] = jnp.zeros((H,), jnp.float32)
    inp["Wl2"] = jax.random.uniform(ks[8], (H, H), jnp.float32, -s_h, s_h)
    inp["bl2"] = jnp.zeros((H,), jnp.float32)
    inp["Wr2"] = jax.random.uniform(ks[9], (H, H), jnp.float32, -s_h, s_h)
    inp["g2"] = jnp.ones((H,), jnp.float32)
    inp["be2"] = jnp.zeros((H,), jnp.float32)
    return inp


def reference(x, edge_index, W_in, b_in, g_in, be_in, W_hid, b_hid, g_hid, be_hid, Wl1, bl1, Wr1, g1, be1, Wl2, bl2, Wr2, g2, be2):
    feat = jax.nn.relu(_bn(x @ W_in.T + b_in, g_in, be_in))
    feat = jax.nn.relu(_bn(feat @ W_hid.T + b_hid, g_hid, be_hid))
    out = _sage(feat, edge_index, Wl1, bl1, Wr1)
    out = _bn(out, g1, be1)
    out = _sage(out, edge_index, Wl2, bl2, Wr2)
    out = _bn(out, g2, be2)
    return (feat, out)

if __name__ == "__main__":
    import jax
    _d = setup_inputs()
    print(jax.jit(kernel)(*tuple(_d.values())))

</pallas_src>

<mosaic_0001>
#map = affine_map<(d0, d1) -> (0, 0, 0, 0)>
#map1 = affine_map<(d0, d1) -> (0, 0, 0)>
#map2 = affine_map<(d0, d1) -> (0, 0)>
module attributes {stable_mosaic.version = 14 : i64} {
  func.func @_sc_agg(%arg0: i32, %arg1: i32, %arg2: memref<2x16x160x125xi32, #tpu.memory_space<hbm>>, %arg3: memref<2x10000x64xf32, #tpu.memory_space<hbm>>, %arg4: memref<640x64xf32, #tpu.memory_space<hbm>>, %arg5: memref<10240x128xf32, #tpu.memory_space<hbm>>, %arg6: memref<160x125xi32, #tpu.memory_space<vmem>>, %arg7: memref<160x125xi32, #tpu.memory_space<vmem>>, %arg8: memref<5x125x64xf32, #tpu.memory_space<vmem>>, %arg9: memref<10240x64xf32, #tpu.memory_space<vmem_shared>>, %arg10: memref<5x!tpu.dma_semaphore, #tpu.memory_space<semaphore_mem>>, %arg11: memref<5x!tpu.dma_semaphore, #tpu.memory_space<semaphore_mem>>) attributes {dimension_semantics = [#tpu.dimension_semantics<core_parallel>, #tpu.dimension_semantics<subcore_parallel>], iteration_bounds = array<i64: 2, 16>, scalar_prefetch = 0 : i64, scratch_operands = 6 : i64, tpu.core_type = #tpu.core_type<sc_vector_subcore>, window_params = [{transform_indices = #map}, {transform_indices = #map1}, {transform_indices = #map2}, {transform_indices = #map2}]} {
    %run_scoped3A = arith.constant 0 : i32
    "tpu.region"() ({
      %run_scoped3A_97 = tpu.sem_alloc : memref<!tpu.dma_semaphore, #tpu.memory_space<semaphore_mem>>
      %dma_start3A_98 = arith.constant 0 : i32
      %dma_start3A_99 = arith.constant 0 : i32
      %dma_start3A_100 = tpu.memref_slice %arg2[%run_scoped3A, %arg1, %dma_start3A_98, %dma_start3A_99] : memref<2x16x160x125xi32, #tpu.memory_space<hbm>> -> memref<1x1x160x125xi32, #tpu.memory_space<hbm>>
      %dma_start3A_101 = tpu.memref_squeeze %dma_start3A_100 : memref<1x1x160x125xi32, #tpu.memory_space<hbm>> -> memref<160x125xi32, #tpu.memory_space<hbm>>
      %dma_start3A_102 = arith.constant 0 : i32
      %dma_start3A_103 = arith.constant 0 : i32
      %dma_start3A_104 = tpu.memref_slice %arg2[%run_scoped3A, %arg1, %dma_start3A_102, %dma_start3A_103] : memref<2x16x160x125xi32, #tpu.memory_space<hbm>> -> memref<1x1x160x125xi32, #tpu.memory_space<hbm>>
      %dma_start3A_105 = tpu.memref_squeeze %dma_start3A_104 : memref<1x1x160x125xi32, #tpu.memory_space<hbm>> -> memref<160x125xi32, #tpu.memory_space<hbm>>
      tpu.enqueue_dma source(%dma_start3A_105 : memref<160x125xi32, #tpu.memory_space<hbm>>) target(%arg6 : memref<160x125xi32, #tpu.memory_space<vmem>>) target_semaphore(%run_scoped3A_97 : memref<!tpu.dma_semaphore, #tpu.memory_space<semaphore_mem>>)
      %dma_wait3A_106 = arith.constant 0 : i32
      %dma_wait3A_107 = arith.constant 0 : i32
      %dma_wait3A_108 = tpu.memref_slice %arg2[%run_scoped3A, %arg1, %dma_wait3A_106, %dma_wait3A_107] : memref<2x16x160x125xi32, #tpu.memory_space<hbm>> -> memref<1x1x160x125xi32, #tpu.memory_space<hbm>>
      %dma_wait3A_109 = tpu.memref_squeeze %dma_wait3A_108 : memref<1x1x160x125xi32, #tpu.memory_space<hbm>> -> memref<160x125xi32, #tpu.memory_space<hbm>>
      %dma_wait3A_110 = arith.constant 0 : i32
      %dma_wait3A_111 = arith.constant 0 : i32
      %dma_wait3A_112 = tpu.memref_slice %arg2[%run_scoped3A, %arg1, %dma_wait3A_110, %dma_wait3A_111] : memref<2x16x160x125xi32, #tpu.memory_space<hbm>> -> memref<1x1x160x125xi32, #tpu.memory_space<hbm>>
      %dma_wait3A_113 = tpu.memref_squeeze %dma_wait3A_112 : memref<1x1x160x125xi32, #tpu.memory_space<hbm>> -> memref<160x125xi32, #tpu.memory_space<hbm>>
      tpu.wait_dma2 semaphore(%run_scoped3A_97 : memref<!tpu.dma_semaphore, #tpu.memory_space<semaphore_mem>>) src(%dma_wait3A_113 : memref<160x125xi32, #tpu.memory_space<hbm>>) dst(%arg6 : memref<160x125xi32, #tpu.memory_space<vmem>>)
      tpu.yield
    }) : () -> ()
    %run_scoped3A_0 = arith.constant 1 : i32
    "tpu.region"() ({
      %run_scoped3A_97 = tpu.sem_alloc : memref<!tpu.dma_semaphore, #tpu.memory_space<semaphore_mem>>
      %dma_start3A_98 = arith.constant 0 : i32
      %dma_start3A_99 = arith.constant 0 : i32
      %dma_start3A_100 = tpu.memref_slice %arg2[%run_scoped3A_0, %arg1, %dma_start3A_98, %dma_start3A_99] : memref<2x16x160x125xi32, #tpu.memory_space<hbm>> -> memref<1x1x160x125xi32, #tpu.memory_space<hbm>>
      %dma_start3A_101 = tpu.memref_squeeze %dma_start3A_100 : memref<1x1x160x125xi32, #tpu.memory_space<hbm>> -> memref<160x125xi32, #tpu.memory_space<hbm>>
      %dma_start3A_102 = arith.constant 0 : i32
      %dma_start3A_103 = arith.constant 0 : i32
      %dma_start3A_104 = tpu.memref_slice %arg2[%run_scoped3A_0, %arg1, %dma_start3A_102, %dma_start3A_103] : memref<2x16x160x125xi32, #tpu.memory_space<hbm>> -> memref<1x1x160x125xi32, #tpu.memory_space<hbm>>
      %dma_start3A_105 = tpu.memref_squeeze %dma_start3A_104 : memref<1x1x160x125xi32, #tpu.memory_space<hbm>> -> memref<160x125xi32, #tpu.memory_space<hbm>>
      tpu.enqueue_dma source(%dma_start3A_105 : memref<160x125xi32, #tpu.memory_space<hbm>>) target(%arg7 : memref<160x125xi32, #tpu.memory_space<vmem>>) target_semaphore(%run_scoped3A_97 : memref<!tpu.dma_semaphore, #tpu.memory_space<semaphore_mem>>)
      %dma_wait3A_106 = arith.constant 0 : i32
      %dma_wait3A_107 = arith.constant 0 : i32
      %dma_wait3A_108 = tpu.memref_slice %arg2[%run_scoped3A_0, %arg1, %dma_wait3A_106, %dma_wait3A_107] : memref<2x16x160x125xi32, #tpu.memory_space<hbm>> -> memref<1x1x160x125xi32, #tpu.memory_space<hbm>>
      %dma_wait3A_109 = tpu.memref_squeeze %dma_wait3A_108 : memref<1x1x160x125xi32, #tpu.memory_space<hbm>> -> memref<160x125xi32, #tpu.memory_space<hbm>>
      %dma_wait3A_110 = arith.constant 0 : i32
      %dma_wait3A_111 = arith.constant 0 : i32
      %dma_wait3A_112 = tpu.memref_slice %arg2[%run_scoped3A_0, %arg1, %dma_wait3A_110, %dma_wait3A_111] : memref<2x16x160x125xi32, #tpu.memory_space<hbm>> -> memref<1x1x160x125xi32, #tpu.memory_space<hbm>>
      %dma_wait3A_113 = tpu.memref_squeeze %dma_wait3A_112 : memref<1x1x160x125xi32, #tpu.memory_space<hbm>> -> memref<160x125xi32, #tpu.memory_space<hbm>>
      tpu.wait_dma2 semaphore(%run_scoped3A_97 : memref<!tpu.dma_semaphore, #tpu.memory_space<semaphore_mem>>) src(%dma_wait3A_113 : memref<160x125xi32, #tpu.memory_space<hbm>>) dst(%arg7 : memref<160x125xi32, #tpu.memory_space<vmem>>)
      tpu.yield
    }) : () -> ()
    %mul3A = arith.constant 640 : i32
    %mul3A_1 = arith.muli %arg1, %mul3A : i32
    "tpu.region"() ({
      %run_scoped3A_97 = tpu.sem_alloc : memref<!tpu.dma_semaphore, #tpu.memory_space<semaphore_mem>>
      %dma_start3A_98 = arith.constant 0 : i32
      %dma_start3A_99 = tpu.memref_slice %arg9[%mul3A_1, %dma_start3A_98] : memref<10240x64xf32, #tpu.memory_space<vmem_shared>> -> memref<640x64xf32, #tpu.memory_space<vmem_shared>>
      tpu.enqueue_dma source(%arg4 : memref<640x64xf32, #tpu.memory_space<hbm>>) target(%dma_start3A_99 : memref<640x64xf32, #tpu.memory_space<vmem_shared>>) target_semaphore(%run_scoped3A_97 : memref<!tpu.dma_semaphore, #tpu.memory_space<semaphore_mem>>)
      %dma_wait3A_100 = arith.constant 0 : i32
      %dma_wait3A_101 = tpu.memref_slice %arg9[%mul3A_1, %dma_wait3A_100] : memref<10240x64xf32, #tpu.memory_space<vmem_shared>> -> memref<640x64xf32, #tpu.memory_space<vmem_shared>>
      tpu.wait_dma2 semaphore(%run_scoped3A_97 : memref<!tpu.dma_semaphore, #tpu.memory_space<semaphore_mem>>) src(%arg4 : memref<640x64xf32, #tpu.memory_space<hbm>>) dst(%dma_wait3A_101 : memref<640x64xf32, #tpu.memory_space<vmem_shared>>)
      tpu.yield
    }) : () -> ()
    %barrier3A = arith.constant 0 : index
    tpu.barrier barrier_id(%barrier3A)
    %dma_start3A = arith.constant 0 : i32
    %dma_start3A_2 = arith.constant 0 : i32
    %dma_start3A_3 = arith.constant 0 : i32
    %dma_start3A_4 = arith.constant 0 : i32
    %dma_start3A_5 = arith.constant 0 : i32
    %dma_start3A_6 = tpu.memref_slice %arg8[%dma_start3A_2, %dma_start3A_4, %dma_start3A_5] : memref<5x125x64xf32, #tpu.memory_space<vmem>> -> memref<1x125x64xf32, #tpu.memory_space<vmem>>
    %dma_start3A_7 = tpu.memref_squeeze %dma_start3A_6 : memref<1x125x64xf32, #tpu.memory_space<vmem>> -> memref<125x64xf32, #tpu.memory_space<vmem>>
    %dma_start3A_8 = arith.constant 0 : i32
    %dma_start3A_9 = tpu.memref_slice %arg6[%dma_start3A, %dma_start3A_8] : memref<160x125xi32, #tpu.memory_space<vmem>> -> memref<1x125xi32, #tpu.memory_space<vmem>>
    %dma_start3A_10 = tpu.memref_squeeze %dma_start3A_9 : memref<1x125xi32, #tpu.memory_space<vmem>> -> memref<125xi32, #tpu.memory_space<vmem>>
    %dma_start3A_11 = arith.constant 0 : i32
    %dma_start3A_12 = arith.constant 0 : i32
    %dma_start3A_13 = tpu.memref_slice %arg3[%arg0, %dma_start3A_11, %dma_start3A_12] : memref<2x10000x64xf32, #tpu.memory_space<hbm>> -> memref<1x10000x64xf32, #tpu.memory_space<hbm>>
    %dma_start3A_14 = tpu.memref_squeeze %dma_start3A_13 : memref<1x10000x64xf32, #tpu.memory_space<hbm>> -> memref<10000x64xf32, #tpu.memory_space<hbm>>
    %dma_start3A_15 = arith.constant 0 : i32
    %dma_start3A_16 = arith.constant 0 : i32
    %dma_start3A_17 = tpu.memref_slice %dma_start3A_14[%dma_start3A_15, %dma_start3A_16] : memref<10000x64xf32, #tpu.memory_space<hbm>> -> memref<10000x64xf32, #tpu.memory_space<hbm>>
    %dma_start3A_18 = tpu.memref_slice %arg10[%dma_start3A_3] : memref<5x!tpu.dma_semaphore, #tpu.memory_space<semaphore_mem>> -> memref<1x!tpu.dma_semaphore, #tpu.memory_space<semaphore_mem>>
    %dma_start3A_19 = tpu.memref_squeeze %dma_start3A_18 : memref<1x!tpu.dma_semaphore, #tpu.memory_space<semaphore_mem>> -> memref<!tpu.dma_semaphore, #tpu.memory_space<semaphore_mem>>
    tpu.enqueue_indirect_dma source(%dma_start3A_17 : memref<10000x64xf32, #tpu.memory_space<hbm>>) target(%dma_start3A_7 : memref<125x64xf32, #tpu.memory_space<vmem>>) offsets(%dma_start3A_10 : memref<125xi32, #tpu.memory_space<vmem>>) semaphore(%dma_start3A_19 : memref<!tpu.dma_semaphore, #tpu.memory_space<semaphore_mem>>)
    %dma_start3A_20 = arith.constant 1 : i32
    %dma_start3A_21 = arith.constant 1 : i32
    %dma_start3A_22 = arith.constant 1 : i32
    %dma_start3A_23 = arith.constant 0 : i32
    %dma_start3A_24 = arith.constant 0 : i32
    %dma_start3A_25 = tpu.memref_slice %arg8[%dma_start3A_21, %dma_start3A_23, %dma_start3A_24] : memref<5x125x64xf32, #tpu.memory_space<vmem>> -> memref<1x125x64xf32, #tpu.memory_space<vmem>>
    %dma_start3A_26 = tpu.memref_squeeze %dma_start3A_25 : memref<1x125x64xf32, #tpu.memory_space<vmem>> -> memref<125x64xf32, #tpu.memory_space<vmem>>
    %dma_start3A_27 = arith.constant 0 : i32
    %dma_start3A_28 = tpu.memref_slice %arg6[%dma_start3A_20, %dma_start3A_27] : memref<160x125xi32, #tpu.memory_space<vmem>> -> memref<1x125xi32, #tpu.memory_space<vmem>>
    %dma_start3A_29 = tpu.memref_squeeze %dma_start3A_28 : memref<1x125xi32, #tpu.memory_space<vmem>> -> memref<125xi32, #tpu.memory_space<vmem>>
    %dma_start3A_30 = arith.constant 0 : i32
    %dma_start3A_31 = arith.constant 0 : i32
    %dma_start3A_32 = tpu.memref_slice %arg3[%arg0, %dma_start3A_30, %dma_start3A_31] : memref<2x10000x64xf32, #tpu.memory_space<hbm>> -> memref<1x10000x64xf32, #tpu.memory_space<hbm>>
    %dma_start3A_33 = tpu.memref_squeeze %dma_start3A_32 : memref<1x10000x64xf32, #tpu.memory_space<hbm>> -> memref<10000x64xf32, #tpu.memory_space<hbm>>
    %dma_start3A_34 = arith.constant 0 : i32
    %dma_start3A_35 = arith.constant 0 : i32
    %dma_start3A_36 = tpu.memref_slice %dma_start3A_33[%dma_start3A_34, %dma_start3A_35] : memref<10000x64xf32, #tpu.memory_space<hbm>> -> memref<10000x64xf32, #tpu.memory_space<hbm>>
    %dma_start3A_37 = tpu.memref_slice %arg10[%dma_start3A_22] : memref<5x!tpu.dma_semaphore, #tpu.memory_space<semaphore_mem>> -> memref<1x!tpu.dma_semaphore, #tpu.memory_space<semaphore_mem>>
    %dma_start3A_38 = tpu.memref_squeeze %dma_start3A_37 : memref<1x!tpu.dma_semaphore, #tpu.memory_space<semaphore_mem>> -> memref<!tpu.dma_semaphore, #tpu.memory_space<semaphore_mem>>
    tpu.enqueue_indirect_dma source(%dma_start3A_36 : memref<10000x64xf32, #tpu.memory_space<hbm>>) target(%dma_start3A_26 : memref<125x64xf32, #tpu.memory_space<vmem>>) offsets(%dma_start3A_29 : memref<125xi32, #tpu.memory_space<vmem>>) semaphore(%dma_start3A_38 : memref<!tpu.dma_semaphore, #tpu.memory_space<semaphore_mem>>)
    %dma_start3A_39 = arith.constant 2 : i32
    %dma_start3A_40 = arith.constant 2 : i32
    %dma_start3A_41 = arith.constant 2 : i32
    %dma_start3A_42 = arith.constant 0 : i32
    %dma_start3A_43 = arith.constant 0 : i32
    %dma_start3A_44 = tpu.memref_slice %arg8[%dma_start3A_40, %dma_start3A_42, %dma_start3A_43] : memref<5x125x64xf32, #tpu.memory_space<vmem>> -> memref<1x125x64xf32, #tpu.memory_space<vmem>>
    %dma_start3A_45 = tpu.memref_squeeze %dma_start3A_44 : memref<1x125x64xf32, #tpu.memory_space<vmem>> -> memref<125x64xf32, #tpu.memory_space<vmem>>
    %dma_start3A_46 = arith.constant 0 : i32
    %dma_start3A_47 = tpu.memref_slice %arg6[%dma_start3A_39, %dma_start3A_46] : memref<160x125xi32, #tpu.memory_space<vmem>> -> memref<1x125xi32, #tpu.memory_space<vmem>>
    %dma_start3A_48 = tpu.memref_squeeze %dma_start3A_47 : memref<1x125xi32, #tpu.memory_space<vmem>> -> memref<125xi32, #tpu.memory_space<vmem>>
    %dma_start3A_49 = arith.constant 0 : i32
    %dma_start3A_50 = arith.constant 0 : i32
    %dma_start3A_51 = tpu.memref_slice %arg3[%arg0, %dma_start3A_49, %dma_start3A_50] : memref<2x10000x64xf32, #tpu.memory_space<hbm>> -> memref<1x10000x64xf32, #tpu.memory_space<hbm>>
    %dma_start3A_52 = tpu.memref_squeeze %dma_start3A_51 : memref<1x10000x64xf32, #tpu.memory_space<hbm>> -> memref<10000x64xf32, #tpu.memory_space<hbm>>
    %dma_start3A_53 = arith.constant 0 : i32
    %dma_start3A_54 = arith.constant 0 : i32
    %dma_start3A_55 = tpu.memref_slice %dma_start3A_52[%dma_start3A_53, %dma_start3A_54] : memref<10000x64xf32, #tpu.memory_space<hbm>> -> memref<10000x64xf32, #tpu.memory_space<hbm>>
    %dma_start3A_56 = tpu.memref_slice %arg10[%dma_start3A_41] : memref<5x!tpu.dma_semaphore, #tpu.memory_space<semaphore_mem>> -> memref<1x!tpu.dma_semaphore, #tpu.memory_space<semaphore_mem>>
    %dma_start3A_57 = tpu.memref_squeeze %dma_start3A_56 : memref<1x!tpu.dma_semaphore, #tpu.memory_space<semaphore_mem>> -> memref<!tpu.dma_semaphore, #tpu.memory_space<semaphore_mem>>
    tpu.enqueue_indirect_dma source(%dma_start3A_55 : memref<10000x64xf32, #tpu.memory_space<hbm>>) target(%dma_start3A_45 : memref<125x64xf32, #tpu.memory_space<vmem>>) offsets(%dma_start3A_48 : memref<125xi32, #tpu.memory_space<vmem>>) semaphore(%dma_start3A_57 : memref<!tpu.dma_semaphore, #tpu.memory_space<semaphore_mem>>)
    %scan3A = arith.constant 0 : i32
    %scan3A_58 = arith.constant 0 : i32
    %scan3A_59 = arith.constant 32 : i32
    %scan3A_60 = arith.addi %scan3A_58, %scan3A_59 : i32
    %scan3A_61 = arith.constant 1 : i32
    scf.for %scan3A_97 = %scan3A_58 to %scan3A_60 step %scan3A_61  : i32 {
      %mul3A_98 = arith.constant 5 : i32
      %mul3A_99 = arith.muli %scan3A_97, %mul3A_98 : i32
      %add3A = arith.constant 0 : i32
      %add3A_100 = arith.addi %mul3A_99, %add3A : i32
      %dma_wait3A_101 = arith.constant 0 : i32
      %dma_wait3A_102 = arith.constant 0 : i32
      %dma_wait3A_103 = arith.constant 0 : i32
      %dma_wait3A_104 = arith.constant 0 : i32
      %dma_wait3A_105 = tpu.memref_slice %arg8[%dma_wait3A_101, %dma_wait3A_103, %dma_wait3A_104] : memref<5x125x64xf32, #tpu.memory_space<vmem>> -> memref<1x125x64xf32, #tpu.memory_space<vmem>>
      %dma_wait3A_106 = tpu.memref_squeeze %dma_wait3A_105 : memref<1x125x64xf32, #tpu.memory_space<vmem>> -> memref<125x64xf32, #tpu.memory_space<vmem>>
      %dma_wait3A_107 = arith.constant 0 : i32
      %dma_wait3A_108 = tpu.memref_slice %arg6[%add3A_100, %dma_wait3A_107] : memref<160x125xi32, #tpu.memory_space<vmem>> -> memref<1x125xi32, #tpu.memory_space<vmem>>
      %dma_wait3A_109 = tpu.memref_squeeze %dma_wait3A_108 : memref<1x125xi32, #tpu.memory_space<vmem>> -> memref<125xi32, #tpu.memory_space<vmem>>
      %dma_wait3A_110 = arith.constant 0 : i32
      %dma_wait3A_111 = arith.constant 0 : i32
      %dma_wait3A_112 = tpu.memref_slice %arg3[%arg0, %dma_wait3A_110, %dma_wait3A_111] : memref<2x10000x64xf32, #tpu.memory_space<hbm>> -> memref<1x10000x64xf32, #tpu.memory_space<hbm>>
      %dma_wait3A_113 = tpu.memref_squeeze %dma_wait3A_112 : memref<1x10000x64xf32, #tpu.memory_space<hbm>> -> memref<10000x64xf32, #tpu.memory_space<hbm>>
      %dma_wait3A_114 = arith.constant 0 : i32
      %dma_wait3A_115 = arith.constant 0 : i32
      %dma_wait3A_116 = tpu.memref_slice %dma_wait3A_113[%dma_wait3A_114, %dma_wait3A_115] : memref<10000x64xf32, #tpu.memory_space<hbm>> -> memref<10000x64xf32, #tpu.memory_space<hbm>>
      %dma_wait3A_117 = tpu.memref_slice %arg10[%dma_wait3A_102] : memref<5x!tpu.dma_semaphore, #tpu.memory_space<semaphore_mem>> -> memref<1x!tpu.dma_semaphore, #tpu.memory_space<semaphore_mem>>
      %dma_wait3A_118 = tpu.memref_squeeze %dma_wait3A_117 : memref<1x!tpu.dma_semaphore, #tpu.memory_space<semaphore_mem>> -> memref<!tpu.dma_semaphore, #tpu.memory_space<semaphore_mem>>
      tpu.wait_indirect_dma semaphore(%dma_wait3A_118 : memref<!tpu.dma_semaphore, #tpu.memory_space<semaphore_mem>>) src(%dma_wait3A_116 : memref<10000x64xf32, #tpu.memory_space<hbm>>) dst(%dma_wait3A_106 : memref<125x64xf32, #tpu.memory_space<vmem>>)
      %dma_start3A_119 = arith.constant 0 : i32
      %dma_start3A_120 = arith.constant 0 : i32
      %dma_start3A_121 = arith.constant 0 : i32
      %dma_start3A_122 = arith.constant 0 : i32
      %dma_start3A_123 = tpu.memref_slice %arg8[%dma_start3A_119, %dma_start3A_121, %dma_start3A_122] : memref<5x125x64xf32, #tpu.memory_space<vmem>> -> memref<1x125x64xf32, #tpu.memory_space<vmem>>
      %dma_start3A_124 = tpu.memref_squeeze %dma_start3A_123 : memref<1x125x64xf32, #tpu.memory_space<vmem>> -> memref<125x64xf32, #tpu.memory_space<vmem>>
      %dma_start3A_125 = arith.constant 0 : i32
      %dma_start3A_126 = tpu.memref_slice %arg7[%add3A_100, %dma_start3A_125] : memref<160x125xi32, #tpu.memory_space<vmem>> -> memref<1x125xi32, #tpu.memory_space<vmem>>
      %dma_start3A_127 = tpu.memref_squeeze %dma_start3A_126 : memref<1x125xi32, #tpu.memory_space<vmem>> -> memref<125xi32, #tpu.memory_space<vmem>>
      %dma_start3A_128 = arith.constant 0 : i32
      %dma_start3A_129 = arith.constant 0 : i32
      %dma_start3A_130 = tpu.memref_slice %arg9[%dma_start3A_128, %dma_start3A_129] : memref<10240x64xf32, #tpu.memory_space<vmem_shared>> -> memref<10240x64xf32, #tpu.memory_space<vmem_shared>>
      %dma_start3A_131 = tpu.memref_slice %arg11[%dma_start3A_120] : memref<5x!tpu.dma_semaphore, #tpu.memory_space<semaphore_mem>> -> memref<1x!tpu.dma_semaphore, #tpu.memory_space<semaphore_mem>>
      %dma_start3A_132 = tpu.memref_squeeze %dma_start3A_131 : memref<1x!tpu.dma_semaphore, #tpu.memory_space<semaphore_mem>> -> memref<!tpu.dma_semaphore, #tpu.memory_space<semaphore_mem>>
      tpu.enqueue_indirect_dma source(%dma_start3A_124 : memref<125x64xf32, #tpu.memory_space<vmem>>) target(%dma_start3A_130 : memref<10240x64xf32, #tpu.memory_space<vmem_shared>>) offsets(%dma_start3A_127 : memref<125xi32, #tpu.memory_space<vmem>>) semaphore(%dma_start3A_132 : memref<!tpu.dma_semaphore, #tpu.memory_space<semaphore_mem>>) {add = true}
      %ge3A = arith.constant 2 : i32
      %ge3A_133 = arith.cmpi sge, %add3A_100, %ge3A : i32
      %convert_element_type3A = arith.extui %ge3A_133 : i1 to i32
      %cond3A = arith.constant 0 : i32
      %cond3A_134 = arith.cmpi ne, %convert_element_type3A, %cond3A : i32
      scf.if %cond3A_134 {
        %dma_wait3A_325 = arith.constant 3 : i32
        %dma_wait3A_326 = arith.constant 0 : i32
        %dma_wait3A_327 = arith.constant 3 : i32
        %dma_wait3A_328 = arith.constant 0 : i32
        %dma_wait3A_329 = arith.constant 0 : i32
        %dma_wait3A_330 = tpu.memref_slice %arg8[%dma_wait3A_325, %dma_wait3A_328, %dma_wait3A_329] : memref<5x125x64xf32, #tpu.memory_space<vmem>> -> memref<1x125x64xf32, #tpu.memory_space<vmem>>
        %dma_wait3A_331 = tpu.memref_squeeze %dma_wait3A_330 : memref<1x125x64xf32, #tpu.memory_space<vmem>> -> memref<125x64xf32, #tpu.memory_space<vmem>>
        %dma_wait3A_332 = arith.constant 0 : i32
        %dma_wait3A_333 = tpu.memref_slice %arg7[%dma_wait3A_326, %dma_wait3A_332] : memref<160x125xi32, #tpu.memory_space<vmem>> -> memref<1x125xi32, #tpu.memory_space<vmem>>
        %dma_wait3A_334 = tpu.memref_squeeze %dma_wait3A_333 : memref<1x125xi32, #tpu.memory_space<vmem>> -> memref<125xi32, #tpu.memory_space<vmem>>
        %dma_wait3A_335 = arith.constant 0 : i32
        %dma_wait3A_336 = arith.constant 0 : i32
        %dma_wait3A_337 = tpu.memref_slice %arg9[%dma_wait3A_335, %dma_wait3A_336] : memref<10240x64xf32, #tpu.memory_space<vmem_shared>> -> memref<10240x64xf32, #tpu.memory_space<vmem_shared>>
        %dma_wait3A_338 = tpu.memref_slice %arg11[%dma_wait3A_327] : memref<5x!tpu.dma_semaphore, #tpu.memory_space<semaphore_mem>> -> memref<1x!tpu.dma_semaphore, #tpu.memory_space<semaphore_mem>>
        %dma_wait3A_339 = tpu.memref_squeeze %dma_wait3A_338 : memref<1x!tpu.dma_semaphore, #tpu.memory_space<semaphore_mem>> -> memref<!tpu.dma_semaphore, #tpu.memory_space<semaphore_mem>>
        tpu.wait_indirect_dma semaphore(%dma_wait3A_339 : memref<!tpu.dma_semaphore, #tpu.memory_space<semaphore_mem>>) src(%dma_wait3A_331 : memref<125x64xf32, #tpu.memory_space<vmem>>) dst(%dma_wait3A_337 : memref<10240x64xf32, #tpu.memory_space<vmem_shared>>)
      } else {
      }
      %add3A_135 = arith.constant 3 : i32
      %add3A_136 = arith.addi %add3A_100, %add3A_135 : i32
      %lt3A = arith.constant 160 : i32
      %lt3A_137 = arith.cmpi slt, %add3A_136, %lt3A : i32
      %convert_element_type3A_138 = arith.extui %lt3A_137 : i1 to i32
      %cond3A_139 = arith.constant 0 : i32
      %cond3A_140 = arith.cmpi ne, %convert_element_type3A_138, %cond3A_139 : i32
      scf.if %cond3A_140 {
        %add3A_325 = arith.constant 3 : i32
        %add3A_326 = arith.addi %add3A_100, %add3A_325 : i32
        %dma_start3A_327 = arith.constant 3 : i32
        %dma_start3A_328 = arith.constant 3 : i32
        %dma_start3A_329 = arith.constant 0 : i32
        %dma_start3A_330 = arith.constant 0 : i32
        %dma_start3A_331 = tpu.memref_slice %arg8[%dma_start3A_327, %dma_start3A_329, %dma_start3A_330] : memref<5x125x64xf32, #tpu.memory_space<vmem>> -> memref<1x125x64xf32, #tpu.memory_space<vmem>>
        %dma_start3A_332 = tpu.memref_squeeze %dma_start3A_331 : memref<1x125x64xf32, #tpu.memory_space<vmem>> -> memref<125x64xf32, #tpu.memory_space<vmem>>
        %dma_start3A_333 = arith.constant 0 : i32
        %dma_start3A_334 = tpu.memref_slice %arg6[%add3A_326, %dma_start3A_333] : memref<160x125xi32, #tpu.memory_space<vmem>> -> memref<1x125xi32, #tpu.memory_space<vmem>>
        %dma_start3A_335 = tpu.memref_squeeze %dma_start3A_334 : memref<1x125xi32, #tpu.memory_space<vmem>> -> memref<125xi32, #tpu.memory_space<vmem>>
        %dma_start3A_336 = arith.constant 0 : i32
        %dma_start3A_337 = arith.constant 0 : i32
        %dma_start3A_338 = tpu.memref_slice %arg3[%arg0, %dma_start3A_336, %dma_start3A_337] : memref<2x10000x64xf32, #tpu.memory_space<hbm>> -> memref<1x10000x64xf32, #tpu.memory_space<hbm>>
        %dma_start3A_339 = tpu.memref_squeeze %dma_start3A_338 : memref<1x10000x64xf32, #tpu.memory_space<hbm>> -> memref<10000x64xf32, #tpu.memory_space<hbm>>
        %dma_start3A_340 = arith.constant 0 : i32
        %dma_start3A_341 = arith.constant 0 : i32
        %dma_start3A_342 = tpu.memref_slice %dma_start3A_339[%dma_start3A_340, %dma_start3A_341] : memref<10000x64xf32, #tpu.memory_space<hbm>> -> memref<10000x64xf32, #tpu.memory_space<hbm>>
        %dma_start3A_343 = tpu.memref_slice %arg10[%dma_start3A_328] : memref<5x!tpu.dma_semaphore, #tpu.memory_space<semaphore_mem>> -> memref<1x!tpu.dma_semaphore, #tpu.memory_space<semaphore_mem>>
        %dma_start3A_344 = tpu.memref_squeeze %dma_start3A_343 : memref<1x!tpu.dma_semaphore, #tpu.memory_space<semaphore_mem>> -> memref<!tpu.dma_semaphore, #tpu.memory_space<semaphore_mem>>
        tpu.enqueue_indirect_dma source(%dma_start3A_342 : memref<10000x64xf32, #tpu.memory_space<hbm>>) target(%dma_start3A_332 : memref<125x64xf32, #tpu.memory_space<vmem>>) offsets(%dma_start3A_335 : memref<125xi32, #tpu.memory_space<vmem>>) semaphore(%dma_start3A_344 : memref<!tpu.dma_semaphore, #tpu.memory_space<semaphore_mem>>)
      } else {
      }
      %add3A_141 = arith.constant 1 : i32
      %add3A_142 = arith.addi %mul3A_99, %add3A_141 : i32
      %dma_wait3A_143 = arith.constant 1 : i32
      %dma_wait3A_144 = arith.constant 1 : i32
      %dma_wait3A_145 = arith.constant 0 : i32
      %dma_wait3A_146 = arith.constant 0 : i32
      %dma_wait3A_147 = tpu.memref_slice %arg8[%dma_wait3A_143, %dma_wait3A_145, %dma_wait3A_146] : memref<5x125x64xf32, #tpu.memory_space<vmem>> -> memref<1x125x64xf32, #tpu.memory_space<vmem>>
      %dma_wait3A_148 = tpu.memref_squeeze %dma_wait3A_147 : memref<1x125x64xf32, #tpu.memory_space<vmem>> -> memref<125x64xf32, #tpu.memory_space<vmem>>
      %dma_wait3A_149 = arith.constant 0 : i32
      %dma_wait3A_150 = tpu.memref_slice %arg6[%add3A_142, %dma_wait3A_149] : memref<160x125xi32, #tpu.memory_space<vmem>> -> memref<1x125xi32, #tpu.memory_space<vmem>>
      %dma_wait3A_151 = tpu.memref_squeeze %dma_wait3A_150 : memref<1x125xi32, #tpu.memory_space<vmem>> -> memref<125xi32, #tpu.memory_space<vmem>>
      %dma_wait3A_152 = arith.constant 0 : i32
      %dma_wait3A_153 = arith.constant 0 : i32
      %dma_wait3A_154 = tpu.memref_slice %arg3[%arg0, %dma_wait3A_152, %dma_wait3A_153] : memref<2x10000x64xf32, #tpu.memory_space<hbm>> -> memref<1x10000x64xf32, #tpu.memory_space<hbm>>
      %dma_wait3A_155 = tpu.memref_squeeze %dma_wait3A_154 : memref<1x10000x64xf32, #tpu.memory_space<hbm>> -> memref<10000x64xf32, #tpu.memory_space<hbm>>
      %dma_wait3A_156 = arith.constant 0 : i32
      %dma_wait3A_157 = arith.constant 0 : i32
      %dma_wait3A_158 = tpu.memref_slice %dma_wait3A_155[%dma_wait3A_156, %dma_wait3A_157] : memref<10000x64xf32, #tpu.memory_space<hbm>> -> memref<10000x64xf32, #tpu.memory_space<hbm>>
      %dma_wait3A_159 = tpu.memref_slice %arg10[%dma_wait3A_144] : memref<5x!tpu.dma_semaphore, #tpu.memory_space<semaphore_mem>> -> memref<1x!tpu.dma_semaphore, #tpu.memory_space<semaphore_mem>>
      %dma_wait3A_160 = tpu.memref_squeeze %dma_wait3A_159 : memref<1x!tpu.dma_semaphore, #tpu.memory_space<semaphore_mem>> -> memref<!tpu.dma_semaphore, #tpu.memory_space<semaphore_mem>>
      tpu.wait_indirect_dma semaphore(%dma_wait3A_160 : memref<!tpu.dma_semaphore, #tpu.memory_space<semaphore_mem>>) src(%dma_wait3A_158 : memref<10000x64xf32, #tpu.memory_space<hbm>>) dst(%dma_wait3A_148 : memref<125x64xf32, #tpu.memory_space<vmem>>)
      %dma_start3A_161 = arith.constant 1 : i32
      %dma_start3A_162 = arith.constant 1 : i32
      %dma_start3A_163 = arith.constant 0 : i32
      %dma_start3A_164 = arith.constant 0 : i32
      %dma_start3A_165 = tpu.memref_slice %arg8[%dma_start3A_161, %dma_start3A_163, %dma_start3A_164] : memref<5x125x64xf32, #tpu.memory_space<vmem>> -> memref<1x125x64xf32, #tpu.memory_space<vmem>>
      %dma_start3A_166 = tpu.memref_squeeze %dma_start3A_165 : memref<1x125x64xf32, #tpu.memory_space<vmem>> -> memref<125x64xf32, #tpu.memory_space<vmem>>
      %dma_start3A_167 = arith.constant 0 : i32
      %dma_start3A_168 = tpu.memref_slice %arg7[%add3A_142, %dma_start3A_167] : memref<160x125xi32, #tpu.memory_space<vmem>> -> memref<1x125xi32, #tpu.memory_space<vmem>>
      %dma_start3A_169 = tpu.memref_squeeze %dma_start3A_168 : memref<1x125xi32, #tpu.memory_space<vmem>> -> memref<125xi32, #tpu.memory_space<vmem>>
      %dma_start3A_170 = arith.constant 0 : i32
      %dma_start3A_171 = arith.constant 0 : i32
      %dma_start3A_172 = tpu.memref_slice %arg9[%dma_start3A_170, %dma_start3A_171] : memref<10240x64xf32, #tpu.memory_space<vmem_shared>> -> memref<10240x64xf32, #tpu.memory_space<vmem_shared>>
      %dma_start3A_173 = tpu.memref_slice %arg11[%dma_start3A_162] : memref<5x!tpu.dma_semaphore, #tpu.memory_space<semaphore_mem>> -> memref<1x!tpu.dma_semaphore, #tpu.memory_space<semaphore_mem>>
      %dma_start3A_174 = tpu.memref_squeeze %dma_start3A_173 : memref<1x!tpu.dma_semaphore, #tpu.memory_space<semaphore_mem>> -> memref<!tpu.dma_semaphore, #tpu.memory_space<semaphore_mem>>
      tpu.enqueue_indirect_dma source(%dma_start3A_166 : memref<125x64xf32, #tpu.memory_space<vmem>>) target(%dma_start3A_172 : memref<10240x64xf32, #tpu.memory_space<vmem_shared>>) offsets(%dma_start3A_169 : memref<125xi32, #tpu.memory_space<vmem>>) semaphore(%dma_start3A_174 : memref<!tpu.dma_semaphore, #tpu.memory_space<semaphore_mem>>) {add = true}
      %ge3A_175 = arith.constant 2 : i32
      %ge3A_176 = arith.cmpi sge, %add3A_142, %ge3A_175 : i32
      %convert_element_type3A_177 = arith.extui %ge3A_176 : i1 to i32
      %cond3A_178 = arith.constant 0 : i32
      %cond3A_179 = arith.cmpi ne, %convert_element_type3A_177, %cond3A_178 : i32
      scf.if %cond3A_179 {
        %dma_wait3A_325 = arith.constant 4 : i32
        %dma_wait3A_326 = arith.constant 0 : i32
        %dma_wait3A_327 = arith.constant 4 : i32
        %dma_wait3A_328 = arith.constant 0 : i32
        %dma_wait3A_329 = arith.constant 0 : i32
        %dma_wait3A_330 = tpu.memref_slice %arg8[%dma_wait3A_325, %dma_wait3A_328, %dma_wait3A_329] : memref<5x125x64xf32, #tpu.memory_space<vmem>> -> memref<1x125x64xf32, #tpu.memory_space<vmem>>
        %dma_wait3A_331 = tpu.memref_squeeze %dma_wait3A_330 : memref<1x125x64xf32, #tpu.memory_space<vmem>> -> memref<125x64xf32, #tpu.memory_space<vmem>>
        %dma_wait3A_332 = arith.constant 0 : i32
        %dma_wait3A_333 = tpu.memref_slice %arg7[%dma_wait3A_326, %dma_wait3A_332] : memref<160x125xi32, #tpu.memory_space<vmem>> -> memref<1x125xi32, #tpu.memory_space<vmem>>
        %dma_wait3A_334 = tpu.memref_squeeze %dma_wait3A_333 : memref<1x125xi32, #tpu.memory_space<vmem>> -> memref<125xi32, #tpu.memory_space<vmem>>
        %dma_wait3A_335 = arith.constant 0 : i32
        %dma_wait3A_336 = arith.constant 0 : i32
        %dma_wait3A_337 = tpu.memref_slice %arg9[%dma_wait3A_335, %dma_wait3A_336] : memref<10240x64xf32, #tpu.memory_space<vmem_shared>> -> memref<10240x64xf32, #tpu.memory_space<vmem_shared>>
        %dma_wait3A_338 = tpu.memref_slice %arg11[%dma_wait3A_327] : memref<5x!tpu.dma_semaphore, #tpu.memory_space<semaphore_mem>> -> memref<1x!tpu.dma_semaphore, #tpu.memory_space<semaphore_mem>>
        %dma_wait3A_339 = tpu.memref_squeeze %dma_wait3A_338 : memref<1x!tpu.dma_semaphore, #tpu.memory_space<semaphore_mem>> -> memref<!tpu.dma_semaphore, #tpu.memory_space<semaphore_mem>>
        tpu.wait_indirect_dma semaphore(%dma_wait3A_339 : memref<!tpu.dma_semaphore, #tpu.memory_space<semaphore_mem>>) src(%dma_wait3A_331 : memref<125x64xf32, #tpu.memory_space<vmem>>) dst(%dma_wait3A_337 : memref<10240x64xf32, #tpu.memory_space<vmem_shared>>)
      } else {
      }
      %add3A_180 = arith.constant 3 : i32
      %add3A_181 = arith.addi %add3A_142, %add3A_180 : i32
      %lt3A_182 = arith.constant 160 : i32
      %lt3A_183 = arith.cmpi slt, %add3A_181, %lt3A_182 : i32
      %convert_element_type3A_184 = arith.extui %lt3A_183 : i1 to i32
      %cond3A_185 = arith.constant 0 : i32
      %cond3A_186 = arith.cmpi ne, %convert_element_type3A_184, %cond3A_185 : i32
      scf.if %cond3A_186 {
        %add3A_325 = arith.constant 3 : i32
        %add3A_326 = arith.addi %add3A_142, %add3A_325 : i32
        %dma_start3A_327 = arith.constant 4 : i32
        %dma_start3A_328 = arith.constant 4 : i32
        %dma_start3A_329 = arith.constant 0 : i32
        %dma_start3A_330 = arith.constant 0 : i32
        %dma_start3A_331 = tpu.memref_slice %arg8[%dma_start3A_327, %dma_start3A_329, %dma_start3A_330] : memref<5x125x64xf32, #tpu.memory_space<vmem>> -> memref<1x125x64xf32, #tpu.memory_space<vmem>>
        %dma_start3A_332 = tpu.memref_squeeze %dma_start3A_331 : memref<1x125x64xf32, #tpu.memory_space<vmem>> -> memref<125x64xf32, #tpu.memory_space<vmem>>
        %dma_start3A_333 = arith.constant 0 : i32
        %dma_start3A_334 = tpu.memref_slice %arg6[%add3A_326, %dma_start3A_333] : memref<160x125xi32, #tpu.memory_space<vmem>> -> memref<1x125xi32, #tpu.memory_space<vmem>>
        %dma_start3A_335 = tpu.memref_squeeze %dma_start3A_334 : memref<1x125xi32, #tpu.memory_space<vmem>> -> memref<125xi32, #tpu.memory_space<vmem>>
        %dma_start3A_336 = arith.constant 0 : i32
        %dma_start3A_337 = arith.constant 0 : i32
        %dma_start3A_338 = tpu.memref_slice %arg3[%arg0, %dma_start3A_336, %dma_start3A_337] : memref<2x10000x64xf32, #tpu.memory_space<hbm>> -> memref<1x10000x64xf32, #tpu.memory_space<hbm>>
        %dma_start3A_339 = tpu.memref_squeeze %dma_start3A_338 : memref<1x10000x64xf32, #tpu.memory_space<hbm>> -> memref<10000x64xf32, #tpu.memory_space<hbm>>
        %dma_start3A_340 = arith.constant 0 : i32
        %dma_start3A_341 = arith.constant 0 : i32
        %dma_start3A_342 = tpu.memref_slice %dma_start3A_339[%dma_start3A_340, %dma_start3A_341] : memref<10000x64xf32, #tpu.memory_space<hbm>> -> memref<10000x64xf32, #tpu.memory_space<hbm>>
        %dma_start3A_343 = tpu.memref_slice %arg10[%dma_start3A_328] : memref<5x!tpu.dma_semaphore, #tpu.memory_space<semaphore_mem>> -> memref<1x!tpu.dma_semaphore, #tpu.memory_space<semaphore_mem>>
        %dma_start3A_344 = tpu.memref_squeeze %dma_start3A_343 : memref<1x!tpu.dma_semaphore, #tpu.memory_space<semaphore_mem>> -> memref<!tpu.dma_semaphore, #tpu.memory_space<semaphore_mem>>
        tpu.enqueue_indirect_dma source(%dma_start3A_342 : memref<10000x64xf32, #tpu.memory_space<hbm>>) target(%dma_start3A_332 : memref<125x64xf32, #tpu.memory_space<vmem>>) offsets(%dma_start3A_335 : memref<125xi32, #tpu.memory_space<vmem>>) semaphore(%dma_start3A_344 : memref<!tpu.dma_semaphore, #tpu.memory_space<semaphore_mem>>)
      } else {
      }
      %add3A_187 = arith.constant 2 : i32
      %add3A_188 = arith.addi %mul3A_99, %add3A_187 : i32
      %dma_wait3A_189 = arith.constant 2 : i32
      %dma_wait3A_190 = arith.constant 2 : i32
      %dma_wait3A_191 = arith.constant 0 : i32
      %dma_wait3A_192 = arith.constant 0 : i32
      %dma_wait3A_193 = tpu.memref_slice %arg8[%dma_wait3A_189, %dma_wait3A_191, %dma_wait3A_192] : memref<5x125x64xf32, #tpu.memory_space<vmem>> -> memref<1x125x64xf32, #tpu.memory_space<vmem>>
      %dma_wait3A_194 = tpu.memref_squeeze %dma_wait3A_193 : memref<1x125x64xf32, #tpu.memory_space<vmem>> -> memref<125x64xf32, #tpu.memory_space<vmem>>
      %dma_wait3A_195 = arith.constant 0 : i32
      %dma_wait3A_196 = tpu.memref_slice %arg6[%add3A_188, %dma_wait3A_195] : memref<160x125xi32, #tpu.memory_space<vmem>> -> memref<1x125xi32, #tpu.memory_space<vmem>>
      %dma_wait3A_197 = tpu.memref_squeeze %dma_wait3A_196 : memref<1x125xi32, #tpu.memory_space<vmem>> -> memref<125xi32, #tpu.memory_space<vmem>>
      %dma_wait3A_198 = arith.constant 0 : i32
      %dma_wait3A_199 = arith.constant 0 : i32
      %dma_wait3A_200 = tpu.memref_slice %arg3[%arg0, %dma_wait3A_198, %dma_wait3A_199] : memref<2x10000x64xf32, #tpu.memory_space<hbm>> -> memref<1x10000x64xf32, #tpu.memory_space<hbm>>
      %dma_wait3A_201 = tpu.memref_squeeze %dma_wait3A_200 : memref<1x10000x64xf32, #tpu.memory_space<hbm>> -> memref<10000x64xf32, #tpu.memory_space<hbm>>
      %dma_wait3A_202 = arith.constant 0 : i32
      %dma_wait3A_203 = arith.constant 0 : i32
      %dma_wait3A_204 = tpu.memref_slice %dma_wait3A_201[%dma_wait3A_202, %dma_wait3A_203] : memref<10000x64xf32, #tpu.memory_space<hbm>> -> memref<10000x64xf32, #tpu.memory_space<hbm>>
      %dma_wait3A_205 = tpu.memref_slice %arg10[%dma_wait3A_190] : memref<5x!tpu.dma_semaphore, #tpu.memory_space<semaphore_mem>> -> memref<1x!tpu.dma_semaphore, #tpu.memory_space<semaphore_mem>>
      %dma_wait3A_206 = tpu.memref_squeeze %dma_wait3A_205 : memref<1x!tpu.dma_semaphore, #tpu.memory_space<semaphore_mem>> -> memref<!tpu.dma_semaphore, #tpu.memory_space<semaphore_mem>>
      tpu.wait_indirect_dma semaphore(%dma_wait3A_206 : memref<!tpu.dma_semaphore, #tpu.memory_space<semaphore_mem>>) src(%dma_wait3A_204 : memref<10000x64xf32, #tpu.memory_space<hbm>>) dst(%dma_wait3A_194 : memref<125x64xf32, #tpu.memory_space<vmem>>)
      %dma_start3A_207 = arith.constant 2 : i32
      %dma_start3A_208 = arith.constant 2 : i32
      %dma_start3A_209 = arith.constant 0 : i32
      %dma_start3A_210 = arith.constant 0 : i32
      %dma_start3A_211 = tpu.memref_slice %arg8[%dma_start3A_207, %dma_start3A_209, %dma_start3A_210] : memref<5x125x64xf32, #tpu.memory_space<vmem>> -> memref<1x125x64xf32, #tpu.memory_space<vmem>>
      %dma_start3A_212 = tpu.memref_squeeze %dma_start3A_211 : memref<1x125x64xf32, #tpu.memory_space<vmem>> -> memref<125x64xf32, #tpu.memory_space<vmem>>
      %dma_start3A_213 = arith.constant 0 : i32
      %dma_start3A_214 = tpu.memref_slice %arg7[%add3A_188, %dma_start3A_213] : memref<160x125xi32, #tpu.memory_space<vmem>> -> memref<1x125xi32, #tpu.memory_space<vmem>>
      %dma_start3A_215 = tpu.memref_squeeze %dma_start3A_214 : memref<1x125xi32, #tpu.memory_space<vmem>> -> memref<125xi32, #tpu.memory_space<vmem>>
      %dma_start3A_216 = arith.constant 0 : i32
      %dma_start3A_217 = arith.constant 0 : i32
      %dma_start3A_218 = tpu.memref_slice %arg9[%dma_start3A_216, %dma_start3A_217] : memref<10240x64xf32, #tpu.memory_space<vmem_shared>> -> memref<10240x64xf32, #tpu.memory_space<vmem_shared>>
      %dma_start3A_219 = tpu.memref_slice %arg11[%dma_start3A_208] : memref<5x!tpu.dma_semaphore, #tpu.memory_space<semaphore_mem>> -> memref<1x!tpu.dma_semaphore, #tpu.memory_space<semaphore_mem>>
      %dma_start3A_220 = tpu.memref_squeeze %dma_start3A_219 : memref<1x!tpu.dma_semaphore, #tpu.memory_space<semaphore_mem>> -> memref<!tpu.dma_semaphore, #tpu.memory_space<semaphore_mem>>
      tpu.enqueue_indirect_dma source(%dma_start3A_212 : memref<125x64xf32, #tpu.memory_space<vmem>>) target(%dma_start3A_218 : memref<10240x64xf32, #tpu.memory_space<vmem_shared>>) offsets(%dma_start3A_215 : memref<125xi32, #tpu.memory_space<vmem>>) semaphore(%dma_start3A_220 : memref<!tpu.dma_semaphore, #tpu.memory_space<semaphore_mem>>) {add = true}
      %ge3A_221 = arith.constant 2 : i32
      %ge3A_222 = arith.cmpi sge, %add3A_188, %ge3A_221 : i32
      %convert_element_type3A_223 = arith.extui %ge3A_222 : i1 to i32
      %cond3A_224 = arith.constant 0 : i32
      %cond3A_225 = arith.cmpi ne, %convert_element_type3A_223, %cond3A_224 : i32
      scf.if %cond3A_225 {
        %dma_wait3A_325 = arith.constant 0 : i32
        %dma_wait3A_326 = arith.constant 0 : i32
        %dma_wait3A_327 = arith.constant 0 : i32
        %dma_wait3A_328 = arith.constant 0 : i32
        %dma_wait3A_329 = arith.constant 0 : i32
        %dma_wait3A_330 = tpu.memref_slice %arg8[%dma_wait3A_325, %dma_wait3A_328, %dma_wait3A_329] : memref<5x125x64xf32, #tpu.memory_space<vmem>> -> memref<1x125x64xf32, #tpu.memory_space<vmem>>
        %dma_wait3A_331 = tpu.memref_squeeze %dma_wait3A_330 : memref<1x125x64xf32, #tpu.memory_space<vmem>> -> memref<125x64xf32, #tpu.memory_space<vmem>>
        %dma_wait3A_332 = arith.constant 0 : i32
        %dma_wait3A_333 = tpu.memref_slice %arg7[%dma_wait3A_326, %dma_wait3A_332] : memref<160x125xi32, #tpu.memory_space<vmem>> -> memref<1x125xi32, #tpu.memory_space<vmem>>
        %dma_wait3A_334 = tpu.memref_squeeze %dma_wait3A_333 : memref<1x125xi32, #tpu.memory_space<vmem>> -> memref<125xi32, #tpu.memory_space<vmem>>
        %dma_wait3A_335 = arith.constant 0 : i32
        %dma_wait3A_336 = arith.constant 0 : i32
        %dma_wait3A_337 = tpu.memref_slice %arg9[%dma_wait3A_335, %dma_wait3A_336] : memref<10240x64xf32, #tpu.memory_space<vmem_shared>> -> memref<10240x64xf32, #tpu.memory_space<vmem_shared>>
        %dma_wait3A_338 = tpu.memref_slice %arg11[%dma_wait3A_327] : memref<5x!tpu.dma_semaphore, #tpu.memory_space<semaphore_mem>> -> memref<1x!tpu.dma_semaphore, #tpu.memory_space<semaphore_mem>>
        %dma_wait3A_339 = tpu.memref_squeeze %dma_wait3A_338 : memref<1x!tpu.dma_semaphore, #tpu.memory_space<semaphore_mem>> -> memref<!tpu.dma_semaphore, #tpu.memory_space<semaphore_mem>>
        tpu.wait_indirect_dma semaphore(%dma_wait3A_339 : memref<!tpu.dma_semaphore, #tpu.memory_space<semaphore_mem>>) src(%dma_wait3A_331 : memref<125x64xf32, #tpu.memory_space<vmem>>) dst(%dma_wait3A_337 : memref<10240x64xf32, #tpu.memory_space<vmem_shared>>)
      } else {
      }
      %add3A_226 = arith.constant 3 : i32
      %add3A_227 = arith.addi %add3A_188, %add3A_226 : i32
      %lt3A_228 = arith.constant 160 : i32
      %lt3A_229 = arith.cmpi slt, %add3A_227, %lt3A_228 : i32
      %convert_element_type3A_230 = arith.extui %lt3A_229 : i1 to i32
      %cond3A_231 = arith.constant 0 : i32
      %cond3A_232 = arith.cmpi ne, %convert_element_type3A_230, %cond3A_231 : i32
      scf.if %cond3A_232 {
        %add3A_325 = arith.constant 3 : i32
        %add3A_326 = arith.addi %add3A_188, %add3A_325 : i32
        %dma_start3A_327 = arith.constant 0 : i32
        %dma_start3A_328 = arith.constant 0 : i32
        %dma_start3A_329 = arith.constant 0 : i32
        %dma_start3A_330 = arith.constant 0 : i32
        %dma_start3A_331 = tpu.memref_slice %arg8[%dma_start3A_327, %dma_start3A_329, %dma_start3A_330] : memref<5x125x64xf32, #tpu.memory_space<vmem>> -> memref<1x125x64xf32, #tpu.memory_space<vmem>>
        %dma_start3A_332 = tpu.memref_squeeze %dma_start3A_331 : memref<1x125x64xf32, #tpu.memory_space<vmem>> -> memref<125x64xf32, #tpu.memory_space<vmem>>
        %dma_start3A_333 = arith.constant 0 : i32
        %dma_start3A_334 = tpu.memref_slice %arg6[%add3A_326, %dma_start3A_333] : memref<160x125xi32, #tpu.memory_space<vmem>> -> memref<1x125xi32, #tpu.memory_space<vmem>>
        %dma_start3A_335 = tpu.memref_squeeze %dma_start3A_334 : memref<1x125xi32, #tpu.memory_space<vmem>> -> memref<125xi32, #tpu.memory_space<vmem>>
        %dma_start3A_336 = arith.constant 0 : i32
        %dma_start3A_337 = arith.constant 0 : i32
        %dma_start3A_338 = tpu.memref_slice %arg3[%arg0, %dma_start3A_336, %dma_start3A_337] : memref<2x10000x64xf32, #tpu.memory_space<hbm>> -> memref<1x10000x64xf32, #tpu.memory_space<hbm>>
        %dma_start3A_339 = tpu.memref_squeeze %dma_start3A_338 : memref<1x10000x64xf32, #tpu.memory_space<hbm>> -> memref<10000x64xf32, #tpu.memory_space<hbm>>
        %dma_start3A_340 = arith.constant 0 : i32
        %dma_start3A_341 = arith.constant 0 : i32
        %dma_start3A_342 = tpu.memref_slice %dma_start3A_339[%dma_start3A_340, %dma_start3A_341] : memref<10000x64xf32, #tpu.memory_space<hbm>> -> memref<10000x64xf32, #tpu.memory_space<hbm>>
        %dma_start3A_343 = tpu.memref_slice %arg10[%dma_start3A_328] : memref<5x!tpu.dma_semaphore, #tpu.memory_space<semaphore_mem>> -> memref<1x!tpu.dma_semaphore, #tpu.memory_space<semaphore_mem>>
        %dma_start3A_344 = tpu.memref_squeeze %dma_start3A_343 : memref<1x!tpu.dma_semaphore, #tpu.memory_space<semaphore_mem>> -> memref<!tpu.dma_semaphore, #tpu.memory_space<semaphore_mem>>
        tpu.enqueue_indirect_dma source(%dma_start3A_342 : memref<10000x64xf32, #tpu.memory_space<hbm>>) target(%dma_start3A_332 : memref<125x64xf32, #tpu.memory_space<vmem>>) offsets(%dma_start3A_335 : memref<125xi32, #tpu.memory_space<vmem>>) semaphore(%dma_start3A_344 : memref<!tpu.dma_semaphore, #tpu.memory_space<semaphore_mem>>)
      } else {
      }
      %add3A_233 = arith.constant 3 : i32
      %add3A_234 = arith.addi %mul3A_99, %add3A_233 : i32
      %dma_wait3A_235 = arith.constant 3 : i32
      %dma_wait3A_236 = arith.constant 3 : i32
      %dma_wait3A_237 = arith.constant 0 : i32
      %dma_wait3A_238 = arith.constant 0 : i32
      %dma_wait3A_239 = tpu.memref_slice %arg8[%dma_wait3A_235, %dma_wait3A_237, %dma_wait3A_238] : memref<5x125x64xf32, #tpu.memory_space<vmem>> -> memref<1x125x64xf32, #tpu.memory_space<vmem>>
      %dma_wait3A_240 = tpu.memref_squeeze %dma_wait3A_239 : memref<1x125x64xf32, #tpu.memory_space<vmem>> -> memref<125x64xf32, #tpu.memory_space<vmem>>
      %dma_wait3A_241 = arith.constant 0 : i32
      %dma_wait3A_242 = tpu.memref_slice %arg6[%add3A_234, %dma_wait3A_241] : memref<160x125xi32, #tpu.memory_space<vmem>> -> memref<1x125xi32, #tpu.memory_space<vmem>>
      %dma_wait3A_243 = tpu.memref_squeeze %dma_wait3A_242 : memref<1x125xi32, #tpu.memory_space<vmem>> -> memref<125xi32, #tpu.memory_space<vmem>>
      %dma_wait3A_244 = arith.constant 0 : i32
      %dma_wait3A_245 = arith.constant 0 : i32
      %dma_wait3A_246 = tpu.memref_slice %arg3[%arg0, %dma_wait3A_244, %dma_wait3A_245] : memref<2x10000x64xf32, #tpu.memory_space<hbm>> -> memref<1x10000x64xf32, #tpu.memory_space<hbm>>
      %dma_wait3A_247 = tpu.memref_squeeze %dma_wait3A_246 : memref<1x10000x64xf32, #tpu.memory_space<hbm>> -> memref<10000x64xf32, #tpu.memory_space<hbm>>
      %dma_wait3A_248 = arith.constant 0 : i32
      %dma_wait3A_249 = arith.constant 0 : i32
      %dma_wait3A_250 = tpu.memref_slice %dma_wait3A_247[%dma_wait3A_248, %dma_wait3A_249] : memref<10000x64xf32, #tpu.memory_space<hbm>> -> memref<10000x64xf32, #tpu.memory_space<hbm>>
      %dma_wait3A_251 = tpu.memref_slice %arg10[%dma_wait3A_236] : memref<5x!tpu.dma_semaphore, #tpu.memory_space<semaphore_mem>> -> memref<1x!tpu.dma_semaphore, #tpu.memory_space<semaphore_mem>>
      %dma_wait3A_252 = tpu.memref_squeeze %dma_wait3A_251 : memref<1x!tpu.dma_semaphore, #tpu.memory_space<semaphore_mem>> -> memref<!tpu.dma_semaphore, #tpu.memory_space<semaphore_mem>>
      tpu.wait_indirect_dma semaphore(%dma_wait3A_252 : memref<!tpu.dma_semaphore, #tpu.memory_space<semaphore_mem>>) src(%dma_wait3A_250 : memref<10000x64xf32, #tpu.memory_space<hbm>>) dst(%dma_wait3A_240 : memref<125x64xf32, #tpu.memory_space<vmem>>)
      %dma_start3A_253 = arith.constant 3 : i32
      %dma_start3A_254 = arith.constant 3 : i32
      %dma_start3A_255 = arith.constant 0 : i32
      %dma_start3A_256 = arith.constant 0 : i32
      %dma_start3A_257 = tpu.memref_slice %arg8[%dma_start3A_253, %dma_start3A_255, %dma_start3A_256] : memref<5x125x64xf32, #tpu.memory_space<vmem>> -> memref<1x125x64xf32, #tpu.memory_space<vmem>>
      %dma_start3A_258 = tpu.memref_squeeze %dma_start3A_257 : memref<1x125x64xf32, #tpu.memory_space<vmem>> -> memref<125x64xf32, #tpu.memory_space<vmem>>
      %dma_start3A_259 = arith.constant 0 : i32
      %dma_start3A_260 = tpu.memref_slice %arg7[%add3A_234, %dma_start3A_259] : memref<160x125xi32, #tpu.memory_space<vmem>> -> memref<1x125xi32, #tpu.memory_space<vmem>>
      %dma_start3A_261 = tpu.memref_squeeze %dma_start3A_260 : memref<1x125xi32, #tpu.memory_space<vmem>> -> memref<125xi32, #tpu.memory_space<vmem>>
      %dma_start3A_262 = arith.constant 0 : i32
      %dma_start3A_263 = arith.constant 0 : i32
      %dma_start3A_264 = tpu.memref_slice %arg9[%dma_start3A_262, %dma_start3A_263] : memref<10240x64xf32, #tpu.memory_space<vmem_shared>> -> memref<10240x64xf32, #tpu.memory_space<vmem_shared>>
      %dma_start3A_265 = tpu.memref_slice %arg11[%dma_start3A_254] : memref<5x!tpu.dma_semaphore, #tpu.memory_space<semaphore_mem>> -> memref<1x!tpu.dma_semaphore, #tpu.memory_space<semaphore_mem>>
      %dma_start3A_266 = tpu.memref_squeeze %dma_start3A_265 : memref<1x!tpu.dma_semaphore, #tpu.memory_space<semaphore_mem>> -> memref<!tpu.dma_semaphore, #tpu.memory_space<semaphore_mem>>
      tpu.enqueue_indirect_dma source(%dma_start3A_258 : memref<125x64xf32, #tpu.memory_space<vmem>>) target(%dma_start3A_264 : memref<10240x64xf32, #tpu.memory_space<vmem_shared>>) offsets(%dma_start3A_261 : memref<125xi32, #tpu.memory_space<vmem>>) semaphore(%dma_start3A_266 : memref<!tpu.dma_semaphore, #tpu.memory_space<semaphore_mem>>) {add = true}
      %ge3A_267 = arith.constant 2 : i32
      %ge3A_268 = arith.cmpi sge, %add3A_234, %ge3A_267 : i32
      %convert_element_type3A_269 = arith.extui %ge3A_268 : i1 to i32
      %cond3A_270 = arith.constant 0 : i32
      %cond3A_271 = arith.cmpi ne, %convert_element_type3A_269, %cond3A_270 : i32
      scf.if %cond3A_271 {
        %dma_wait3A_325 = arith.constant 1 : i32
        %dma_wait3A_326 = arith.constant 0 : i32
        %dma_wait3A_327 = arith.constant 1 : i32
        %dma_wait3A_328 = arith.constant 0 : i32
        %dma_wait3A_329 = arith.constant 0 : i32
        %dma_wait3A_330 = tpu.memref_slice %arg8[%dma_wait3A_325, %dma_wait3A_328, %dma_wait3A_329] : memref<5x125x64xf32, #tpu.memory_space<vmem>> -> memref<1x125x64xf32, #tpu.memory_space<vmem>>
        %dma_wait3A_331 = tpu.memref_squeeze %dma_wait3A_330 : memref<1x125x64xf32, #tpu.memory_space<vmem>> -> memref<125x64xf32, #tpu.memory_space<vmem>>
        %dma_wait3A_332 = arith.constant 0 : i32
        %dma_wait3A_333 = tpu.memref_slice %arg7[%dma_wait3A_326, %dma_wait3A_332] : memref<160x125xi32, #tpu.memory_space<vmem>> -> memref<1x125xi32, #tpu.memory_space<vmem>>
        %dma_wait3A_334 = tpu.memref_squeeze %dma_wait3A_333 : memref<1x125xi32, #tpu.memory_space<vmem>> -> memref<125xi32, #tpu.memory_space<vmem>>
        %dma_wait3A_335 = arith.constant 0 : i32
        %dma_wait3A_336 = arith.constant 0 : i32
        %dma_wait3A_337 = tpu.memref_slice %arg9[%dma_wait3A_335, %dma_wait3A_336] : memref<10240x64xf32, #tpu.memory_space<vmem_shared>> -> memref<10240x64xf32, #tpu.memory_space<vmem_shared>>
        %dma_wait3A_338 = tpu.memref_slice %arg11[%dma_wait3A_327] : memref<5x!tpu.dma_semaphore, #tpu.memory_space<semaphore_mem>> -> memref<1x!tpu.dma_semaphore, #tpu.memory_space<semaphore_mem>>
        %dma_wait3A_339 = tpu.memref_squeeze %dma_wait3A_338 : memref<1x!tpu.dma_semaphore, #tpu.memory_space<semaphore_mem>> -> memref<!tpu.dma_semaphore, #tpu.memory_space<semaphore_mem>>
        tpu.wait_indirect_dma semaphore(%dma_wait3A_339 : memref<!tpu.dma_semaphore, #tpu.memory_space<semaphore_mem>>) src(%dma_wait3A_331 : memref<125x64xf32, #tpu.memory_space<vmem>>) dst(%dma_wait3A_337 : memref<10240x64xf32, #tpu.memory_space<vmem_shared>>)
      } else {
      }
      %add3A_272 = arith.constant 3 : i32
      %add3A_273 = arith.addi %add3A_234, %add3A_272 : i32
      %lt3A_274 = arith.constant 160 : i32
      %lt3A_275 = arith.cmpi slt, %add3A_273, %lt3A_274 : i32
      %convert_element_type3A_276 = arith.extui %lt3A_275 : i1 to i32
      %cond3A_277 = arith.constant 0 : i32
      %cond3A_278 = arith.cmpi ne, %convert_element_type3A_276, %cond3A_277 : i32
      scf.if %cond3A_278 {
        %add3A_325 = arith.constant 3 : i32
        %add3A_326 = arith.addi %add3A_234, %add3A_325 : i32
        %dma_start3A_327 = arith.constant 1 : i32
        %dma_start3A_328 = arith.constant 1 : i32
        %dma_start3A_329 = arith.constant 0 : i32
        %dma_start3A_330 = arith.constant 0 : i32
        %dma_start3A_331 = tpu.memref_slice %arg8[%dma_start3A_327, %dma_start3A_329, %dma_start3A_330] : memref<5x125x64xf32, #tpu.memory_space<vmem>> -> memref<1x125x64xf32, #tpu.memory_space<vmem>>
        %dma_start3A_332 = tpu.memref_squeeze %dma_start3A_331 : memref<1x125x64xf32, #tpu.memory_space<vmem>> -> memref<125x64xf32, #tpu.memory_space<vmem>>
        %dma_start3A_333 = arith.constant 0 : i32
        %dma_start3A_334 = tpu.memref_slice %arg6[%add3A_326, %dma_start3A_333] : memref<160x125xi32, #tpu.memory_space<vmem>> -> memref<1x125xi32, #tpu.memory_space<vmem>>
        %dma_start3A_335 = tpu.memref_squeeze %dma_start3A_334 : memref<1x125xi32, #tpu.memory_space<vmem>> -> memref<125xi32, #tpu.memory_space<vmem>>
        %dma_start3A_336 = arith.constant 0 : i32
        %dma_start3A_337 = arith.constant 0 : i32
        %dma_start3A_338 = tpu.memref_slice %arg3[%arg0, %dma_start3A_336, %dma_start3A_337] : memref<2x10000x64xf32, #tpu.memory_space<hbm>> -> memref<1x10000x64xf32, #tpu.memory_space<hbm>>
        %dma_start3A_339 = tpu.memref_squeeze %dma_start3A_338 : memref<1x10000x64xf32, #tpu.memory_space<hbm>> -> memref<10000x64xf32, #tpu.memory_space<hbm>>
        %dma_start3A_340 = arith.constant 0 : i32
        %dma_start3A_341 = arith.constant 0 : i32
        %dma_start3A_342 = tpu.memref_slice %dma_start3A_339[%dma_start3A_340, %dma_start3A_341] : memref<10000x64xf32, #tpu.memory_space<hbm>> -> memref<10000x64xf32, #tpu.memory_space<hbm>>
        %dma_start3A_343 = tpu.memref_slice %arg10[%dma_start3A_328] : memref<5x!tpu.dma_semaphore, #tpu.memory_space<semaphore_mem>> -> memref<1x!tpu.dma_semaphore, #tpu.memory_space<semaphore_mem>>
        %dma_start3A_344 = tpu.memref_squeeze %dma_start3A_343 : memref<1x!tpu.dma_semaphore, #tpu.memory_space<semaphore_mem>> -> memref<!tpu.dma_semaphore, #tpu.memory_space<semaphore_mem>>
        tpu.enqueue_indirect_dma source(%dma_start3A_342 : memref<10000x64xf32, #tpu.memory_space<hbm>>) target(%dma_start3A_332 : memref<125x64xf32, #tpu.memory_space<vmem>>) offsets(%dma_start3A_335 : memref<125xi32, #tpu.memory_space<vmem>>) semaphore(%dma_start3A_344 : memref<!tpu.dma_semaphore, #tpu.memory_space<semaphore_mem>>)
      } else {
      }
      %add3A_279 = arith.constant 4 : i32
      %add3A_280 = arith.addi %mul3A_99, %add3A_279 : i32
      %dma_wait3A_281 = arith.constant 4 : i32
      %dma_wait3A_282 = arith.constant 4 : i32
      %dma_wait3A_283 = arith.constant 0 : i32
      %dma_wait3A_284 = arith.constant 0 : i32
      %dma_wait3A_285 = tpu.memref_slice %arg8[%dma_wait3A_281, %dma_wait3A_283, %dma_wait3A_284] : memref<5x125x64xf32, #tpu.memory_space<vmem>> -> memref<1x125x64xf32, #tpu.memory_space<vmem>>
      %dma_wait3A_286 = tpu.memref_squeeze %dma_wait3A_285 : memref<1x125x64xf32, #tpu.memory_space<vmem>> -> memref<125x64xf32, #tpu.memory_space<vmem>>
      %dma_wait3A_287 = arith.constant 0 : i32
      %dma_wait3A_288 = tpu.memref_slice %arg6[%add3A_280, %dma_wait3A_287] : memref<160x125xi32, #tpu.memory_space<vmem>> -> memref<1x125xi32, #tpu.memory_space<vmem>>
      %dma_wait3A_289 = tpu.memref_squeeze %dma_wait3A_288 : memref<1x125xi32, #tpu.memory_space<vmem>> -> memref<125xi32, #tpu.memory_space<vmem>>
      %dma_wait3A_290 = arith.constant 0 : i32
      %dma_wait3A_291 = arith.constant 0 : i32
      %dma_wait3A_292 = tpu.memref_slice %arg3[%arg0, %dma_wait3A_290, %dma_wait3A_291] : memref<2x10000x64xf32, #tpu.memory_space<hbm>> -> memref<1x10000x64xf32, #tpu.memory_space<hbm>>
      %dma_wait3A_293 = tpu.memref_squeeze %dma_wait3A_292 : memref<1x10000x64xf32, #tpu.memory_space<hbm>> -> memref<10000x64xf32, #tpu.memory_space<hbm>>
      %dma_wait3A_294 = arith.constant 0 : i32
      %dma_wait3A_295 = arith.constant 0 : i32
      %dma_wait3A_296 = tpu.memref_slice %dma_wait3A_293[%dma_wait3A_294, %dma_wait3A_295] : memref<10000x64xf32, #tpu.memory_space<hbm>> -> memref<10000x64xf32, #tpu.memory_space<hbm>>
      %dma_wait3A_297 = tpu.memref_slice %arg10[%dma_wait3A_282] : memref<5x!tpu.dma_semaphore, #tpu.memory_space<semaphore_mem>> -> memref<1x!tpu.dma_semaphore, #tpu.memory_space<semaphore_mem>>
      %dma_wait3A_298 = tpu.memref_squeeze %dma_wait3A_297 : memref<1x!tpu.dma_semaphore, #tpu.memory_space<semaphore_mem>> -> memref<!tpu.dma_semaphore, #tpu.memory_space<semaphore_mem>>
      tpu.wait_indirect_dma semaphore(%dma_wait3A_298 : memref<!tpu.dma_semaphore, #tpu.memory_space<semaphore_mem>>) src(%dma_wait3A_296 : memref<10000x64xf32, #tpu.memory_space<hbm>>) dst(%dma_wait3A_286 : memref<125x64xf32, #tpu.memory_space<vmem>>)
      %dma_start3A_299 = arith.constant 4 : i32
      %dma_start3A_300 = arith.constant 4 : i32
      %dma_start3A_301 = arith.constant 0 : i32
      %dma_start3A_302 = arith.constant 0 : i32
      %dma_start3A_303 = tpu.memref_slice %arg8[%dma_start3A_299, %dma_start3A_301, %dma_start3A_302] : memref<5x125x64xf32, #tpu.memory_space<vmem>> -> memref<1x125x64xf32, #tpu.memory_space<vmem>>
      %dma_start3A_304 = tpu.memref_squeeze %dma_start3A_303 : memref<1x125x64xf32, #tpu.memory_space<vmem>> -> memref<125x64xf32, #tpu.memory_space<vmem>>
      %dma_start3A_305 = arith.constant 0 : i32
      %dma_start3A_306 = tpu.memref_slice %arg7[%add3A_280, %dma_start3A_305] : memref<160x125xi32, #tpu.memory_space<vmem>> -> memref<1x125xi32, #tpu.memory_space<vmem>>
      %dma_start3A_307 = tpu.memref_squeeze %dma_start3A_306 : memref<1x125xi32, #tpu.memory_space<vmem>> -> memref<125xi32, #tpu.memory_space<vmem>>
      %dma_start3A_308 = arith.constant 0 : i32
      %dma_start3A_309 = arith.constant 0 : i32
      %dma_start3A_310 = tpu.memref_slice %arg9[%dma_start3A_308, %dma_start3A_309] : memref<10240x64xf32, #tpu.memory_space<vmem_shared>> -> memref<10240x64xf32, #tpu.memory_space<vmem_shared>>
      %dma_start3A_311 = tpu.memref_slice %arg11[%dma_start3A_300] : memref<5x!tpu.dma_semaphore, #tpu.memory_space<semaphore_mem>> -> memref<1x!tpu.dma_semaphore, #tpu.memory_space<semaphore_mem>>
      %dma_start3A_312 = tpu.memref_squeeze %dma_start3A_311 : memref<1x!tpu.dma_semaphore, #tpu.memory_space<semaphore_mem>> -> memref<!tpu.dma_semaphore, #tpu.memory_space<semaphore_mem>>
      tpu.enqueue_indirect_dma source(%dma_start3A_304 : memref<125x64xf32, #tpu.memory_space<vmem>>) target(%dma_start3A_310 : memref<10240x64xf32, #tpu.memory_space<vmem_shared>>) offsets(%dma_start3A_307 : memref<125xi32, #tpu.memory_space<vmem>>) semaphore(%dma_start3A_312 : memref<!tpu.dma_semaphore, #tpu.memory_space<semaphore_mem>>) {add = true}
      %ge3A_313 = arith.constant 2 : i32
      %ge3A_314 = arith.cmpi sge, %add3A_280, %ge3A_313 : i32
      %convert_element_type3A_315 = arith.extui %ge3A_314 : i1 to i32
      %cond3A_316 = arith.constant 0 : i32
      %cond3A_317 = arith.cmpi ne, %convert_element_type3A_315, %cond3A_316 : i32
      scf.if %cond3A_317 {
        %dma_wait3A_325 = arith.constant 2 : i32
        %dma_wait3A_326 = arith.constant 0 : i32
        %dma_wait3A_327 = arith.constant 2 : i32
        %dma_wait3A_328 = arith.constant 0 : i32
        %dma_wait3A_329 = arith.constant 0 : i32
        %dma_wait3A_330 = tpu.memref_slice %arg8[%dma_wait3A_325, %dma_wait3A_328, %dma_wait3A_329] : memref<5x125x64xf32, #tpu.memory_space<vmem>> -> memref<1x125x64xf32, #tpu.memory_space<vmem>>
        %dma_wait3A_331 = tpu.memref_squeeze %dma_wait3A_330 : memref<1x125x64xf32, #tpu.memory_space<vmem>> -> memref<125x64xf32, #tpu.memory_space<vmem>>
        %dma_wait3A_332 = arith.constant 0 : i32
        %dma_wait3A_333 = tpu.memref_slice %arg7[%dma_wait3A_326, %dma_wait3A_332] : memref<160x125xi32, #tpu.memory_space<vmem>> -> memref<1x125xi32, #tpu.memory_space<vmem>>
        %dma_wait3A_334 = tpu.memref_squeeze %dma_wait3A_333 : memref<1x125xi32, #tpu.memory_space<vmem>> -> memref<125xi32, #tpu.memory_space<vmem>>
        %dma_wait3A_335 = arith.constant 0 : i32
        %dma_wait3A_336 = arith.constant 0 : i32
        %dma_wait3A_337 = tpu.memref_slice %arg9[%dma_wait3A_335, %dma_wait3A_336] : memref<10240x64xf32, #tpu.memory_space<vmem_shared>> -> memref<10240x64xf32, #tpu.memory_space<vmem_shared>>
        %dma_wait3A_338 = tpu.memref_slice %arg11[%dma_wait3A_327] : memref<5x!tpu.dma_semaphore, #tpu.memory_space<semaphore_mem>> -> memref<1x!tpu.dma_semaphore, #tpu.memory_space<semaphore_mem>>
        %dma_wait3A_339 = tpu.memref_squeeze %dma_wait3A_338 : memref<1x!tpu.dma_semaphore, #tpu.memory_space<semaphore_mem>> -> memref<!tpu.dma_semaphore, #tpu.memory_space<semaphore_mem>>
        tpu.wait_indirect_dma semaphore(%dma_wait3A_339 : memref<!tpu.dma_semaphore, #tpu.memory_space<semaphore_mem>>) src(%dma_wait3A_331 : memref<125x64xf32, #tpu.memory_space<vmem>>) dst(%dma_wait3A_337 : memref<10240x64xf32, #tpu.memory_space<vmem_shared>>)
      } else {
      }
      %add3A_318 = arith.constant 3 : i32
      %add3A_319 = arith.addi %add3A_280, %add3A_318 : i32
      %lt3A_320 = arith.constant 160 : i32
      %lt3A_321 = arith.cmpi slt, %add3A_319, %lt3A_320 : i32
      %convert_element_type3A_322 = arith.extui %lt3A_321 : i1 to i32
      %cond3A_323 = arith.constant 0 : i32
      %cond3A_324 = arith.cmpi ne, %convert_element_type3A_322, %cond3A_323 : i32
      scf.if %cond3A_324 {
        %add3A_325 = arith.constant 3 : i32
        %add3A_326 = arith.addi %add3A_280, %add3A_325 : i32
        %dma_start3A_327 = arith.constant 2 : i32
        %dma_start3A_328 = arith.constant 2 : i32
        %dma_start3A_329 = arith.constant 0 : i32
        %dma_start3A_330 = arith.constant 0 : i32
        %dma_start3A_331 = tpu.memref_slice %arg8[%dma_start3A_327, %dma_start3A_329, %dma_start3A_330] : memref<5x125x64xf32, #tpu.memory_space<vmem>> -> memref<1x125x64xf32, #tpu.memory_space<vmem>>
        %dma_start3A_332 = tpu.memref_squeeze %dma_start3A_331 : memref<1x125x64xf32, #tpu.memory_space<vmem>> -> memref<125x64xf32, #tpu.memory_space<vmem>>
        %dma_start3A_333 = arith.constant 0 : i32
        %dma_start3A_334 = tpu.memref_slice %arg6[%add3A_326, %dma_start3A_333] : memref<160x125xi32, #tpu.memory_space<vmem>> -> memref<1x125xi32, #tpu.memory_space<vmem>>
        %dma_start3A_335 = tpu.memref_squeeze %dma_start3A_334 : memref<1x125xi32, #tpu.memory_space<vmem>> -> memref<125xi32, #tpu.memory_space<vmem>>
        %dma_start3A_336 = arith.constant 0 : i32
        %dma_start3A_337 = arith.constant 0 : i32
        %dma_start3A_338 = tpu.memref_slice %arg3[%arg0, %dma_start3A_336, %dma_start3A_337] : memref<2x10000x64xf32, #tpu.memory_space<hbm>> -> memref<1x10000x64xf32, #tpu.memory_space<hbm>>
        %dma_start3A_339 = tpu.memref_squeeze %dma_start3A_338 : memref<1x10000x64xf32, #tpu.memory_space<hbm>> -> memref<10000x64xf32, #tpu.memory_space<hbm>>
        %dma_start3A_340 = arith.constant 0 : i32
        %dma_start3A_341 = arith.constant 0 : i32
        %dma_start3A_342 = tpu.memref_slice %dma_start3A_339[%dma_start3A_340, %dma_start3A_341] : memref<10000x64xf32, #tpu.memory_space<hbm>> -> memref<10000x64xf32, #tpu.memory_space<hbm>>
        %dma_start3A_343 = tpu.memref_slice %arg10[%dma_start3A_328] : memref<5x!tpu.dma_semaphore, #tpu.memory_space<semaphore_mem>> -> memref<1x!tpu.dma_semaphore, #tpu.memory_space<semaphore_mem>>
        %dma_start3A_344 = tpu.memref_squeeze %dma_start3A_343 : memref<1x!tpu.dma_semaphore, #tpu.memory_space<semaphore_mem>> -> memref<!tpu.dma_semaphore, #tpu.memory_space<semaphore_mem>>
        tpu.enqueue_indirect_dma source(%dma_start3A_342 : memref<10000x64xf32, #tpu.memory_space<hbm>>) target(%dma_start3A_332 : memref<125x64xf32, #tpu.memory_space<vmem>>) offsets(%dma_start3A_335 : memref<125xi32, #tpu.memory_space<vmem>>) semaphore(%dma_start3A_344 : memref<!tpu.dma_semaphore, #tpu.memory_space<semaphore_mem>>)
      } else {
      }
    }
    %scan3A_62 = arith.constant 32 : i32
    %dma_wait3A = arith.constant 3 : i32
    %dma_wait3A_63 = arith.constant 0 : i32
    %dma_wait3A_64 = arith.constant 3 : i32
    %dma_wait3A_65 = arith.constant 0 : i32
    %dma_wait3A_66 = arith.constant 0 : i32
    %dma_wait3A_67 = tpu.memref_slice %arg8[%dma_wait3A, %dma_wait3A_65, %dma_wait3A_66] : memref<5x125x64xf32, #tpu.memory_space<vmem>> -> memref<1x125x64xf32, #tpu.memory_space<vmem>>
    %dma_wait3A_68 = tpu.memref_squeeze %dma_wait3A_67 : memref<1x125x64xf32, #tpu.memory_space<vmem>> -> memref<125x64xf32, #tpu.memory_space<vmem>>
    %dma_wait3A_69 = arith.constant 0 : i32
    %dma_wait3A_70 = tpu.memref_slice %arg7[%dma_wait3A_63, %dma_wait3A_69] : memref<160x125xi32, #tpu.memory_space<vmem>> -> memref<1x125xi32, #tpu.memory_space<vmem>>
    %dma_wait3A_71 = tpu.memref_squeeze %dma_wait3A_70 : memref<1x125xi32, #tpu.memory_space<vmem>> -> memref<125xi32, #tpu.memory_space<vmem>>
    %dma_wait3A_72 = arith.constant 0 : i32
    %dma_wait3A_73 = arith.constant 0 : i32
    %dma_wait3A_74 = tpu.memref_slice %arg9[%dma_wait3A_72, %dma_wait3A_73] : memref<10240x64xf32, #tpu.memory_space<vmem_shared>> -> memref<10240x64xf32, #tpu.memory_space<vmem_shared>>
    %dma_wait3A_75 = tpu.memref_slice %arg11[%dma_wait3A_64] : memref<5x!tpu.dma_semaphore, #tpu.memory_space<semaphore_mem>> -> memref<1x!tpu.dma_semaphore, #tpu.memory_space<semaphore_mem>>
    %dma_wait3A_76 = tpu.memref_squeeze %dma_wait3A_75 : memref<1x!tpu.dma_semaphore, #tpu.memory_space<semaphore_mem>> -> memref<!tpu.dma_semaphore, #tpu.memory_space<semaphore_mem>>
    tpu.wait_indirect_dma semaphore(%dma_wait3A_76 : memref<!tpu.dma_semaphore, #tpu.memory_space<semaphore_mem>>) src(%dma_wait3A_68 : memref<125x64xf32, #tpu.memory_space<vmem>>) dst(%dma_wait3A_74 : memref<10240x64xf32, #tpu.memory_space<vmem_shared>>)
    %dma_wait3A_77 = arith.constant 4 : i32
    %dma_wait3A_78 = arith.constant 0 : i32
    %dma_wait3A_79 = arith.constant 4 : i32
    %dma_wait3A_80 = arith.constant 0 : i32
    %dma_wait3A_81 = arith.constant 0 : i32
    %dma_wait3A_82 = tpu.memref_slice %arg8[%dma_wait3A_77, %dma_wait3A_80, %dma_wait3A_81] : memref<5x125x64xf32, #tpu.memory_space<vmem>> -> memref<1x125x64xf32, #tpu.memory_space<vmem>>
    %dma_wait3A_83 = tpu.memref_squeeze %dma_wait3A_82 : memref<1x125x64xf32, #tpu.memory_space<vmem>> -> memref<125x64xf32, #tpu.memory_space<vmem>>
    %dma_wait3A_84 = arith.constant 0 : i32
    %dma_wait3A_85 = tpu.memref_slice %arg7[%dma_wait3A_78, %dma_wait3A_84] : memref<160x125xi32, #tpu.memory_space<vmem>> -> memref<1x125xi32, #tpu.memory_space<vmem>>
    %dma_wait3A_86 = tpu.memref_squeeze %dma_wait3A_85 : memref<1x125xi32, #tpu.memory_space<vmem>> -> memref<125xi32, #tpu.memory_space<vmem>>
    %dma_wait3A_87 = arith.constant 0 : i32
    %dma_wait3A_88 = arith.constant 0 : i32
    %dma_wait3A_89 = tpu.memref_slice %arg9[%dma_wait3A_87, %dma_wait3A_88] : memref<10240x64xf32, #tpu.memory_space<vmem_shared>> -> memref<10240x64xf32, #tpu.memory_space<vmem_shared>>
    %dma_wait3A_90 = tpu.memref_slice %arg11[%dma_wait3A_79] : memref<5x!tpu.dma_semaphore, #tpu.memory_space<semaphore_mem>> -> memref<1x!tpu.dma_semaphore, #tpu.memory_space<semaphore_mem>>
    %dma_wait3A_91 = tpu.memref_squeeze %dma_wait3A_90 : memref<1x!tpu.dma_semaphore, #tpu.memory_space<semaphore_mem>> -> memref<!tpu.dma_semaphore, #tpu.memory_space<semaphore_mem>>
    tpu.wait_indirect_dma semaphore(%dma_wait3A_91 : memref<!tpu.dma_semaphore, #tpu.memory_space<semaphore_mem>>) src(%dma_wait3A_83 : memref<125x64xf32, #tpu.memory_space<vmem>>) dst(%dma_wait3A_89 : memref<10240x64xf32, #tpu.memory_space<vmem_shared>>)
    %barrier3A_92 = arith.constant 0 : index
    tpu.barrier barrier_id(%barrier3A_92)
    %mul3A_93 = arith.constant 640 : i32
    %mul3A_94 = arith.muli %arg1, %mul3A_93 : i32
    %mul3A_95 = arith.constant 64 : i32
    %mul3A_96 = arith.muli %arg0, %mul3A_95 : i32
    "tpu.region"() ({
      %run_scoped3A_97 = tpu.sem_alloc : memref<!tpu.dma_semaphore, #tpu.memory_space<semaphore_mem>>
      %dma_start3A_98 = tpu.memref_slice %arg5[%mul3A_94, %mul3A_96] : memref<10240x128xf32, #tpu.memory_space<hbm>> -> memref<640x64xf32, #tpu.memory_space<hbm>>
      %dma_start3A_99 = arith.constant 0 : i32
      %dma_start3A_100 = tpu.memref_slice %arg9[%mul3A_94, %dma_start3A_99] : memref<10240x64xf32, #tpu.memory_space<vmem_shared>> -> memref<640x64xf32, #tpu.memory_space<vmem_shared>>
      tpu.enqueue_dma source(%dma_start3A_100 : memref<640x64xf32, #tpu.memory_space<vmem_shared>>) target(%dma_start3A_98 : memref<640x64xf32, #tpu.memory_space<hbm>>) target_semaphore(%run_scoped3A_97 : memref<!tpu.dma_semaphore, #tpu.memory_space<semaphore_mem>>)
      %dma_wait3A_101 = tpu.memref_slice %arg5[%mul3A_94, %mul3A_96] : memref<10240x128xf32, #tpu.memory_space<hbm>> -> memref<640x64xf32, #tpu.memory_space<hbm>>
      %dma_wait3A_102 = arith.constant 0 : i32
      %dma_wait3A_103 = tpu.memref_slice %arg9[%mul3A_94, %dma_wait3A_102] : memref<10240x64xf32, #tpu.memory_space<vmem_shared>> -> memref<640x64xf32, #tpu.memory_space<vmem_shared>>
      tpu.wait_dma2 semaphore(%run_scoped3A_97 : memref<!tpu.dma_semaphore, #tpu.memory_space<semaphore_mem>>) src(%dma_wait3A_103 : memref<640x64xf32, #tpu.memory_space<vmem_shared>>) dst(%dma_wait3A_101 : memref<640x64xf32, #tpu.memory_space<hbm>>)
      tpu.yield
    }) : () -> ()
    return
  }
}

#map = affine_map<(d0, d1) -> (0, 0, 0, 0)>
#map1 = affine_map<(d0, d1) -> (0, 0)>
#map2 = affine_map<(d0, d1) -> (0, 0, 0)>
module attributes {stable_mosaic.version = 14 : i64} {
  func.func @_sc_cnt(%arg0: i32, %arg1: i32, %arg2: memref<2x16x160x125xi32, #tpu.memory_space<hbm>>, %arg3: memref<640x16xf32, #tpu.memory_space<hbm>>, %arg4: memref<125x16xf32, #tpu.memory_space<hbm>>, %arg5: memref<2x10240x16xf32, #tpu.memory_space<hbm>>, %arg6: memref<160x125xi32, #tpu.memory_space<vmem>>, %arg7: memref<125x16xf32, #tpu.memory_space<vmem>>, %arg8: memref<10240x16xf32, #tpu.memory_space<vmem_shared>>, %arg9: memref<4x!tpu.dma_semaphore, #tpu.memory_space<semaphore_mem>>) attributes {dimension_semantics = [#tpu.dimension_semantics<core_parallel>, #tpu.dimension_semantics<subcore_parallel>], iteration_bounds = array<i64: 2, 16>, scalar_prefetch = 0 : i64, scratch_operands = 4 : i64, tpu.core_type = #tpu.core_type<sc_vector_subcore>, window_params = [{transform_indices = #map}, {transform_indices = #map1}, {transform_indices = #map1}, {transform_indices = #map2}]} {
    %run_scoped3A = arith.constant 1 : i32
    "tpu.region"() ({
      %run_scoped3A_50 = tpu.sem_alloc : memref<!tpu.dma_semaphore, #tpu.memory_space<semaphore_mem>>
      %dma_start3A = arith.constant 0 : i32
      %dma_start3A_51 = arith.constant 0 : i32
      %dma_start3A_52 = tpu.memref_slice %arg2[%run_scoped3A, %arg1, %dma_start3A, %dma_start3A_51] : memref<2x16x160x125xi32, #tpu.memory_space<hbm>> -> memref<1x1x160x125xi32, #tpu.memory_space<hbm>>
      %dma_start3A_53 = tpu.memref_squeeze %dma_start3A_52 : memref<1x1x160x125xi32, #tpu.memory_space<hbm>> -> memref<160x125xi32, #tpu.memory_space<hbm>>
      %dma_start3A_54 = arith.constant 0 : i32
      %dma_start3A_55 = arith.constant 0 : i32
      %dma_start3A_56 = tpu.memref_slice %arg2[%run_scoped3A, %arg1, %dma_start3A_54, %dma_start3A_55] : memref<2x16x160x125xi32, #tpu.memory_space<hbm>> -> memref<1x1x160x125xi32, #tpu.memory_space<hbm>>
      %dma_start3A_57 = tpu.memref_squeeze %dma_start3A_56 : memref<1x1x160x125xi32, #tpu.memory_space<hbm>> -> memref<160x125xi32, #tpu.memory_space<hbm>>
      tpu.enqueue_dma source(%dma_start3A_57 : memref<160x125xi32, #tpu.memory_space<hbm>>) target(%arg6 : memref<160x125xi32, #tpu.memory_space<vmem>>) target_semaphore(%run_scoped3A_50 : memref<!tpu.dma_semaphore, #tpu.memory_space<semaphore_mem>>)
      %dma_wait3A_58 = arith.constant 0 : i32
      %dma_wait3A_59 = arith.constant 0 : i32
      %dma_wait3A_60 = tpu.memref_slice %arg2[%run_scoped3A, %arg1, %dma_wait3A_58, %dma_wait3A_59] : memref<2x16x160x125xi32, #tpu.memory_space<hbm>> -> memref<1x1x160x125xi32, #tpu.memory_space<hbm>>
      %dma_wait3A_61 = tpu.memref_squeeze %dma_wait3A_60 : memref<1x1x160x125xi32, #tpu.memory_space<hbm>> -> memref<160x125xi32, #tpu.memory_space<hbm>>
      %dma_wait3A_62 = arith.constant 0 : i32
      %dma_wait3A_63 = arith.constant 0 : i32
      %dma_wait3A_64 = tpu.memref_slice %arg2[%run_scoped3A, %arg1, %dma_wait3A_62, %dma_wait3A_63] : memref<2x16x160x125xi32, #tpu.memory_space<hbm>> -> memref<1x1x160x125xi32, #tpu.memory_space<hbm>>
      %dma_wait3A_65 = tpu.memref_squeeze %dma_wait3A_64 : memref<1x1x160x125xi32, #tpu.memory_space<hbm>> -> memref<160x125xi32, #tpu.memory_space<hbm>>
      tpu.wait_dma2 semaphore(%run_scoped3A_50 : memref<!tpu.dma_semaphore, #tpu.memory_space<semaphore_mem>>) src(%dma_wait3A_65 : memref<160x125xi32, #tpu.memory_space<hbm>>) dst(%arg6 : memref<160x125xi32, #tpu.memory_space<vmem>>)
      tpu.yield
    }) : () -> ()
    "tpu.region"() ({
      %run_scoped3A_50 = tpu.sem_alloc : memref<!tpu.dma_semaphore, #tpu.memory_space<semaphore_mem>>
      tpu.enqueue_dma source(%arg4 : memref<125x16xf32, #tpu.memory_space<hbm>>) target(%arg7 : memref<125x16xf32, #tpu.memory_space<vmem>>) target_semaphore(%run_scoped3A_50 : memref<!tpu.dma_semaphore, #tpu.memory_space<semaphore_mem>>)
      tpu.wait_dma2 semaphore(%run_scoped3A_50 : memref<!tpu.dma_semaphore, #tpu.memory_space<semaphore_mem>>) src(%arg4 : memref<125x16xf32, #tpu.memory_space<hbm>>) dst(%arg7 : memref<125x16xf32, #tpu.memory_space<vmem>>)
      tpu.yield
    }) : () -> ()
    %mul3A = arith.constant 640 : i32
    %mul3A_0 = arith.muli %arg1, %mul3A : i32
    "tpu.region"() ({
      %run_scoped3A_50 = tpu.sem_alloc : memref<!tpu.dma_semaphore, #tpu.memory_space<semaphore_mem>>
      %dma_start3A = arith.constant 0 : i32
      %dma_start3A_51 = tpu.memref_slice %arg8[%mul3A_0, %dma_start3A] : memref<10240x16xf32, #tpu.memory_space<vmem_shared>> -> memref<640x16xf32, #tpu.memory_space<vmem_shared>>
      tpu.enqueue_dma source(%arg3 : memref<640x16xf32, #tpu.memory_space<hbm>>) target(%dma_start3A_51 : memref<640x16xf32, #tpu.memory_space<vmem_shared>>) target_semaphore(%run_scoped3A_50 : memref<!tpu.dma_semaphore, #tpu.memory_space<semaphore_mem>>)
      %dma_wait3A_52 = arith.constant 0 : i32
      %dma_wait3A_53 = tpu.memref_slice %arg8[%mul3A_0, %dma_wait3A_52] : memref<10240x16xf32, #tpu.memory_space<vmem_shared>> -> memref<640x16xf32, #tpu.memory_space<vmem_shared>>
      tpu.wait_dma2 semaphore(%run_scoped3A_50 : memref<!tpu.dma_semaphore, #tpu.memory_space<semaphore_mem>>) src(%arg3 : memref<640x16xf32, #tpu.memory_space<hbm>>) dst(%dma_wait3A_53 : memref<640x16xf32, #tpu.memory_space<vmem_shared>>)
      tpu.yield
    }) : () -> ()
    %barrier3A = arith.constant 0 : index
    tpu.barrier barrier_id(%barrier3A)
    %mul3A_1 = arith.constant 80 : i32
    %mul3A_2 = arith.muli %arg0, %mul3A_1 : i32
    %scan3A = arith.constant 0 : i32
    %scan3A_3 = arith.constant 0 : i32
    %scan3A_4 = arith.constant 20 : i32
    %scan3A_5 = arith.addi %scan3A_3, %scan3A_4 : i32
    %scan3A_6 = arith.constant 1 : i32
    scf.for %scan3A_50 = %scan3A_3 to %scan3A_5 step %scan3A_6  : i32 {
      %mul3A_51 = arith.constant 4 : i32
      %mul3A_52 = arith.muli %scan3A_50, %mul3A_51 : i32
      %add3A = arith.constant 0 : i32
      %add3A_53 = arith.addi %mul3A_52, %add3A : i32
      %ge3A = arith.constant 4 : i32
      %ge3A_54 = arith.cmpi sge, %add3A_53, %ge3A : i32
      %convert_element_type3A = arith.extui %ge3A_54 : i1 to i32
      %cond3A = arith.constant 0 : i32
      %cond3A_55 = arith.cmpi ne, %convert_element_type3A, %cond3A : i32
      scf.if %cond3A_55 {
        %jit3A = arith.constant 4 : i32
        %eq3A = arith.constant 0 : i32
        %eq3A_122 = arith.cmpi eq, %jit3A, %eq3A : i32
        %jit3A_123 = arith.constant 1 : i32
        %select_n3A = arith.select %eq3A_122, %jit3A_123, %jit3A : i32
        %rem3A = arith.remsi %add3A_53, %select_n3A : i32
        %ne3A = arith.constant 0 : i32
        %ne3A_124 = arith.cmpi ne, %rem3A, %ne3A : i32
        %lt3A = arith.constant 0 : i32
        %lt3A_125 = arith.cmpi slt, %rem3A, %lt3A : i32
        %lt3A_126 = arith.constant 0 : i32
        %lt3A_127 = arith.cmpi slt, %select_n3A, %lt3A_126 : i32
        %ne3A_128 = arith.xori %lt3A_125, %lt3A_127 : i1
        %and3A = arith.andi %ne3A_128, %ne3A_124 : i1
        %add3A_129 = arith.addi %rem3A, %select_n3A : i32
        %select_n3A_130 = arith.select %and3A, %add3A_129, %rem3A : i32
        %dma_wait3A_131 = arith.constant 0 : i32
        %dma_wait3A_132 = arith.constant 0 : i32
        %dma_wait3A_133 = tpu.memref_slice %arg6[%dma_wait3A_131, %dma_wait3A_132] : memref<160x125xi32, #tpu.memory_space<vmem>> -> memref<1x125xi32, #tpu.memory_space<vmem>>
        %dma_wait3A_134 = tpu.memref_squeeze %dma_wait3A_133 : memref<1x125xi32, #tpu.memory_space<vmem>> -> memref<125xi32, #tpu.memory_space<vmem>>
        %dma_wait3A_135 = arith.constant 0 : i32
        %dma_wait3A_136 = arith.constant 0 : i32
        %dma_wait3A_137 = tpu.memref_slice %arg8[%dma_wait3A_135, %dma_wait3A_136] : memref<10240x16xf32, #tpu.memory_space<vmem_shared>> -> memref<10240x16xf32, #tpu.memory_space<vmem_shared>>
        %dma_wait3A_138 = tpu.memref_slice %arg9[%select_n3A_130] : memref<4x!tpu.dma_semaphore, #tpu.memory_space<semaphore_mem>> -> memref<1x!tpu.dma_semaphore, #tpu.memory_space<semaphore_mem>>
        %dma_wait3A_139 = tpu.memref_squeeze %dma_wait3A_138 : memref<1x!tpu.dma_semaphore, #tpu.memory_space<semaphore_mem>> -> memref<!tpu.dma_semaphore, #tpu.memory_space<semaphore_mem>>
        tpu.wait_indirect_dma semaphore(%dma_wait3A_139 : memref<!tpu.dma_semaphore, #tpu.memory_space<semaphore_mem>>) src(%arg7 : memref<125x16xf32, #tpu.memory_space<vmem>>) dst(%dma_wait3A_137 : memref<10240x16xf32, #tpu.memory_space<vmem_shared>>)
      } else {
      }
      %add3A_56 = arith.addi %mul3A_2, %add3A_53 : i32
      %dma_start3A = arith.constant 0 : i32
      %dma_start3A_57 = arith.constant 0 : i32
      %dma_start3A_58 = tpu.memref_slice %arg6[%add3A_56, %dma_start3A_57] : memref<160x125xi32, #tpu.memory_space<vmem>> -> memref<1x125xi32, #tpu.memory_space<vmem>>
      %dma_start3A_59 = tpu.memref_squeeze %dma_start3A_58 : memref<1x125xi32, #tpu.memory_space<vmem>> -> memref<125xi32, #tpu.memory_space<vmem>>
      %dma_start3A_60 = arith.constant 0 : i32
      %dma_start3A_61 = arith.constant 0 : i32
      %dma_start3A_62 = tpu.memref_slice %arg8[%dma_start3A_60, %dma_start3A_61] : memref<10240x16xf32, #tpu.memory_space<vmem_shared>> -> memref<10240x16xf32, #tpu.memory_space<vmem_shared>>
      %dma_start3A_63 = tpu.memref_slice %arg9[%dma_start3A] : memref<4x!tpu.dma_semaphore, #tpu.memory_space<semaphore_mem>> -> memref<1x!tpu.dma_semaphore, #tpu.memory_space<semaphore_mem>>
      %dma_start3A_64 = tpu.memref_squeeze %dma_start3A_63 : memref<1x!tpu.dma_semaphore, #tpu.memory_space<semaphore_mem>> -> memref<!tpu.dma_semaphore, #tpu.memory_space<semaphore_mem>>
      tpu.enqueue_indirect_dma source(%arg7 : memref<125x16xf32, #tpu.memory_space<vmem>>) target(%dma_start3A_62 : memref<10240x16xf32, #tpu.memory_space<vmem_shared>>) offsets(%dma_start3A_59 : memref<125xi32, #tpu.memory_space<vmem>>) semaphore(%dma_start3A_64 : memref<!tpu.dma_semaphore, #tpu.memory_space<semaphore_mem>>) {add = true}
      %mul3A_65 = arith.constant 4 : i32
      %mul3A_66 = arith.muli %scan3A_50, %mul3A_65 : i32
      %add3A_67 = arith.constant 1 : i32
      %add3A_68 = arith.addi %mul3A_66, %add3A_67 : i32
      %ge3A_69 = arith.constant 4 : i32
      %ge3A_70 = arith.cmpi sge, %add3A_68, %ge3A_69 : i32
      %convert_element_type3A_71 = arith.extui %ge3A_70 : i1 to i32
      %cond3A_72 = arith.constant 0 : i32
      %cond3A_73 = arith.cmpi ne, %convert_element_type3A_71, %cond3A_72 : i32
      scf.if %cond3A_73 {
        %jit3A = arith.constant 4 : i32
        %eq3A = arith.constant 0 : i32
        %eq3A_122 = arith.cmpi eq, %jit3A, %eq3A : i32
        %jit3A_123 = arith.constant 1 : i32
        %select_n3A = arith.select %eq3A_122, %jit3A_123, %jit3A : i32
        %rem3A = arith.remsi %add3A_68, %select_n3A : i32
        %ne3A = arith.constant 0 : i32
        %ne3A_124 = arith.cmpi ne, %rem3A, %ne3A : i32
        %lt3A = arith.constant 0 : i32
        %lt3A_125 = arith.cmpi slt, %rem3A, %lt3A : i32
        %lt3A_126 = arith.constant 0 : i32
        %lt3A_127 = arith.cmpi slt, %select_n3A, %lt3A_126 : i32
        %ne3A_128 = arith.xori %lt3A_125, %lt3A_127 : i1
        %and3A = arith.andi %ne3A_128, %ne3A_124 : i1
        %add3A_129 = arith.addi %rem3A, %select_n3A : i32
        %select_n3A_130 = arith.select %and3A, %add3A_129, %rem3A : i32
        %dma_wait3A_131 = arith.constant 0 : i32
        %dma_wait3A_132 = arith.constant 0 : i32
        %dma_wait3A_133 = tpu.memref_slice %arg6[%dma_wait3A_131, %dma_wait3A_132] : memref<160x125xi32, #tpu.memory_space<vmem>> -> memref<1x125xi32, #tpu.memory_space<vmem>>
        %dma_wait3A_134 = tpu.memref_squeeze %dma_wait3A_133 : memref<1x125xi32, #tpu.memory_space<vmem>> -> memref<125xi32, #tpu.memory_space<vmem>>
        %dma_wait3A_135 = arith.constant 0 : i32
        %dma_wait3A_136 = arith.constant 0 : i32
        %dma_wait3A_137 = tpu.memref_slice %arg8[%dma_wait3A_135, %dma_wait3A_136] : memref<10240x16xf32, #tpu.memory_space<vmem_shared>> -> memref<10240x16xf32, #tpu.memory_space<vmem_shared>>
        %dma_wait3A_138 = tpu.memref_slice %arg9[%select_n3A_130] : memref<4x!tpu.dma_semaphore, #tpu.memory_space<semaphore_mem>> -> memref<1x!tpu.dma_semaphore, #tpu.memory_space<semaphore_mem>>
        %dma_wait3A_139 = tpu.memref_squeeze %dma_wait3A_138 : memref<1x!tpu.dma_semaphore, #tpu.memory_space<semaphore_mem>> -> memref<!tpu.dma_semaphore, #tpu.memory_space<semaphore_mem>>
        tpu.wait_indirect_dma semaphore(%dma_wait3A_139 : memref<!tpu.dma_semaphore, #tpu.memory_space<semaphore_mem>>) src(%arg7 : memref<125x16xf32, #tpu.memory_space<vmem>>) dst(%dma_wait3A_137 : memref<10240x16xf32, #tpu.memory_space<vmem_shared>>)
      } else {
      }
      %add3A_74 = arith.addi %mul3A_2, %add3A_68 : i32
      %dma_start3A_75 = arith.constant 1 : i32
      %dma_start3A_76 = arith.constant 0 : i32
      %dma_start3A_77 = tpu.memref_slice %arg6[%add3A_74, %dma_start3A_76] : memref<160x125xi32, #tpu.memory_space<vmem>> -> memref<1x125xi32, #tpu.memory_space<vmem>>
      %dma_start3A_78 = tpu.memref_squeeze %dma_start3A_77 : memref<1x125xi32, #tpu.memory_space<vmem>> -> memref<125xi32, #tpu.memory_space<vmem>>
      %dma_start3A_79 = arith.constant 0 : i32
      %dma_start3A_80 = arith.constant 0 : i32
      %dma_start3A_81 = tpu.memref_slice %arg8[%dma_start3A_79, %dma_start3A_80] : memref<10240x16xf32, #tpu.memory_space<vmem_shared>> -> memref<10240x16xf32, #tpu.memory_space<vmem_shared>>
      %dma_start3A_82 = tpu.memref_slice %arg9[%dma_start3A_75] : memref<4x!tpu.dma_semaphore, #tpu.memory_space<semaphore_mem>> -> memref<1x!tpu.dma_semaphore, #tpu.memory_space<semaphore_mem>>
      %dma_start3A_83 = tpu.memref_squeeze %dma_start3A_82 : memref<1x!tpu.dma_semaphore, #tpu.memory_space<semaphore_mem>> -> memref<!tpu.dma_semaphore, #tpu.memory_space<semaphore_mem>>
      tpu.enqueue_indirect_dma source(%arg7 : memref<125x16xf32, #tpu.memory_space<vmem>>) target(%dma_start3A_81 : memref<10240x16xf32, #tpu.memory_space<vmem_shared>>) offsets(%dma_start3A_78 : memref<125xi32, #tpu.memory_space<vmem>>) semaphore(%dma_start3A_83 : memref<!tpu.dma_semaphore, #tpu.memory_space<semaphore_mem>>) {add = true}
      %mul3A_84 = arith.constant 4 : i32
      %mul3A_85 = arith.muli %scan3A_50, %mul3A_84 : i32
      %add3A_86 = arith.constant 2 : i32
      %add3A_87 = arith.addi %mul3A_85, %add3A_86 : i32
      %ge3A_88 = arith.constant 4 : i32
      %ge3A_89 = arith.cmpi sge, %add3A_87, %ge3A_88 : i32
      %convert_element_type3A_90 = arith.extui %ge3A_89 : i1 to i32
      %cond3A_91 = arith.constant 0 : i32
      %cond3A_92 = arith.cmpi ne, %convert_element_type3A_90, %cond3A_91 : i32
      scf.if %cond3A_92 {
        %jit3A = arith.constant 4 : i32
        %eq3A = arith.constant 0 : i32
        %eq3A_122 = arith.cmpi eq, %jit3A, %eq3A : i32
        %jit3A_123 = arith.constant 1 : i32
        %select_n3A = arith.select %eq3A_122, %jit3A_123, %jit3A : i32
        %rem3A = arith.remsi %add3A_87, %select_n3A : i32
        %ne3A = arith.constant 0 : i32
        %ne3A_124 = arith.cmpi ne, %rem3A, %ne3A : i32
        %lt3A = arith.constant 0 : i32
        %lt3A_125 = arith.cmpi slt, %rem3A, %lt3A : i32
        %lt3A_126 = arith.constant 0 : i32
        %lt3A_127 = arith.cmpi slt, %select_n3A, %lt3A_126 : i32
        %ne3A_128 = arith.xori %lt3A_125, %lt3A_127 : i1
        %and3A = arith.andi %ne3A_128, %ne3A_124 : i1
        %add3A_129 = arith.addi %rem3A, %select_n3A : i32
        %select_n3A_130 = arith.select %and3A, %add3A_129, %rem3A : i32
        %dma_wait3A_131 = arith.constant 0 : i32
        %dma_wait3A_132 = arith.constant 0 : i32
        %dma_wait3A_133 = tpu.memref_slice %arg6[%dma_wait3A_131, %dma_wait3A_132] : memref<160x125xi32, #tpu.memory_space<vmem>> -> memref<1x125xi32, #tpu.memory_space<vmem>>
        %dma_wait3A_134 = tpu.memref_squeeze %dma_wait3A_133 : memref<1x125xi32, #tpu.memory_space<vmem>> -> memref<125xi32, #tpu.memory_space<vmem>>
        %dma_wait3A_135 = arith.constant 0 : i32
        %dma_wait3A_136 = arith.constant 0 : i32
        %dma_wait3A_137 = tpu.memref_slice %arg8[%dma_wait3A_135, %dma_wait3A_136] : memref<10240x16xf32, #tpu.memory_space<vmem_shared>> -> memref<10240x16xf32, #tpu.memory_space<vmem_shared>>
        %dma_wait3A_138 = tpu.memref_slice %arg9[%select_n3A_130] : memref<4x!tpu.dma_semaphore, #tpu.memory_space<semaphore_mem>> -> memref<1x!tpu.dma_semaphore, #tpu.memory_space<semaphore_mem>>
        %dma_wait3A_139 = tpu.memref_squeeze %dma_wait3A_138 : memref<1x!tpu.dma_semaphore, #tpu.memory_space<semaphore_mem>> -> memref<!tpu.dma_semaphore, #tpu.memory_space<semaphore_mem>>
        tpu.wait_indirect_dma semaphore(%dma_wait3A_139 : memref<!tpu.dma_semaphore, #tpu.memory_space<semaphore_mem>>) src(%arg7 : memref<125x16xf32, #tpu.memory_space<vmem>>) dst(%dma_wait3A_137 : memref<10240x16xf32, #tpu.memory_space<vmem_shared>>)
      } else {
      }
      %add3A_93 = arith.addi %mul3A_2, %add3A_87 : i32
      %dma_start3A_94 = arith.constant 2 : i32
      %dma_start3A_95 = arith.constant 0 : i32
      %dma_start3A_96 = tpu.memref_slice %arg6[%add3A_93, %dma_start3A_95] : memref<160x125xi32, #tpu.memory_space<vmem>> -> memref<1x125xi32, #tpu.memory_space<vmem>>
      %dma_start3A_97 = tpu.memref_squeeze %dma_start3A_96 : memref<1x125xi32, #tpu.memory_space<vmem>> -> memref<125xi32, #tpu.memory_space<vmem>>
      %dma_start3A_98 = arith.constant 0 : i32
      %dma_start3A_99 = arith.constant 0 : i32
      %dma_start3A_100 = tpu.memref_slice %arg8[%dma_start3A_98, %dma_start3A_99] : memref<10240x16xf32, #tpu.memory_space<vmem_shared>> -> memref<10240x16xf32, #tpu.memory_space<vmem_shared>>
      %dma_start3A_101 = tpu.memref_slice %arg9[%dma_start3A_94] : memref<4x!tpu.dma_semaphore, #tpu.memory_space<semaphore_mem>> -> memref<1x!tpu.dma_semaphore, #tpu.memory_space<semaphore_mem>>
      %dma_start3A_102 = tpu.memref_squeeze %dma_start3A_101 : memref<1x!tpu.dma_semaphore, #tpu.memory_space<semaphore_mem>> -> memref<!tpu.dma_semaphore, #tpu.memory_space<semaphore_mem>>
      tpu.enqueue_indirect_dma source(%arg7 : memref<125x16xf32, #tpu.memory_space<vmem>>) target(%dma_start3A_100 : memref<10240x16xf32, #tpu.memory_space<vmem_shared>>) offsets(%dma_start3A_97 : memref<125xi32, #tpu.memory_space<vmem>>) semaphore(%dma_start3A_102 : memref<!tpu.dma_semaphore, #tpu.memory_space<semaphore_mem>>) {add = true}
      %mul3A_103 = arith.constant 4 : i32
      %mul3A_104 = arith.muli %scan3A_50, %mul3A_103 : i32
      %add3A_105 = arith.constant 3 : i32
      %add3A_106 = arith.addi %mul3A_104, %add3A_105 : i32
      %ge3A_107 = arith.constant 4 : i32
      %ge3A_108 = arith.cmpi sge, %add3A_106, %ge3A_107 : i32
      %convert_element_type3A_109 = arith.extui %ge3A_108 : i1 to i32
      %cond3A_110 = arith.constant 0 : i32
      %cond3A_111 = arith.cmpi ne, %convert_element_type3A_109, %cond3A_110 : i32
      scf.if %cond3A_111 {
        %jit3A = arith.constant 4 : i32
        %eq3A = arith.constant 0 : i32
        %eq3A_122 = arith.cmpi eq, %jit3A, %eq3A : i32
        %jit3A_123 = arith.constant 1 : i32
        %select_n3A = arith.select %eq3A_122, %jit3A_123, %jit3A : i32
        %rem3A = arith.remsi %add3A_106, %select_n3A : i32
        %ne3A = arith.constant 0 : i32
        %ne3A_124 = arith.cmpi ne, %rem3A, %ne3A : i32
        %lt3A = arith.constant 0 : i32
        %lt3A_125 = arith.cmpi slt, %rem3A, %lt3A : i32
        %lt3A_126 = arith.constant 0 : i32
        %lt3A_127 = arith.cmpi slt, %select_n3A, %lt3A_126 : i32
        %ne3A_128 = arith.xori %lt3A_125, %lt3A_127 : i1
        %and3A = arith.andi %ne3A_128, %ne3A_124 : i1
        %add3A_129 = arith.addi %rem3A, %select_n3A : i32
        %select_n3A_130 = arith.select %and3A, %add3A_129, %rem3A : i32
        %dma_wait3A_131 = arith.constant 0 : i32
        %dma_wait3A_132 = arith.constant 0 : i32
        %dma_wait3A_133 = tpu.memref_slice %arg6[%dma_wait3A_131, %dma_wait3A_132] : memref<160x125xi32, #tpu.memory_space<vmem>> -> memref<1x125xi32, #tpu.memory_space<vmem>>
        %dma_wait3A_134 = tpu.memref_squeeze %dma_wait3A_133 : memref<1x125xi32, #tpu.memory_space<vmem>> -> memref<125xi32, #tpu.memory_space<vmem>>
        %dma_wait3A_135 = arith.constant 0 : i32
        %dma_wait3A_136 = arith.constant 0 : i32
        %dma_wait3A_137 = tpu.memref_slice %arg8[%dma_wait3A_135, %dma_wait3A_136] : memref<10240x16xf32, #tpu.memory_space<vmem_shared>> -> memref<10240x16xf32, #tpu.memory_space<vmem_shared>>
        %dma_wait3A_138 = tpu.memref_slice %arg9[%select_n3A_130] : memref<4x!tpu.dma_semaphore, #tpu.memory_space<semaphore_mem>> -> memref<1x!tpu.dma_semaphore, #tpu.memory_space<semaphore_mem>>
        %dma_wait3A_139 = tpu.memref_squeeze %dma_wait3A_138 : memref<1x!tpu.dma_semaphore, #tpu.memory_space<semaphore_mem>> -> memref<!tpu.dma_semaphore, #tpu.memory_space<semaphore_mem>>
        tpu.wait_indirect_dma semaphore(%dma_wait3A_139 : memref<!tpu.dma_semaphore, #tpu.memory_space<semaphore_mem>>) src(%arg7 : memref<125x16xf32, #tpu.memory_space<vmem>>) dst(%dma_wait3A_137 : memref<10240x16xf32, #tpu.memory_space<vmem_shared>>)
      } else {
      }
      %add3A_112 = arith.addi %mul3A_2, %add3A_106 : i32
      %dma_start3A_113 = arith.constant 3 : i32
      %dma_start3A_114 = arith.constant 0 : i32
      %dma_start3A_115 = tpu.memref_slice %arg6[%add3A_112, %dma_start3A_114] : memref<160x125xi32, #tpu.memory_space<vmem>> -> memref<1x125xi32, #tpu.memory_space<vmem>>
      %dma_start3A_116 = tpu.memref_squeeze %dma_start3A_115 : memref<1x125xi32, #tpu.memory_space<vmem>> -> memref<125xi32, #tpu.memory_space<vmem>>
      %dma_start3A_117 = arith.constant 0 : i32
      %dma_start3A_118 = arith.constant 0 : i32
      %dma_start3A_119 = tpu.memref_slice %arg8[%dma_start3A_117, %dma_start3A_118] : memref<10240x16xf32, #tpu.memory_space<vmem_shared>> -> memref<10240x16xf32, #tpu.memory_space<vmem_shared>>
      %dma_start3A_120 = tpu.memref_slice %arg9[%dma_start3A_113] : memref<4x!tpu.dma_semaphore, #tpu.memory_space<semaphore_mem>> -> memref<1x!tpu.dma_semaphore, #tpu.memory_space<semaphore_mem>>
      %dma_start3A_121 = tpu.memref_squeeze %dma_start3A_120 : memref<1x!tpu.dma_semaphore, #tpu.memory_space<semaphore_mem>> -> memref<!tpu.dma_semaphore, #tpu.memory_space<semaphore_mem>>
      tpu.enqueue_indirect_dma source(%arg7 : memref<125x16xf32, #tpu.memory_space<vmem>>) target(%dma_start3A_119 : memref<10240x16xf32, #tpu.memory_space<vmem_shared>>) offsets(%dma_start3A_116 : memref<125xi32, #tpu.memory_space<vmem>>) semaphore(%dma_start3A_121 : memref<!tpu.dma_semaphore, #tpu.memory_space<semaphore_mem>>) {add = true}
    }
    %scan3A_7 = arith.constant 20 : i32
    %dma_wait3A = arith.constant 0 : i32
    %dma_wait3A_8 = arith.constant 0 : i32
    %dma_wait3A_9 = arith.constant 0 : i32
    %dma_wait3A_10 = tpu.memref_slice %arg6[%dma_wait3A, %dma_wait3A_9] : memref<160x125xi32, #tpu.memory_space<vmem>> -> memref<1x125xi32, #tpu.memory_space<vmem>>
    %dma_wait3A_11 = tpu.memref_squeeze %dma_wait3A_10 : memref<1x125xi32, #tpu.memory_space<vmem>> -> memref<125xi32, #tpu.memory_space<vmem>>
    %dma_wait3A_12 = arith.constant 0 : i32
    %dma_wait3A_13 = arith.constant 0 : i32
    %dma_wait3A_14 = tpu.memref_slice %arg8[%dma_wait3A_12, %dma_wait3A_13] : memref<10240x16xf32, #tpu.memory_space<vmem_shared>> -> memref<10240x16xf32, #tpu.memory_space<vmem_shared>>
    %dma_wait3A_15 = tpu.memref_slice %arg9[%dma_wait3A_8] : memref<4x!tpu.dma_semaphore, #tpu.memory_space<semaphore_mem>> -> memref<1x!tpu.dma_semaphore, #tpu.memory_space<semaphore_mem>>
    %dma_wait3A_16 = tpu.memref_squeeze %dma_wait3A_15 : memref<1x!tpu.dma_semaphore, #tpu.memory_space<semaphore_mem>> -> memref<!tpu.dma_semaphore, #tpu.memory_space<semaphore_mem>>
    tpu.wait_indirect_dma semaphore(%dma_wait3A_16 : memref<!tpu.dma_semaphore, #tpu.memory_space<semaphore_mem>>) src(%arg7 : memref<125x16xf32, #tpu.memory_space<vmem>>) dst(%dma_wait3A_14 : memref<10240x16xf32, #tpu.memory_space<vmem_shared>>)
    %dma_wait3A_17 = arith.constant 0 : i32
    %dma_wait3A_18 = arith.constant 1 : i32
    %dma_wait3A_19 = arith.constant 0 : i32
    %dma_wait3A_20 = tpu.memref_slice %arg6[%dma_wait3A_17, %dma_wait3A_19] : memref<160x125xi32, #tpu.memory_space<vmem>> -> memref<1x125xi32, #tpu.memory_space<vmem>>
    %dma_wait3A_21 = tpu.memref_squeeze %dma_wait3A_20 : memref<1x125xi32, #tpu.memory_space<vmem>> -> memref<125xi32, #tpu.memory_space<vmem>>
    %dma_wait3A_22 = arith.constant 0 : i32
    %dma_wait3A_23 = arith.constant 0 : i32
    %dma_wait3A_24 = tpu.memref_slice %arg8[%dma_wait3A_22, %dma_wait3A_23] : memref<10240x16xf32, #tpu.memory_space<vmem_shared>> -> memref<10240x16xf32, #tpu.memory_space<vmem_shared>>
    %dma_wait3A_25 = tpu.memref_slice %arg9[%dma_wait3A_18] : memref<4x!tpu.dma_semaphore, #tpu.memory_space<semaphore_mem>> -> memref<1x!tpu.dma_semaphore, #tpu.memory_space<semaphore_mem>>
    %dma_wait3A_26 = tpu.memref_squeeze %dma_wait3A_25 : memref<1x!tpu.dma_semaphore, #tpu.memory_space<semaphore_mem>> -> memref<!tpu.dma_semaphore, #tpu.memory_space<semaphore_mem>>
    tpu.wait_indirect_dma semaphore(%dma_wait3A_26 : memref<!tpu.dma_semaphore, #tpu.memory_space<semaphore_mem>>) src(%arg7 : memref<125x16xf32, #tpu.memory_space<vmem>>) dst(%dma_wait3A_24 : memref<10240x16xf32, #tpu.memory_space<vmem_shared>>)
    %dma_wait3A_27 = arith.constant 0 : i32
    %dma_wait3A_28 = arith.constant 2 : i32
    %dma_wait3A_29 = arith.constant 0 : i32
    %dma_wait3A_30 = tpu.memref_slice %arg6[%dma_wait3A_27, %dma_wait3A_29] : memref<160x125xi32, #tpu.memory_space<vmem>> -> memref<1x125xi32, #tpu.memory_space<vmem>>
    %dma_wait3A_31 = tpu.memref_squeeze %dma_wait3A_30 : memref<1x125xi32, #tpu.memory_space<vmem>> -> memref<125xi32, #tpu.memory_space<vmem>>
    %dma_wait3A_32 = arith.constant 0 : i32
    %dma_wait3A_33 = arith.constant 0 : i32
    %dma_wait3A_34 = tpu.memref_slice %arg8[%dma_wait3A_32, %dma_wait3A_33] : memref<10240x16xf32, #tpu.memory_space<vmem_shared>> -> memref<10240x16xf32, #tpu.memory_space<vmem_shared>>
    %dma_wait3A_35 = tpu.memref_slice %arg9[%dma_wait3A_28] : memref<4x!tpu.dma_semaphore, #tpu.memory_space<semaphore_mem>> -> memref<1x!tpu.dma_semaphore, #tpu.memory_space<semaphore_mem>>
    %dma_wait3A_36 = tpu.memref_squeeze %dma_wait3A_35 : memref<1x!tpu.dma_semaphore, #tpu.memory_space<semaphore_mem>> -> memref<!tpu.dma_semaphore, #tpu.memory_space<semaphore_mem>>
    tpu.wait_indirect_dma semaphore(%dma_wait3A_36 : memref<!tpu.dma_semaphore, #tpu.memory_space<semaphore_mem>>) src(%arg7 : memref<125x16xf32, #tpu.memory_space<vmem>>) dst(%dma_wait3A_34 : memref<10240x16xf32, #tpu.memory_space<vmem_shared>>)
    %dma_wait3A_37 = arith.constant 0 : i32
    %dma_wait3A_38 = arith.constant 3 : i32
    %dma_wait3A_39 = arith.constant 0 : i32
    %dma_wait3A_40 = tpu.memref_slice %arg6[%dma_wait3A_37, %dma_wait3A_39] : memref<160x125xi32, #tpu.memory_space<vmem>> -> memref<1x125xi32, #tpu.memory_space<vmem>>
    %dma_wait3A_41 = tpu.memref_squeeze %dma_wait3A_40 : memref<1x125xi32, #tpu.memory_space<vmem>> -> memref<125xi32, #tpu.memory_space<vmem>>
    %dma_wait3A_42 = arith.constant 0 : i32
    %dma_wait3A_43 = arith.constant 0 : i32
    %dma_wait3A_44 = tpu.memref_slice %arg8[%dma_wait3A_42, %dma_wait3A_43] : memref<10240x16xf32, #tpu.memory_space<vmem_shared>> -> memref<10240x16xf32, #tpu.memory_space<vmem_shared>>
    %dma_wait3A_45 = tpu.memref_slice %arg9[%dma_wait3A_38] : memref<4x!tpu.dma_semaphore, #tpu.memory_space<semaphore_mem>> -> memref<1x!tpu.dma_semaphore, #tpu.memory_space<semaphore_mem>>
    %dma_wait3A_46 = tpu.memref_squeeze %dma_wait3A_45 : memref<1x!tpu.dma_semaphore, #tpu.memory_space<semaphore_mem>> -> memref<!tpu.dma_semaphore, #tpu.memory_space<semaphore_mem>>
    tpu.wait_indirect_dma semaphore(%dma_wait3A_46 : memref<!tpu.dma_semaphore, #tpu.memory_space<semaphore_mem>>) src(%arg7 : memref<125x16xf32, #tpu.memory_space<vmem>>) dst(%dma_wait3A_44 : memref<10240x16xf32, #tpu.memory_space<vmem_shared>>)
    %barrier3A_47 = arith.constant 0 : index
    tpu.barrier barrier_id(%barrier3A_47)
    %mul3A_48 = arith.constant 640 : i32
    %mul3A_49 = arith.muli %arg1, %mul3A_48 : i32
    "tpu.region"() ({
      %run_scoped3A_50 = tpu.sem_alloc : memref<!tpu.dma_semaphore, #tpu.memory_space<semaphore_mem>>
      %dma_start3A = arith.constant 0 : i32
      %dma_start3A_51 = tpu.memref_slice %arg5[%arg0, %mul3A_49, %dma_start3A] : memref<2x10240x16xf32, #tpu.memory_space<hbm>> -> memref<1x640x16xf32, #tpu.memory_space<hbm>>
      %dma_start3A_52 = tpu.memref_squeeze %dma_start3A_51 : memref<1x640x16xf32, #tpu.memory_space<hbm>> -> memref<640x16xf32, #tpu.memory_space<hbm>>
      %dma_start3A_53 = arith.constant 0 : i32
      %dma_start3A_54 = tpu.memref_slice %arg8[%mul3A_49, %dma_start3A_53] : memref<10240x16xf32, #tpu.memory_space<vmem_shared>> -> memref<640x16xf32, #tpu.memory_space<vmem_shared>>
      tpu.enqueue_dma source(%dma_start3A_54 : memref<640x16xf32, #tpu.memory_space<vmem_shared>>) target(%dma_start3A_52 : memref<640x16xf32, #tpu.memory_space<hbm>>) target_semaphore(%run_scoped3A_50 : memref<!tpu.dma_semaphore, #tpu.memory_space<semaphore_mem>>)
      %dma_wait3A_55 = arith.constant 0 : i32
      %dma_wait3A_56 = tpu.memref_slice %arg5[%arg0, %mul3A_49, %dma_wait3A_55] : memref<2x10240x16xf32, #tpu.memory_space<hbm>> -> memref<1x640x16xf32, #tpu.memory_space<hbm>>
      %dma_wait3A_57 = tpu.memref_squeeze %dma_wait3A_56 : memref<1x640x16xf32, #tpu.memory_space<hbm>> -> memref<640x16xf32, #tpu.memory_space<hbm>>
      %dma_wait3A_58 = arith.constant 0 : i32
      %dma_wait3A_59 = tpu.memref_slice %arg8[%mul3A_49, %dma_wait3A_58] : memref<10240x16xf32, #tpu.memory_space<vmem_shared>> -> memref<640x16xf32, #tpu.memory_space<vmem_shared>>
      tpu.wait_dma2 semaphore(%run_scoped3A_50 : memref<!tpu.dma_semaphore, #tpu.memory_space<semaphore_mem>>) src(%dma_wait3A_59 : memref<640x16xf32, #tpu.memory_space<vmem_shared>>) dst(%dma_wait3A_57 : memref<640x16xf32, #tpu.memory_space<hbm>>)
      tpu.yield
    }) : () -> ()
    return
  }
}

#map = affine_map<(d0, d1) -> (0, 0, 0, 0)>
#map1 = affine_map<(d0, d1) -> (0, 0, 0)>
#map2 = affine_map<(d0, d1) -> (0, 0)>
module attributes {stable_mosaic.version = 14 : i64} {
  func.func @_sc_agg(%arg0: i32, %arg1: i32, %arg2: memref<2x16x160x125xi32, #tpu.memory_space<hbm>>, %arg3: memref<2x10000x64xf32, #tpu.memory_space<hbm>>, %arg4: memref<640x64xf32, #tpu.memory_space<hbm>>, %arg5: memref<10240x128xf32, #tpu.memory_space<hbm>>, %arg6: memref<160x125xi32, #tpu.memory_space<vmem>>, %arg7: memref<160x125xi32, #tpu.memory_space<vmem>>, %arg8: memref<5x125x64xf32, #tpu.memory_space<vmem>>, %arg9: memref<10240x64xf32, #tpu.memory_space<vmem_shared>>, %arg10: memref<5x!tpu.dma_semaphore, #tpu.memory_space<semaphore_mem>>, %arg11: memref<5x!tpu.dma_semaphore, #tpu.memory_space<semaphore_mem>>) attributes {dimension_semantics = [#tpu.dimension_semantics<core_parallel>, #tpu.dimension_semantics<subcore_parallel>], iteration_bounds = array<i64: 2, 16>, scalar_prefetch = 0 : i64, scratch_operands = 6 : i64, tpu.core_type = #tpu.core_type<sc_vector_subcore>, window_params = [{transform_indices = #map}, {transform_indices = #map1}, {transform_indices = #map2}, {transform_indices = #map2}]} {
    %run_scoped3A = arith.constant 0 : i32
    "tpu.region"() ({
      %run_scoped3A_97 = tpu.sem_alloc : memref<!tpu.dma_semaphore, #tpu.memory_space<semaphore_mem>>
      %dma_start3A_98 = arith.constant 0 : i32
      %dma_start3A_99 = arith.constant 0 : i32
      %dma_start3A_100 = tpu.memref_slice %arg2[%run_scoped3A, %arg1, %dma_start3A_98, %dma_start3A_99] : memref<2x16x160x125xi32, #tpu.memory_space<hbm>> -> memref<1x1x160x125xi32, #tpu.memory_space<hbm>>
      %dma_start3A_101 = tpu.memref_squeeze %dma_start3A_100 : memref<1x1x160x125xi32, #tpu.memory_space<hbm>> -> memref<160x125xi32, #tpu.memory_space<hbm>>
      %dma_start3A_102 = arith.constant 0 : i32
      %dma_start3A_103 = arith.constant 0 : i32
      %dma_start3A_104 = tpu.memref_slice %arg2[%run_scoped3A, %arg1, %dma_start3A_102, %dma_start3A_103] : memref<2x16x160x125xi32, #tpu.memory_space<hbm>> -> memref<1x1x160x125xi32, #tpu.memory_space<hbm>>
      %dma_start3A_105 = tpu.memref_squeeze %dma_start3A_104 : memref<1x1x160x125xi32, #tpu.memory_space<hbm>> -> memref<160x125xi32, #tpu.memory_space<hbm>>
      tpu.enqueue_dma source(%dma_start3A_105 : memref<160x125xi32, #tpu.memory_space<hbm>>) target(%arg6 : memref<160x125xi32, #tpu.memory_space<vmem>>) target_semaphore(%run_scoped3A_97 : memref<!tpu.dma_semaphore, #tpu.memory_space<semaphore_mem>>)
      %dma_wait3A_106 = arith.constant 0 : i32
      %dma_wait3A_107 = arith.constant 0 : i32
      %dma_wait3A_108 = tpu.memref_slice %arg2[%run_scoped3A, %arg1, %dma_wait3A_106, %dma_wait3A_107] : memref<2x16x160x125xi32, #tpu.memory_space<hbm>> -> memref<1x1x160x125xi32, #tpu.memory_space<hbm>>
      %dma_wait3A_109 = tpu.memref_squeeze %dma_wait3A_108 : memref<1x1x160x125xi32, #tpu.memory_space<hbm>> -> memref<160x125xi32, #tpu.memory_space<hbm>>
      %dma_wait3A_110 = arith.constant 0 : i32
      %dma_wait3A_111 = arith.constant 0 : i32
      %dma_wait3A_112 = tpu.memref_slice %arg2[%run_scoped3A, %arg1, %dma_wait3A_110, %dma_wait3A_111] : memref<2x16x160x125xi32, #tpu.memory_space<hbm>> -> memref<1x1x160x125xi32, #tpu.memory_space<hbm>>
      %dma_wait3A_113 = tpu.memref_squeeze %dma_wait3A_112 : memref<1x1x160x125xi32, #tpu.memory_space<hbm>> -> memref<160x125xi32, #tpu.memory_space<hbm>>
      tpu.wait_dma2 semaphore(%run_scoped3A_97 : memref<!tpu.dma_semaphore, #tpu.memory_space<semaphore_mem>>) src(%dma_wait3A_113 : memref<160x125xi32, #tpu.memory_space<hbm>>) dst(%arg6 : memref<160x125xi32, #tpu.memory_space<vmem>>)
      tpu.yield
    }) : () -> ()
    %run_scoped3A_0 = arith.constant 1 : i32
    "tpu.region"() ({
      %run_scoped3A_97 = tpu.sem_alloc : memref<!tpu.dma_semaphore, #tpu.memory_space<semaphore_mem>>
      %dma_start3A_98 = arith.constant 0 : i32
      %dma_start3A_99 = arith.constant 0 : i32
      %dma_start3A_100 = tpu.memref_slice %arg2[%run_scoped3A_0, %arg1, %dma_start3A_98, %dma_start3A_99] : memref<2x16x160x125xi32, #tpu.memory_space<hbm>> -> memref<1x1x160x125xi32, #tpu.memory_space<hbm>>
      %dma_start3A_101 = tpu.memref_squeeze %dma_start3A_100 : memref<1x1x160x125xi32, #tpu.memory_space<hbm>> -> memref<160x125xi32, #tpu.memory_space<hbm>>
      %dma_start3A_102 = arith.constant 0 : i32
      %dma_start3A_103 = arith.constant 0 : i32
      %dma_start3A_104 = tpu.memref_slice %arg2[%run_scoped3A_0, %arg1, %dma_start3A_102, %dma_start3A_103] : memref<2x16x160x125xi32, #tpu.memory_space<hbm>> -> memref<1x1x160x125xi32, #tpu.memory_space<hbm>>
      %dma_start3A_105 = tpu.memref_squeeze %dma_start3A_104 : memref<1x1x160x125xi32, #tpu.memory_space<hbm>> -> memref<160x125xi32, #tpu.memory_space<hbm>>
      tpu.enqueue_dma source(%dma_start3A_105 : memref<160x125xi32, #tpu.memory_space<hbm>>) target(%arg7 : memref<160x125xi32, #tpu.memory_space<vmem>>) target_semaphore(%run_scoped3A_97 : memref<!tpu.dma_semaphore, #tpu.memory_space<semaphore_mem>>)
      %dma_wait3A_106 = arith.constant 0 : i32
      %dma_wait3A_107 = arith.constant 0 : i32
      %dma_wait3A_108 = tpu.memref_slice %arg2[%run_scoped3A_0, %arg1, %dma_wait3A_106, %dma_wait3A_107] : memref<2x16x160x125xi32, #tpu.memory_space<hbm>> -> memref<1x1x160x125xi32, #tpu.memory_space<hbm>>
      %dma_wait3A_109 = tpu.memref_squeeze %dma_wait3A_108 : memref<1x1x160x125xi32, #tpu.memory_space<hbm>> -> memref<160x125xi32, #tpu.memory_space<hbm>>
      %dma_wait3A_110 = arith.constant 0 : i32
      %dma_wait3A_111 = arith.constant 0 : i32
      %dma_wait3A_112 = tpu.memref_slice %arg2[%run_scoped3A_0, %arg1, %dma_wait3A_110, %dma_wait3A_111] : memref<2x16x160x125xi32, #tpu.memory_space<hbm>> -> memref<1x1x160x125xi32, #tpu.memory_space<hbm>>
      %dma_wait3A_113 = tpu.memref_squeeze %dma_wait3A_112 : memref<1x1x160x125xi32, #tpu.memory_space<hbm>> -> memref<160x125xi32, #tpu.memory_space<hbm>>
      tpu.wait_dma2 semaphore(%run_scoped3A_97 : memref<!tpu.dma_semaphore, #tpu.memory_space<semaphore_mem>>) src(%dma_wait3A_113 : memref<160x125xi32, #tpu.memory_space<hbm>>) dst(%arg7 : memref<160x125xi32, #tpu.memory_space<vmem>>)
      tpu.yield
    }) : () -> ()
    %mul3A = arith.constant 640 : i32
    %mul3A_1 = arith.muli %arg1, %mul3A : i32
    "tpu.region"() ({
      %run_scoped3A_97 = tpu.sem_alloc : memref<!tpu.dma_semaphore, #tpu.memory_space<semaphore_mem>>
      %dma_start3A_98 = arith.constant 0 : i32
      %dma_start3A_99 = tpu.memref_slice %arg9[%mul3A_1, %dma_start3A_98] : memref<10240x64xf32, #tpu.memory_space<vmem_shared>> -> memref<640x64xf32, #tpu.memory_space<vmem_shared>>
      tpu.enqueue_dma source(%arg4 : memref<640x64xf32, #tpu.memory_space<hbm>>) target(%dma_start3A_99 : memref<640x64xf32, #tpu.memory_space<vmem_shared>>) target_semaphore(%run_scoped3A_97 : memref<!tpu.dma_semaphore, #tpu.memory_space<semaphore_mem>>)
      %dma_wait3A_100 = arith.constant 0 : i32
      %dma_wait3A_101 = tpu.memref_slice %arg9[%mul3A_1, %dma_wait3A_100] : memref<10240x64xf32, #tpu.memory_space<vmem_shared>> -> memref<640x64xf32, #tpu.memory_space<vmem_shared>>
      tpu.wait_dma2 semaphore(%run_scoped3A_97 : memref<!tpu.dma_semaphore, #tpu.memory_space<semaphore_mem>>) src(%arg4 : memref<640x64xf32, #tpu.memory_space<hbm>>) dst(%dma_wait3A_101 : memref<640x64xf32, #tpu.memory_space<vmem_shared>>)
      tpu.yield
    }) : () -> ()
    %barrier3A = arith.constant 0 : index
    tpu.barrier barrier_id(%barrier3A)
    %dma_start3A = arith.constant 0 : i32
    %dma_start3A_2 = arith.constant 0 : i32
    %dma_start3A_3 = arith.constant 0 : i32
    %dma_start3A_4 = arith.constant 0 : i32
    %dma_start3A_5 = arith.constant 0 : i32
    %dma_start3A_6 = tpu.memref_slice %arg8[%dma_start3A_2, %dma_start3A_4, %dma_start3A_5] : memref<5x125x64xf32, #tpu.memory_space<vmem>> -> memref<1x125x64xf32, #tpu.memory_space<vmem>>
    %dma_start3A_7 = tpu.memref_squeeze %dma_start3A_6 : memref<1x125x64xf32, #tpu.memory_space<vmem>> -> memref<125x64xf32, #tpu.memory_space<vmem>>
    %dma_start3A_8 = arith.constant 0 : i32
    %dma_start3A_9 = tpu.memref_slice %arg6[%dma_start3A, %dma_start3A_8] : memref<160x125xi32, #tpu.memory_space<vmem>> -> memref<1x125xi32, #tpu.memory_space<vmem>>
    %dma_start3A_10 = tpu.memref_squeeze %dma_start3A_9 : memref<1x125xi32, #tpu.memory_space<vmem>> -> memref<125xi32, #tpu.memory_space<vmem>>
    %dma_start3A_11 = arith.constant 0 : i32
    %dma_start3A_12 = arith.constant 0 : i32
    %dma_start3A_13 = tpu.memref_slice %arg3[%arg0, %dma_start3A_11, %dma_start3A_12] : memref<2x10000x64xf32, #tpu.memory_space<hbm>> -> memref<1x10000x64xf32, #tpu.memory_space<hbm>>
    %dma_start3A_14 = tpu.memref_squeeze %dma_start3A_13 : memref<1x10000x64xf32, #tpu.memory_space<hbm>> -> memref<10000x64xf32, #tpu.memory_space<hbm>>
    %dma_start3A_15 = arith.constant 0 : i32
    %dma_start3A_16 = arith.constant 0 : i32
    %dma_start3A_17 = tpu.memref_slice %dma_start3A_14[%dma_start3A_15, %dma_start3A_16] : memref<10000x64xf32, #tpu.memory_space<hbm>> -> memref<10000x64xf32, #tpu.memory_space<hbm>>
    %dma_start3A_18 = tpu.memref_slice %arg10[%dma_start3A_3] : memref<5x!tpu.dma_semaphore, #tpu.memory_space<semaphore_mem>> -> memref<1x!tpu.dma_semaphore, #tpu.memory_space<semaphore_mem>>
    %dma_start3A_19 = tpu.memref_squeeze %dma_start3A_18 : memref<1x!tpu.dma_semaphore, #tpu.memory_space<semaphore_mem>> -> memref<!tpu.dma_semaphore, #tpu.memory_space<semaphore_mem>>
    tpu.enqueue_indirect_dma source(%dma_start3A_17 : memref<10000x64xf32, #tpu.memory_space<hbm>>) target(%dma_start3A_7 : memref<125x64xf32, #tpu.memory_space<vmem>>) offsets(%dma_start3A_10 : memref<125xi32, #tpu.memory_space<vmem>>) semaphore(%dma_start3A_19 : memref<!tpu.dma_semaphore, #tpu.memory_space<semaphore_mem>>)
    %dma_start3A_20 = arith.constant 1 : i32
    %dma_start3A_21 = arith.constant 1 : i32
    %dma_start3A_22 = arith.constant 1 : i32
    %dma_start3A_23 = arith.constant 0 : i32
    %dma_start3A_24 = arith.constant 0 : i32
    %dma_start3A_25 = tpu.memref_slice %arg8[%dma_start3A_21, %dma_start3A_23, %dma_start3A_24] : memref<5x125x64xf32, #tpu.memory_space<vmem>> -> memref<1x125x64xf32, #tpu.memory_space<vmem>>
    %dma_start3A_26 = tpu.memref_squeeze %dma_start3A_25 : memref<1x125x64xf32, #tpu.memory_space<vmem>> -> memref<125x64xf32, #tpu.memory_space<vmem>>
    %dma_start3A_27 = arith.constant 0 : i32
    %dma_start3A_28 = tpu.memref_slice %arg6[%dma_start3A_20, %dma_start3A_27] : memref<160x125xi32, #tpu.memory_space<vmem>> -> memref<1x125xi32, #tpu.memory_space<vmem>>
    %dma_start3A_29 = tpu.memref_squeeze %dma_start3A_28 : memref<1x125xi32, #tpu.memory_space<vmem>> -> memref<125xi32, #tpu.memory_space<vmem>>
    %dma_start3A_30 = arith.constant 0 : i32
    %dma_start3A_31 = arith.constant 0 : i32
    %dma_start3A_32 = tpu.memref_slice %arg3[%arg0, %dma_start3A_30, %dma_start3A_31] : memref<2x10000x64xf32, #tpu.memory_space<hbm>> -> memref<1x10000x64xf32, #tpu.memory_space<hbm>>
    %dma_start3A_33 = tpu.memref_squeeze %dma_start3A_32 : memref<1x10000x64xf32, #tpu.memory_space<hbm>> -> memref<10000x64xf32, #tpu.memory_space<hbm>>
    %dma_start3A_34 = arith.constant 0 : i32
    %dma_start3A_35 = arith.constant 0 : i32
    %dma_start3A_36 = tpu.memref_slice %dma_start3A_33[%dma_start3A_34, %dma_start3A_35] : memref<10000x64xf32, #tpu.memory_space<hbm>> -> memref<10000x64xf32, #tpu.memory_space<hbm>>
    %dma_start3A_37 = tpu.memref_slice %arg10[%dma_start3A_22] : memref<5x!tpu.dma_semaphore, #tpu.memory_space<semaphore_mem>> -> memref<1x!tpu.dma_semaphore, #tpu.memory_space<semaphore_mem>>
    %dma_start3A_38 = tpu.memref_squeeze %dma_start3A_37 : memref<1x!tpu.dma_semaphore, #tpu.memory_space<semaphore_mem>> -> memref<!tpu.dma_semaphore, #tpu.memory_space<semaphore_mem>>
    tpu.enqueue_indirect_dma source(%dma_start3A_36 : memref<10000x64xf32, #tpu.memory_space<hbm>>) target(%dma_start3A_26 : memref<125x64xf32, #tpu.memory_space<vmem>>) offsets(%dma_start3A_29 : memref<125xi32, #tpu.memory_space<vmem>>) semaphore(%dma_start3A_38 : memref<!tpu.dma_semaphore, #tpu.memory_space<semaphore_mem>>)
    %dma_start3A_39 = arith.constant 2 : i32
    %dma_start3A_40 = arith.constant 2 : i32
    %dma_start3A_41 = arith.constant 2 : i32
    %dma_start3A_42 = arith.constant 0 : i32
    %dma_start3A_43 = arith.constant 0 : i32
    %dma_start3A_44 = tpu.memref_slice %arg8[%dma_start3A_40, %dma_start3A_42, %dma_start3A_43] : memref<5x125x64xf32, #tpu.memory_space<vmem>> -> memref<1x125x64xf32, #tpu.memory_space<vmem>>
    %dma_start3A_45 = tpu.memref_squeeze %dma_start3A_44 : memref<1x125x64xf32, #tpu.memory_space<vmem>> -> memref<125x64xf32, #tpu.memory_space<vmem>>
    %dma_start3A_46 = arith.constant 0 : i32
    %dma_start3A_47 = tpu.memref_slice %arg6[%dma_start3A_39, %dma_start3A_46] : memref<160x125xi32, #tpu.memory_space<vmem>> -> memref<1x125xi32, #tpu.memory_space<vmem>>
    %dma_start3A_48 = tpu.memref_squeeze %dma_start3A_47 : memref<1x125xi32, #tpu.memory_space<vmem>> -> memref<125xi32, #tpu.memory_space<vmem>>
    %dma_start3A_49 = arith.constant 0 : i32
    %dma_start3A_50 = arith.constant 0 : i32
    %dma_start3A_51 = tpu.memref_slice %arg3[%arg0, %dma_start3A_49, %dma_start3A_50] : memref<2x10000x64xf32, #tpu.memory_space<hbm>> -> memref<1x10000x64xf32, #tpu.memory_space<hbm>>
    %dma_start3A_52 = tpu.memref_squeeze %dma_start3A_51 : memref<1x10000x64xf32, #tpu.memory_space<hbm>> -> memref<10000x64xf32, #tpu.memory_space<hbm>>
    %dma_start3A_53 = arith.constant 0 : i32
    %dma_start3A_54 = arith.constant 0 : i32
    %dma_start3A_55 = tpu.memref_slice %dma_start3A_52[%dma_start3A_53, %dma_start3A_54] : memref<10000x64xf32, #tpu.memory_space<hbm>> -> memref<10000x64xf32, #tpu.memory_space<hbm>>
    %dma_start3A_56 = tpu.memref_slice %arg10[%dma_start3A_41] : memref<5x!tpu.dma_semaphore, #tpu.memory_space<semaphore_mem>> -> memref<1x!tpu.dma_semaphore, #tpu.memory_space<semaphore_mem>>
    %dma_start3A_57 = tpu.memref_squeeze %dma_start3A_56 : memref<1x!tpu.dma_semaphore, #tpu.memory_space<semaphore_mem>> -> memref<!tpu.dma_semaphore, #tpu.memory_space<semaphore_mem>>
    tpu.enqueue_indirect_dma source(%dma_start3A_55 : memref<10000x64xf32, #tpu.memory_space<hbm>>) target(%dma_start3A_45 : memref<125x64xf32, #tpu.memory_space<vmem>>) offsets(%dma_start3A_48 : memref<125xi32, #tpu.memory_space<vmem>>) semaphore(%dma_start3A_57 : memref<!tpu.dma_semaphore, #tpu.memory_space<semaphore_mem>>)
    %scan3A = arith.constant 0 : i32
    %scan3A_58 = arith.constant 0 : i32
    %scan3A_59 = arith.constant 32 : i32
    %scan3A_60 = arith.addi %scan3A_58, %scan3A_59 : i32
    %scan3A_61 = arith.constant 1 : i32
    scf.for %scan3A_97 = %scan3A_58 to %scan3A_60 step %scan3A_61  : i32 {
      %mul3A_98 = arith.constant 5 : i32
      %mul3A_99 = arith.muli %scan3A_97, %mul3A_98 : i32
      %add3A = arith.constant 0 : i32
      %add3A_100 = arith.addi %mul3A_99, %add3A : i32
      %dma_wait3A_101 = arith.constant 0 : i32
      %dma_wait3A_102 = arith.constant 0 : i32
      %dma_wait3A_103 = arith.constant 0 : i32
      %dma_wait3A_104 = arith.constant 0 : i32
      %dma_wait3A_105 = tpu.memref_slice %arg8[%dma_wait3A_101, %dma_wait3A_103, %dma_wait3A_104] : memref<5x125x64xf32, #tpu.memory_space<vmem>> -> memref<1x125x64xf32, #tpu.memory_space<vmem>>
      %dma_wait3A_106 = tpu.memref_squeeze %dma_wait3A_105 : memref<1x125x64xf32, #tpu.memory_space<vmem>> -> memref<125x64xf32, #tpu.memory_space<vmem>>
      %dma_wait3A_107 = arith.constant 0 : i32
      %dma_wait3A_108 = tpu.memref_slice %arg6[%add3A_100, %dma_wait3A_107] : memref<160x125xi32, #tpu.memory_space<vmem>> -> memref<1x125xi32, #tpu.memory_space<vmem>>
      %dma_wait3A_109 = tpu.memref_squeeze %dma_wait3A_108 : memref<1x125xi32, #tpu.memory_space<vmem>> -> memref<125xi32, #tpu.memory_space<vmem>>
      %dma_wait3A_110 = arith.constant 0 : i32
      %dma_wait3A_111 = arith.constant 0 : i32
      %dma_wait3A_112 = tpu.memref_slice %arg3[%arg0, %dma_wait3A_110, %dma_wait3A_111] : memref<2x10000x64xf32, #tpu.memory_space<hbm>> -> memref<1x10000x64xf32, #tpu.memory_space<hbm>>
      %dma_wait3A_113 = tpu.memref_squeeze %dma_wait3A_112 : memref<1x10000x64xf32, #tpu.memory_space<hbm>> -> memref<10000x64xf32, #tpu.memory_space<hbm>>
      %dma_wait3A_114 = arith.constant 0 : i32
      %dma_wait3A_115 = arith.constant 0 : i32
      %dma_wait3A_116 = tpu.memref_slice %dma_wait3A_113[%dma_wait3A_114, %dma_wait3A_115] : memref<10000x64xf32, #tpu.memory_space<hbm>> -> memref<10000x64xf32, #tpu.memory_space<hbm>>
      %dma_wait3A_117 = tpu.memref_slice %arg10[%dma_wait3A_102] : memref<5x!tpu.dma_semaphore, #tpu.memory_space<semaphore_mem>> -> memref<1x!tpu.dma_semaphore, #tpu.memory_space<semaphore_mem>>
      %dma_wait3A_118 = tpu.memref_squeeze %dma_wait3A_117 : memref<1x!tpu.dma_semaphore, #tpu.memory_space<semaphore_mem>> -> memref<!tpu.dma_semaphore, #tpu.memory_space<semaphore_mem>>
      tpu.wait_indirect_dma semaphore(%dma_wait3A_118 : memref<!tpu.dma_semaphore, #tpu.memory_space<semaphore_mem>>) src(%dma_wait3A_116 : memref<10000x64xf32, #tpu.memory_space<hbm>>) dst(%dma_wait3A_106 : memref<125x64xf32, #tpu.memory_space<vmem>>)
      %dma_start3A_119 = arith.constant 0 : i32
      %dma_start3A_120 = arith.constant 0 : i32
      %dma_start3A_121 = arith.constant 0 : i32
      %dma_start3A_122 = arith.constant 0 : i32
      %dma_start3A_123 = tpu.memref_slice %arg8[%dma_start3A_119, %dma_start3A_121, %dma_start3A_122] : memref<5x125x64xf32, #tpu.memory_space<vmem>> -> memref<1x125x64xf32, #tpu.memory_space<vmem>>
      %dma_start3A_124 = tpu.memref_squeeze %dma_start3A_123 : memref<1x125x64xf32, #tpu.memory_space<vmem>> -> memref<125x64xf32, #tpu.memory_space<vmem>>
      %dma_start3A_125 = arith.constant 0 : i32
      %dma_start3A_126 = tpu.memref_slice %arg7[%add3A_100, %dma_start3A_125] : memref<160x125xi32, #tpu.memory_space<vmem>> -> memref<1x125xi32, #tpu.memory_space<vmem>>
      %dma_start3A_127 = tpu.memref_squeeze %dma_start3A_126 : memref<1x125xi32, #tpu.memory_space<vmem>> -> memref<125xi32, #tpu.memory_space<vmem>>
      %dma_start3A_128 = arith.constant 0 : i32
      %dma_start3A_129 = arith.constant 0 : i32
      %dma_start3A_130 = tpu.memref_slice %arg9[%dma_start3A_128, %dma_start3A_129] : memref<10240x64xf32, #tpu.memory_space<vmem_shared>> -> memref<10240x64xf32, #tpu.memory_space<vmem_shared>>
      %dma_start3A_131 = tpu.memref_slice %arg11[%dma_start3A_120] : memref<5x!tpu.dma_semaphore, #tpu.memory_space<semaphore_mem>> -> memref<1x!tpu.dma_semaphore, #tpu.memory_space<semaphore_mem>>
      %dma_start3A_132 = tpu.memref_squeeze %dma_start3A_131 : memref<1x!tpu.dma_semaphore, #tpu.memory_space<semaphore_mem>> -> memref<!tpu.dma_semaphore, #tpu.memory_space<semaphore_mem>>
      tpu.enqueue_indirect_dma source(%dma_start3A_124 : memref<125x64xf32, #tpu.memory_space<vmem>>) target(%dma_start3A_130 : memref<10240x64xf32, #tpu.memory_space<vmem_shared>>) offsets(%dma_start3A_127 : memref<125xi32, #tpu.memory_space<vmem>>) semaphore(%dma_start3A_132 : memref<!tpu.dma_semaphore, #tpu.memory_space<semaphore_mem>>) {add = true}
      %ge3A = arith.constant 2 : i32
      %ge3A_133 = arith.cmpi sge, %add3A_100, %ge3A : i32
      %convert_element_type3A = arith.extui %ge3A_133 : i1 to i32
      %cond3A = arith.constant 0 : i32
      %cond3A_134 = arith.cmpi ne, %convert_element_type3A, %cond3A : i32
      scf.if %cond3A_134 {
        %dma_wait3A_325 = arith.constant 3 : i32
        %dma_wait3A_326 = arith.constant 0 : i32
        %dma_wait3A_327 = arith.constant 3 : i32
        %dma_wait3A_328 = arith.constant 0 : i32
        %dma_wait3A_329 = arith.constant 0 : i32
        %dma_wait3A_330 = tpu.memref_slice %arg8[%dma_wait3A_325, %dma_wait3A_328, %dma_wait3A_329] : memref<5x125x64xf32, #tpu.memory_space<vmem>> -> memref<1x125x64xf32, #tpu.memory_space<vmem>>
        %dma_wait3A_331 = tpu.memref_squeeze %dma_wait3A_330 : memref<1x125x64xf32, #tpu.memory_space<vmem>> -> memref<125x64xf32, #tpu.memory_space<vmem>>
        %dma_wait3A_332 = arith.constant 0 : i32
        %dma_wait3A_333 = tpu.memref_slice %arg7[%dma_wait3A_326, %dma_wait3A_332] : memref<160x125xi32, #tpu.memory_space<vmem>> -> memref<1x125xi32, #tpu.memory_space<vmem>>
        %dma_wait3A_334 = tpu.memref_squeeze %dma_wait3A_333 : memref<1x125xi32, #tpu.memory_space<vmem>> -> memref<125xi32, #tpu.memory_space<vmem>>
        %dma_wait3A_335 = arith.constant 0 : i32
        %dma_wait3A_336 = arith.constant 0 : i32
        %dma_wait3A_337 = tpu.memref_slice %arg9[%dma_wait3A_335, %dma_wait3A_336] : memref<10240x64xf32, #tpu.memory_space<vmem_shared>> -> memref<10240x64xf32, #tpu.memory_space<vmem_shared>>
        %dma_wait3A_338 = tpu.memref_slice %arg11[%dma_wait3A_327] : memref<5x!tpu.dma_semaphore, #tpu.memory_space<semaphore_mem>> -> memref<1x!tpu.dma_semaphore, #tpu.memory_space<semaphore_mem>>
        %dma_wait3A_339 = tpu.memref_squeeze %dma_wait3A_338 : memref<1x!tpu.dma_semaphore, #tpu.memory_space<semaphore_mem>> -> memref<!tpu.dma_semaphore, #tpu.memory_space<semaphore_mem>>
        tpu.wait_indirect_dma semaphore(%dma_wait3A_339 : memref<!tpu.dma_semaphore, #tpu.memory_space<semaphore_mem>>) src(%dma_wait3A_331 : memref<125x64xf32, #tpu.memory_space<vmem>>) dst(%dma_wait3A_337 : memref<10240x64xf32, #tpu.memory_space<vmem_shared>>)
      } else {
      }
      %add3A_135 = arith.constant 3 : i32
      %add3A_136 = arith.addi %add3A_100, %add3A_135 : i32
      %lt3A = arith.constant 160 : i32
      %lt3A_137 = arith.cmpi slt, %add3A_136, %lt3A : i32
      %convert_element_type3A_138 = arith.extui %lt3A_137 : i1 to i32
      %cond3A_139 = arith.constant 0 : i32
      %cond3A_140 = arith.cmpi ne, %convert_element_type3A_138, %cond3A_139 : i32
      scf.if %cond3A_140 {
        %add3A_325 = arith.constant 3 : i32
        %add3A_326 = arith.addi %add3A_100, %add3A_325 : i32
        %dma_start3A_327 = arith.constant 3 : i32
        %dma_start3A_328 = arith.constant 3 : i32
        %dma_start3A_329 = arith.constant 0 : i32
        %dma_start3A_330 = arith.constant 0 : i32
        %dma_start3A_331 = tpu.memref_slice %arg8[%dma_start3A_327, %dma_start3A_329, %dma_start3A_330] : memref<5x125x64xf32, #tpu.memory_space<vmem>> -> memref<1x125x64xf32, #tpu.memory_space<vmem>>
        %dma_start3A_332 = tpu.memref_squeeze %dma_start3A_331 : memref<1x125x64xf32, #tpu.memory_space<vmem>> -> memref<125x64xf32, #tpu.memory_space<vmem>>
        %dma_start3A_333 = arith.constant 0 : i32
        %dma_start3A_334 = tpu.memref_slice %arg6[%add3A_326, %dma_start3A_333] : memref<160x125xi32, #tpu.memory_space<vmem>> -> memref<1x125xi32, #tpu.memory_space<vmem>>
        %dma_start3A_335 = tpu.memref_squeeze %dma_start3A_334 : memref<1x125xi32, #tpu.memory_space<vmem>> -> memref<125xi32, #tpu.memory_space<vmem>>
        %dma_start3A_336 = arith.constant 0 : i32
        %dma_start3A_337 = arith.constant 0 : i32
        %dma_start3A_338 = tpu.memref_slice %arg3[%arg0, %dma_start3A_336, %dma_start3A_337] : memref<2x10000x64xf32, #tpu.memory_space<hbm>> -> memref<1x10000x64xf32, #tpu.memory_space<hbm>>
        %dma_start3A_339 = tpu.memref_squeeze %dma_start3A_338 : memref<1x10000x64xf32, #tpu.memory_space<hbm>> -> memref<10000x64xf32, #tpu.memory_space<hbm>>
        %dma_start3A_340 = arith.constant 0 : i32
        %dma_start3A_341 = arith.constant 0 : i32
        %dma_start3A_342 = tpu.memref_slice %dma_start3A_339[%dma_start3A_340, %dma_start3A_341] : memref<10000x64xf32, #tpu.memory_space<hbm>> -> memref<10000x64xf32, #tpu.memory_space<hbm>>
        %dma_start3A_343 = tpu.memref_slice %arg10[%dma_start3A_328] : memref<5x!tpu.dma_semaphore, #tpu.memory_space<semaphore_mem>> -> memref<1x!tpu.dma_semaphore, #tpu.memory_space<semaphore_mem>>
        %dma_start3A_344 = tpu.memref_squeeze %dma_start3A_343 : memref<1x!tpu.dma_semaphore, #tpu.memory_space<semaphore_mem>> -> memref<!tpu.dma_semaphore, #tpu.memory_space<semaphore_mem>>
        tpu.enqueue_indirect_dma source(%dma_start3A_342 : memref<10000x64xf32, #tpu.memory_space<hbm>>) target(%dma_start3A_332 : memref<125x64xf32, #tpu.memory_space<vmem>>) offsets(%dma_start3A_335 : memref<125xi32, #tpu.memory_space<vmem>>) semaphore(%dma_start3A_344 : memref<!tpu.dma_semaphore, #tpu.memory_space<semaphore_mem>>)
      } else {
      }
      %add3A_141 = arith.constant 1 : i32
      %add3A_142 = arith.addi %mul3A_99, %add3A_141 : i32
      %dma_wait3A_143 = arith.constant 1 : i32
      %dma_wait3A_144 = arith.constant 1 : i32
      %dma_wait3A_145 = arith.constant 0 : i32
      %dma_wait3A_146 = arith.constant 0 : i32
      %dma_wait3A_147 = tpu.memref_slice %arg8[%dma_wait3A_143, %dma_wait3A_145, %dma_wait3A_146] : memref<5x125x64xf32, #tpu.memory_space<vmem>> -> memref<1x125x64xf32, #tpu.memory_space<vmem>>
      %dma_wait3A_148 = tpu.memref_squeeze %dma_wait3A_147 : memref<1x125x64xf32, #tpu.memory_space<vmem>> -> memref<125x64xf32, #tpu.memory_space<vmem>>
      %dma_wait3A_149 = arith.constant 0 : i32
      %dma_wait3A_150 = tpu.memref_slice %arg6[%add3A_142, %dma_wait3A_149] : memref<160x125xi32, #tpu.memory_space<vmem>> -> memref<1x125xi32, #tpu.memory_space<vmem>>
      %dma_wait3A_151 = tpu.memref_squeeze %dma_wait3A_150 : memref<1x125xi32, #tpu.memory_space<vmem>> -> memref<125xi32, #tpu.memory_space<vmem>>
      %dma_wait3A_152 = arith.constant 0 : i32
      %dma_wait3A_153 = arith.constant 0 : i32
      %dma_wait3A_154 = tpu.memref_slice %arg3[%arg0, %dma_wait3A_152, %dma_wait3A_153] : memref<2x10000x64xf32, #tpu.memory_space<hbm>> -> memref<1x10000x64xf32, #tpu.memory_space<hbm>>
      %dma_wait3A_155 = tpu.memref_squeeze %dma_wait3A_154 : memref<1x10000x64xf32, #tpu.memory_space<hbm>> -> memref<10000x64xf32, #tpu.memory_space<hbm>>
      %dma_wait3A_156 = arith.constant 0 : i32
      %dma_wait3A_157 = arith.constant 0 : i32
      %dma_wait3A_158 = tpu.memref_slice %dma_wait3A_155[%dma_wait3A_156, %dma_wait3A_157] : memref<10000x64xf32, #tpu.memory_space<hbm>> -> memref<10000x64xf32, #tpu.memory_space<hbm>>
      %dma_wait3A_159 = tpu.memref_slice %arg10[%dma_wait3A_144] : memref<5x!tpu.dma_semaphore, #tpu.memory_space<semaphore_mem>> -> memref<1x!tpu.dma_semaphore, #tpu.memory_space<semaphore_mem>>
      %dma_wait3A_160 = tpu.memref_squeeze %dma_wait3A_159 : memref<1x!tpu.dma_semaphore, #tpu.memory_space<semaphore_mem>> -> memref<!tpu.dma_semaphore, #tpu.memory_space<semaphore_mem>>
      tpu.wait_indirect_dma semaphore(%dma_wait3A_160 : memref<!tpu.dma_semaphore, #tpu.memory_space<semaphore_mem>>) src(%dma_wait3A_158 : memref<10000x64xf32, #tpu.memory_space<hbm>>) dst(%dma_wait3A_148 : memref<125x64xf32, #tpu.memory_space<vmem>>)
      %dma_start3A_161 = arith.constant 1 : i32
      %dma_start3A_162 = arith.constant 1 : i32
      %dma_start3A_163 = arith.constant 0 : i32
      %dma_start3A_164 = arith.constant 0 : i32
      %dma_start3A_165 = tpu.memref_slice %arg8[%dma_start3A_161, %dma_start3A_163, %dma_start3A_164] : memref<5x125x64xf32, #tpu.memory_space<vmem>> -> memref<1x125x64xf32, #tpu.memory_space<vmem>>
      %dma_start3A_166 = tpu.memref_squeeze %dma_start3A_165 : memref<1x125x64xf32, #tpu.memory_space<vmem>> -> memref<125x64xf32, #tpu.memory_space<vmem>>
      %dma_start3A_167 = arith.constant 0 : i32
      %dma_start3A_168 = tpu.memref_slice %arg7[%add3A_142, %dma_start3A_167] : memref<160x125xi32, #tpu.memory_space<vmem>> -> memref<1x125xi32, #tpu.memory_space<vmem>>
      %dma_start3A_169 = tpu.memref_squeeze %dma_start3A_168 : memref<1x125xi32, #tpu.memory_space<vmem>> -> memref<125xi32, #tpu.memory_space<vmem>>
      %dma_start3A_170 = arith.constant 0 : i32
      %dma_start3A_171 = arith.constant 0 : i32
      %dma_start3A_172 = tpu.memref_slice %arg9[%dma_start3A_170, %dma_start3A_171] : memref<10240x64xf32, #tpu.memory_space<vmem_shared>> -> memref<10240x64xf32, #tpu.memory_space<vmem_shared>>
      %dma_start3A_173 = tpu.memref_slice %arg11[%dma_start3A_162] : memref<5x!tpu.dma_semaphore, #tpu.memory_space<semaphore_mem>> -> memref<1x!tpu.dma_semaphore, #tpu.memory_space<semaphore_mem>>
      %dma_start3A_174 = tpu.memref_squeeze %dma_start3A_173 : memref<1x!tpu.dma_semaphore, #tpu.memory_space<semaphore_mem>> -> memref<!tpu.dma_semaphore, #tpu.memory_space<semaphore_mem>>
      tpu.enqueue_indirect_dma source(%dma_start3A_166 : memref<125x64xf32, #tpu.memory_space<vmem>>) target(%dma_start3A_172 : memref<10240x64xf32, #tpu.memory_space<vmem_shared>>) offsets(%dma_start3A_169 : memref<125xi32, #tpu.memory_space<vmem>>) semaphore(%dma_start3A_174 : memref<!tpu.dma_semaphore, #tpu.memory_space<semaphore_mem>>) {add = true}
      %ge3A_175 = arith.constant 2 : i32
      %ge3A_176 = arith.cmpi sge, %add3A_142, %ge3A_175 : i32
      %convert_element_type3A_177 = arith.extui %ge3A_176 : i1 to i32
      %cond3A_178 = arith.constant 0 : i32
      %cond3A_179 = arith.cmpi ne, %convert_element_type3A_177, %cond3A_178 : i32
      scf.if %cond3A_179 {
        %dma_wait3A_325 = arith.constant 4 : i32
        %dma_wait3A_326 = arith.constant 0 : i32
        %dma_wait3A_327 = arith.constant 4 : i32
        %dma_wait3A_328 = arith.constant 0 : i32
        %dma_wait3A_329 = arith.constant 0 : i32
        %dma_wait3A_330 = tpu.memref_slice %arg8[%dma_wait3A_325, %dma_wait3A_328, %dma_wait3A_329] : memref<5x125x64xf32, #tpu.memory_space<vmem>> -> memref<1x125x64xf32, #tpu.memory_space<vmem>>
        %dma_wait3A_331 = tpu.memref_squeeze %dma_wait3A_330 : memref<1x125x64xf32, #tpu.memory_space<vmem>> -> memref<125x64xf32, #tpu.memory_space<vmem>>
        %dma_wait3A_332 = arith.constant 0 : i32
        %dma_wait3A_333 = tpu.memref_slice %arg7[%dma_wait3A_326, %dma_wait3A_332] : memref<160x125xi32, #tpu.memory_space<vmem>> -> memref<1x125xi32, #tpu.memory_space<vmem>>
        %dma_wait3A_334 = tpu.memref_squeeze %dma_wait3A_333 : memref<1x125xi32, #tpu.memory_space<vmem>> -> memref<125xi32, #tpu.memory_space<vmem>>
        %dma_wait3A_335 = arith.constant 0 : i32
        %dma_wait3A_336 = arith.constant 0 : i32
        %dma_wait3A_337 = tpu.memref_slice %arg9[%dma_wait3A_335, %dma_wait3A_336] : memref<10240x64xf32, #tpu.memory_space<vmem_shared>> -> memref<10240x64xf32, #tpu.memory_space<vmem_shared>>
        %dma_wait3A_338 = tpu.memref_slice %arg11[%dma_wait3A_327] : memref<5x!tpu.dma_semaphore, #tpu.memory_space<semaphore_mem>> -> memref<1x!tpu.dma_semaphore, #tpu.memory_space<semaphore_mem>>
        %dma_wait3A_339 = tpu.memref_squeeze %dma_wait3A_338 : memref<1x!tpu.dma_semaphore, #tpu.memory_space<semaphore_mem>> -> memref<!tpu.dma_semaphore, #tpu.memory_space<semaphore_mem>>
        tpu.wait_indirect_dma semaphore(%dma_wait3A_339 : memref<!tpu.dma_semaphore, #tpu.memory_space<semaphore_mem>>) src(%dma_wait3A_331 : memref<125x64xf32, #tpu.memory_space<vmem>>) dst(%dma_wait3A_337 : memref<10240x64xf32, #tpu.memory_space<vmem_shared>>)
      } else {
      }
      %add3A_180 = arith.constant 3 : i32
      %add3A_181 = arith.addi %add3A_142, %add3A_180 : i32
      %lt3A_182 = arith.constant 160 : i32
      %lt3A_183 = arith.cmpi slt, %add3A_181, %lt3A_182 : i32
      %convert_element_type3A_184 = arith.extui %lt3A_183 : i1 to i32
      %cond3A_185 = arith.constant 0 : i32
      %cond3A_186 = arith.cmpi ne, %convert_element_type3A_184, %cond3A_185 : i32
      scf.if %cond3A_186 {
        %add3A_325 = arith.constant 3 : i32
        %add3A_326 = arith.addi %add3A_142, %add3A_325 : i32
        %dma_start3A_327 = arith.constant 4 : i32
        %dma_start3A_328 = arith.constant 4 : i32
        %dma_start3A_329 = arith.constant 0 : i32
        %dma_start3A_330 = arith.constant 0 : i32
        %dma_start3A_331 = tpu.memref_slice %arg8[%dma_start3A_327, %dma_start3A_329, %dma_start3A_330] : memref<5x125x64xf32, #tpu.memory_space<vmem>> -> memref<1x125x64xf32, #tpu.memory_space<vmem>>
        %dma_start3A_332 = tpu.memref_squeeze %dma_start3A_331 : memref<1x125x64xf32, #tpu.memory_space<vmem>> -> memref<125x64xf32, #tpu.memory_space<vmem>>
        %dma_start3A_333 = arith.constant 0 : i32
        %dma_start3A_334 = tpu.memref_slice %arg6[%add3A_326, %dma_start3A_333] : memref<160x125xi32, #tpu.memory_space<vmem>> -> memref<1x125xi32, #tpu.memory_space<vmem>>
        %dma_start3A_335 = tpu.memref_squeeze %dma_start3A_334 : memref<1x125xi32, #tpu.memory_space<vmem>> -> memref<125xi32, #tpu.memory_space<vmem>>
        %dma_start3A_336 = arith.constant 0 : i32
        %dma_start3A_337 = arith.constant 0 : i32
        %dma_start3A_338 = tpu.memref_slice %arg3[%arg0, %dma_start3A_336, %dma_start3A_337] : memref<2x10000x64xf32, #tpu.memory_space<hbm>> -> memref<1x10000x64xf32, #tpu.memory_space<hbm>>
        %dma_start3A_339 = tpu.memref_squeeze %dma_start3A_338 : memref<1x10000x64xf32, #tpu.memory_space<hbm>> -> memref<10000x64xf32, #tpu.memory_space<hbm>>
        %dma_start3A_340 = arith.constant 0 : i32
        %dma_start3A_341 = arith.constant 0 : i32
        %dma_start3A_342 = tpu.memref_slice %dma_start3A_339[%dma_start3A_340, %dma_start3A_341] : memref<10000x64xf32, #tpu.memory_space<hbm>> -> memref<10000x64xf32, #tpu.memory_space<hbm>>
        %dma_start3A_343 = tpu.memref_slice %arg10[%dma_start3A_328] : memref<5x!tpu.dma_semaphore, #tpu.memory_space<semaphore_mem>> -> memref<1x!tpu.dma_semaphore, #tpu.memory_space<semaphore_mem>>
        %dma_start3A_344 = tpu.memref_squeeze %dma_start3A_343 : memref<1x!tpu.dma_semaphore, #tpu.memory_space<semaphore_mem>> -> memref<!tpu.dma_semaphore, #tpu.memory_space<semaphore_mem>>
        tpu.enqueue_indirect_dma source(%dma_start3A_342 : memref<10000x64xf32, #tpu.memory_space<hbm>>) target(%dma_start3A_332 : memref<125x64xf32, #tpu.memory_space<vmem>>) offsets(%dma_start3A_335 : memref<125xi32, #tpu.memory_space<vmem>>) semaphore(%dma_start3A_344 : memref<!tpu.dma_semaphore, #tpu.memory_space<semaphore_mem>>)
      } else {
      }
      %add3A_187 = arith.constant 2 : i32
      %add3A_188 = arith.addi %mul3A_99, %add3A_187 : i32
      %dma_wait3A_189 = arith.constant 2 : i32
      %dma_wait3A_190 = arith.constant 2 : i32
      %dma_wait3A_191 = arith.constant 0 : i32
      %dma_wait3A_192 = arith.constant 0 : i32
      %dma_wait3A_193 = tpu.memref_slice %arg8[%dma_wait3A_189, %dma_wait3A_191, %dma_wait3A_192] : memref<5x125x64xf32, #tpu.memory_space<vmem>> -> memref<1x125x64xf32, #tpu.memory_space<vmem>>
      %dma_wait3A_194 = tpu.memref_squeeze %dma_wait3A_193 : memref<1x125x64xf32, #tpu.memory_space<vmem>> -> memref<125x64xf32, #tpu.memory_space<vmem>>
      %dma_wait3A_195 = arith.constant 0 : i32
      %dma_wait3A_196 = tpu.memref_slice %arg6[%add3A_188, %dma_wait3A_195] : memref<160x125xi32, #tpu.memory_space<vmem>> -> memref<1x125xi32, #tpu.memory_space<vmem>>
      %dma_wait3A_197 = tpu.memref_squeeze %dma_wait3A_196 : memref<1x125xi32, #tpu.memory_space<vmem>> -> memref<125xi32, #tpu.memory_space<vmem>>
      %dma_wait3A_198 = arith.constant 0 : i32
      %dma_wait3A_199 = arith.constant 0 : i32
      %dma_wait3A_200 = tpu.memref_slice %arg3[%arg0, %dma_wait3A_198, %dma_wait3A_199] : memref<2x10000x64xf32, #tpu.memory_space<hbm>> -> memref<1x10000x64xf32, #tpu.memory_space<hbm>>
      %dma_wait3A_201 = tpu.memref_squeeze %dma_wait3A_200 : memref<1x10000x64xf32, #tpu.memory_space<hbm>> -> memref<10000x64xf32, #tpu.memory_space<hbm>>
      %dma_wait3A_202 = arith.constant 0 : i32
      %dma_wait3A_203 = arith.constant 0 : i32
      %dma_wait3A_204 = tpu.memref_slice %dma_wait3A_201[%dma_wait3A_202, %dma_wait3A_203] : memref<10000x64xf32, #tpu.memory_space<hbm>> -> memref<10000x64xf32, #tpu.memory_space<hbm>>
      %dma_wait3A_205 = tpu.memref_slice %arg10[%dma_wait3A_190] : memref<5x!tpu.dma_semaphore, #tpu.memory_space<semaphore_mem>> -> memref<1x!tpu.dma_semaphore, #tpu.memory_space<semaphore_mem>>
      %dma_wait3A_206 = tpu.memref_squeeze %dma_wait3A_205 : memref<1x!tpu.dma_semaphore, #tpu.memory_space<semaphore_mem>> -> memref<!tpu.dma_semaphore, #tpu.memory_space<semaphore_mem>>
      tpu.wait_indirect_dma semaphore(%dma_wait3A_206 : memref<!tpu.dma_semaphore, #tpu.memory_space<semaphore_mem>>) src(%dma_wait3A_204 : memref<10000x64xf32, #tpu.memory_space<hbm>>) dst(%dma_wait3A_194 : memref<125x64xf32, #tpu.memory_space<vmem>>)
      %dma_start3A_207 = arith.constant 2 : i32
      %dma_start3A_208 = arith.constant 2 : i32
      %dma_start3A_209 = arith.constant 0 : i32
      %dma_start3A_210 = arith.constant 0 : i32
      %dma_start3A_211 = tpu.memref_slice %arg8[%dma_start3A_207, %dma_start3A_209, %dma_start3A_210] : memref<5x125x64xf32, #tpu.memory_space<vmem>> -> memref<1x125x64xf32, #tpu.memory_space<vmem>>
      %dma_start3A_212 = tpu.memref_squeeze %dma_start3A_211 : memref<1x125x64xf32, #tpu.memory_space<vmem>> -> memref<125x64xf32, #tpu.memory_space<vmem>>
      %dma_start3A_213 = arith.constant 0 : i32
      %dma_start3A_214 = tpu.memref_slice %arg7[%add3A_188, %dma_start3A_213] : memref<160x125xi32, #tpu.memory_space<vmem>> -> memref<1x125xi32, #tpu.memory_space<vmem>>
      %dma_start3A_215 = tpu.memref_squeeze %dma_start3A_214 : memref<1x125xi32, #tpu.memory_space<vmem>> -> memref<125xi32, #tpu.memory_space<vmem>>
      %dma_start3A_216 = arith.constant 0 : i32
      %dma_start3A_217 = arith.constant 0 : i32
      %dma_start3A_218 = tpu.memref_slice %arg9[%dma_start3A_216, %dma_start3A_217] : memref<10240x64xf32, #tpu.memory_space<vmem_shared>> -> memref<10240x64xf32, #tpu.memory_space<vmem_shared>>
      %dma_start3A_219 = tpu.memref_slice %arg11[%dma_start3A_208] : memref<5x!tpu.dma_semaphore, #tpu.memory_space<semaphore_mem>> -> memref<1x!tpu.dma_semaphore, #tpu.memory_space<semaphore_mem>>
      %dma_start3A_220 = tpu.memref_squeeze %dma_start3A_219 : memref<1x!tpu.dma_semaphore, #tpu.memory_space<semaphore_mem>> -> memref<!tpu.dma_semaphore, #tpu.memory_space<semaphore_mem>>
      tpu.enqueue_indirect_dma source(%dma_start3A_212 : memref<125x64xf32, #tpu.memory_space<vmem>>) target(%dma_start3A_218 : memref<10240x64xf32, #tpu.memory_space<vmem_shared>>) offsets(%dma_start3A_215 : memref<125xi32, #tpu.memory_space<vmem>>) semaphore(%dma_start3A_220 : memref<!tpu.dma_semaphore, #tpu.memory_space<semaphore_mem>>) {add = true}
      %ge3A_221 = arith.constant 2 : i32
      %ge3A_222 = arith.cmpi sge, %add3A_188, %ge3A_221 : i32
      %convert_element_type3A_223 = arith.extui %ge3A_222 : i1 to i32
      %cond3A_224 = arith.constant 0 : i32
      %cond3A_225 = arith.cmpi ne, %convert_element_type3A_223, %cond3A_224 : i32
      scf.if %cond3A_225 {
        %dma_wait3A_325 = arith.constant 0 : i32
        %dma_wait3A_326 = arith.constant 0 : i32
        %dma_wait3A_327 = arith.constant 0 : i32
        %dma_wait3A_328 = arith.constant 0 : i32
        %dma_wait3A_329 = arith.constant 0 : i32
        %dma_wait3A_330 = tpu.memref_slice %arg8[%dma_wait3A_325, %dma_wait3A_328, %dma_wait3A_329] : memref<5x125x64xf32, #tpu.memory_space<vmem>> -> memref<1x125x64xf32, #tpu.memory_space<vmem>>
        %dma_wait3A_331 = tpu.memref_squeeze %dma_wait3A_330 : memref<1x125x64xf32, #tpu.memory_space<vmem>> -> memref<125x64xf32, #tpu.memory_space<vmem>>
        %dma_wait3A_332 = arith.constant 0 : i32
        %dma_wait3A_333 = tpu.memref_slice %arg7[%dma_wait3A_326, %dma_wait3A_332] : memref<160x125xi32, #tpu.memory_space<vmem>> -> memref<1x125xi32, #tpu.memory_space<vmem>>
        %dma_wait3A_334 = tpu.memref_squeeze %dma_wait3A_333 : memref<1x125xi32, #tpu.memory_space<vmem>> -> memref<125xi32, #tpu.memory_space<vmem>>
        %dma_wait3A_335 = arith.constant 0 : i32
        %dma_wait3A_336 = arith.constant 0 : i32
        %dma_wait3A_337 = tpu.memref_slice %arg9[%dma_wait3A_335, %dma_wait3A_336] : memref<10240x64xf32, #tpu.memory_space<vmem_shared>> -> memref<10240x64xf32, #tpu.memory_space<vmem_shared>>
        %dma_wait3A_338 = tpu.memref_slice %arg11[%dma_wait3A_327] : memref<5x!tpu.dma_semaphore, #tpu.memory_space<semaphore_mem>> -> memref<1x!tpu.dma_semaphore, #tpu.memory_space<semaphore_mem>>
        %dma_wait3A_339 = tpu.memref_squeeze %dma_wait3A_338 : memref<1x!tpu.dma_semaphore, #tpu.memory_space<semaphore_mem>> -> memref<!tpu.dma_semaphore, #tpu.memory_space<semaphore_mem>>
        tpu.wait_indirect_dma semaphore(%dma_wait3A_339 : memref<!tpu.dma_semaphore, #tpu.memory_space<semaphore_mem>>) src(%dma_wait3A_331 : memref<125x64xf32, #tpu.memory_space<vmem>>) dst(%dma_wait3A_337 : memref<10240x64xf32, #tpu.memory_space<vmem_shared>>)
      } else {
      }
      %add3A_226 = arith.constant 3 : i32
      %add3A_227 = arith.addi %add3A_188, %add3A_226 : i32
      %lt3A_228 = arith.constant 160 : i32
      %lt3A_229 = arith.cmpi slt, %add3A_227, %lt3A_228 : i32
      %convert_element_type3A_230 = arith.extui %lt3A_229 : i1 to i32
      %cond3A_231 = arith.constant 0 : i32
      %cond3A_232 = arith.cmpi ne, %convert_element_type3A_230, %cond3A_231 : i32
      scf.if %cond3A_232 {
        %add3A_325 = arith.constant 3 : i32
        %add3A_326 = arith.addi %add3A_188, %add3A_325 : i32
        %dma_start3A_327 = arith.constant 0 : i32
        %dma_start3A_328 = arith.constant 0 : i32
        %dma_start3A_329 = arith.constant 0 : i32
        %dma_start3A_330 = arith.constant 0 : i32
        %dma_start3A_331 = tpu.memref_slice %arg8[%dma_start3A_327, %dma_start3A_329, %dma_start3A_330] : memref<5x125x64xf32, #tpu.memory_space<vmem>> -> memref<1x125x64xf32, #tpu.memory_space<vmem>>
        %dma_start3A_332 = tpu.memref_squeeze %dma_start3A_331 : memref<1x125x64xf32, #tpu.memory_space<vmem>> -> memref<125x64xf32, #tpu.memory_space<vmem>>
        %dma_start3A_333 = arith.constant 0 : i32
        %dma_start3A_334 = tpu.memref_slice %arg6[%add3A_326, %dma_start3A_333] : memref<160x125xi32, #tpu.memory_space<vmem>> -> memref<1x125xi32, #tpu.memory_space<vmem>>
        %dma_start3A_335 = tpu.memref_squeeze %dma_start3A_334 : memref<1x125xi32, #tpu.memory_space<vmem>> -> memref<125xi32, #tpu.memory_space<vmem>>
        %dma_start3A_336 = arith.constant 0 : i32
        %dma_start3A_337 = arith.constant 0 : i32
        %dma_start3A_338 = tpu.memref_slice %arg3[%arg0, %dma_start3A_336, %dma_start3A_337] : memref<2x10000x64xf32, #tpu.memory_space<hbm>> -> memref<1x10000x64xf32, #tpu.memory_space<hbm>>
        %dma_start3A_339 = tpu.memref_squeeze %dma_start3A_338 : memref<1x10000x64xf32, #tpu.memory_space<hbm>> -> memref<10000x64xf32, #tpu.memory_space<hbm>>
        %dma_start3A_340 = arith.constant 0 : i32
        %dma_start3A_341 = arith.constant 0 : i32
        %dma_start3A_342 = tpu.memref_slice %dma_start3A_339[%dma_start3A_340, %dma_start3A_341] : memref<10000x64xf32, #tpu.memory_space<hbm>> -> memref<10000x64xf32, #tpu.memory_space<hbm>>
        %dma_start3A_343 = tpu.memref_slice %arg10[%dma_start3A_328] : memref<5x!tpu.dma_semaphore, #tpu.memory_space<semaphore_mem>> -> memref<1x!tpu.dma_semaphore, #tpu.memory_space<semaphore_mem>>
        %dma_start3A_344 = tpu.memref_squeeze %dma_start3A_343 : memref<1x!tpu.dma_semaphore, #tpu.memory_space<semaphore_mem>> -> memref<!tpu.dma_semaphore, #tpu.memory_space<semaphore_mem>>
        tpu.enqueue_indirect_dma source(%dma_start3A_342 : memref<10000x64xf32, #tpu.memory_space<hbm>>) target(%dma_start3A_332 : memref<125x64xf32, #tpu.memory_space<vmem>>) offsets(%dma_start3A_335 : memref<125xi32, #tpu.memory_space<vmem>>) semaphore(%dma_start3A_344 : memref<!tpu.dma_semaphore, #tpu.memory_space<semaphore_mem>>)
      } else {
      }
      %add3A_233 = arith.constant 3 : i32
      %add3A_234 = arith.addi %mul3A_99, %add3A_233 : i32
      %dma_wait3A_235 = arith.constant 3 : i32
      %dma_wait3A_236 = arith.constant 3 : i32
      %dma_wait3A_237 = arith.constant 0 : i32
      %dma_wait3A_238 = arith.constant 0 : i32
      %dma_wait3A_239 = tpu.memref_slice %arg8[%dma_wait3A_235, %dma_wait3A_237, %dma_wait3A_238] : memref<5x125x64xf32, #tpu.memory_space<vmem>> -> memref<1x125x64xf32, #tpu.memory_space<vmem>>
      %dma_wait3A_240 = tpu.memref_squeeze %dma_wait3A_239 : memref<1x125x64xf32, #tpu.memory_space<vmem>> -> memref<125x64xf32, #tpu.memory_space<vmem>>
      %dma_wait3A_241 = arith.constant 0 : i32
      %dma_wait3A_242 = tpu.memref_slice %arg6[%add3A_234, %dma_wait3A_241] : memref<160x125xi32, #tpu.memory_space<vmem>> -> memref<1x125xi32, #tpu.memory_space<vmem>>
      %dma_wait3A_243 = tpu.memref_squeeze %dma_wait3A_242 : memref<1x125xi32, #tpu.memory_space<vmem>> -> memref<125xi32, #tpu.memory_space<vmem>>
      %dma_wait3A_244 = arith.constant 0 : i32
      %dma_wait3A_245 = arith.constant 0 : i32
      %dma_wait3A_246 = tpu.memref_slice %arg3[%arg0, %dma_wait3A_244, %dma_wait3A_245] : memref<2x10000x64xf32, #tpu.memory_space<hbm>> -> memref<1x10000x64xf32, #tpu.memory_space<hbm>>
      %dma_wait3A_247 = tpu.memref_squeeze %dma_wait3A_246 : memref<1x10000x64xf32, #tpu.memory_space<hbm>> -> memref<10000x64xf32, #tpu.memory_space<hbm>>
      %dma_wait3A_248 = arith.constant 0 : i32
      %dma_wait3A_249 = arith.constant 0 : i32
      %dma_wait3A_250 = tpu.memref_slice %dma_wait3A_247[%dma_wait3A_248, %dma_wait3A_249] : memref<10000x64xf32, #tpu.memory_space<hbm>> -> memref<10000x64xf32, #tpu.memory_space<hbm>>
      %dma_wait3A_251 = tpu.memref_slice %arg10[%dma_wait3A_236] : memref<5x!tpu.dma_semaphore, #tpu.memory_space<semaphore_mem>> -> memref<1x!tpu.dma_semaphore, #tpu.memory_space<semaphore_mem>>
      %dma_wait3A_252 = tpu.memref_squeeze %dma_wait3A_251 : memref<1x!tpu.dma_semaphore, #tpu.memory_space<semaphore_mem>> -> memref<!tpu.dma_semaphore, #tpu.memory_space<semaphore_mem>>
      tpu.wait_indirect_dma semaphore(%dma_wait3A_252 : memref<!tpu.dma_semaphore, #tpu.memory_space<semaphore_mem>>) src(%dma_wait3A_250 : memref<10000x64xf32, #tpu.memory_space<hbm>>) dst(%dma_wait3A_240 : memref<125x64xf32, #tpu.memory_space<vmem>>)
      %dma_start3A_253 = arith.constant 3 : i32
      %dma_start3A_254 = arith.constant 3 : i32
      %dma_start3A_255 = arith.constant 0 : i32
      %dma_start3A_256 = arith.constant 0 : i32
      %dma_start3A_257 = tpu.memref_slice %arg8[%dma_start3A_253, %dma_start3A_255, %dma_start3A_256] : memref<5x125x64xf32, #tpu.memory_space<vmem>> -> memref<1x125x64xf32, #tpu.memory_space<vmem>>
      %dma_start3A_258 = tpu.memref_squeeze %dma_start3A_257 : memref<1x125x64xf32, #tpu.memory_space<vmem>> -> memref<125x64xf32, #tpu.memory_space<vmem>>
      %dma_start3A_259 = arith.constant 0 : i32
      %dma_start3A_260 = tpu.memref_slice %arg7[%add3A_234, %dma_start3A_259] : memref<160x125xi32, #tpu.memory_space<vmem>> -> memref<1x125xi32, #tpu.memory_space<vmem>>
      %dma_start3A_261 = tpu.memref_squeeze %dma_start3A_260 : memref<1x125xi32, #tpu.memory_space<vmem>> -> memref<125xi32, #tpu.memory_space<vmem>>
      %dma_start3A_262 = arith.constant 0 : i32
      %dma_start3A_263 = arith.constant 0 : i32
      %dma_start3A_264 = tpu.memref_slice %arg9[%dma_start3A_262, %dma_start3A_263] : memref<10240x64xf32, #tpu.memory_space<vmem_shared>> -> memref<10240x64xf32, #tpu.memory_space<vmem_shared>>
      %dma_start3A_265 = tpu.memref_slice %arg11[%dma_start3A_254] : memref<5x!tpu.dma_semaphore, #tpu.memory_space<semaphore_mem>> -> memref<1x!tpu.dma_semaphore, #tpu.memory_space<semaphore_mem>>
      %dma_start3A_266 = tpu.memref_squeeze %dma_start3A_265 : memref<1x!tpu.dma_semaphore, #tpu.memory_space<semaphore_mem>> -> memref<!tpu.dma_semaphore, #tpu.memory_space<semaphore_mem>>
      tpu.enqueue_indirect_dma source(%dma_start3A_258 : memref<125x64xf32, #tpu.memory_space<vmem>>) target(%dma_start3A_264 : memref<10240x64xf32, #tpu.memory_space<vmem_shared>>) offsets(%dma_start3A_261 : memref<125xi32, #tpu.memory_space<vmem>>) semaphore(%dma_start3A_266 : memref<!tpu.dma_semaphore, #tpu.memory_space<semaphore_mem>>) {add = true}
      %ge3A_267 = arith.constant 2 : i32
      %ge3A_268 = arith.cmpi sge, %add3A_234, %ge3A_267 : i32
      %convert_element_type3A_269 = arith.extui %ge3A_268 : i1 to i32
      %cond3A_270 = arith.constant 0 : i32
      %cond3A_271 = arith.cmpi ne, %convert_element_type3A_269, %cond3A_270 : i32
      scf.if %cond3A_271 {
        %dma_wait3A_325 = arith.constant 1 : i32
        %dma_wait3A_326 = arith.constant 0 : i32
        %dma_wait3A_327 = arith.constant 1 : i32
        %dma_wait3A_328 = arith.constant 0 : i32
        %dma_wait3A_329 = arith.constant 0 : i32
        %dma_wait3A_330 = tpu.memref_slice %arg8[%dma_wait3A_325, %dma_wait3A_328, %dma_wait3A_329] : memref<5x125x64xf32, #tpu.memory_space<vmem>> -> memref<1x125x64xf32, #tpu.memory_space<vmem>>
        %dma_wait3A_331 = tpu.memref_squeeze %dma_wait3A_330 : memref<1x125x64xf32, #tpu.memory_space<vmem>> -> memref<125x64xf32, #tpu.memory_space<vmem>>
        %dma_wait3A_332 = arith.constant 0 : i32
        %dma_wait3A_333 = tpu.memref_slice %arg7[%dma_wait3A_326, %dma_wait3A_332] : memref<160x125xi32, #tpu.memory_space<vmem>> -> memref<1x125xi32, #tpu.memory_space<vmem>>
        %dma_wait3A_334 = tpu.memref_squeeze %dma_wait3A_333 : memref<1x125xi32, #tpu.memory_space<vmem>> -> memref<125xi32, #tpu.memory_space<vmem>>
        %dma_wait3A_335 = arith.constant 0 : i32
        %dma_wait3A_336 = arith.constant 0 : i32
        %dma_wait3A_337 = tpu.memref_slice %arg9[%dma_wait3A_335, %dma_wait3A_336] : memref<10240x64xf32, #tpu.memory_space<vmem_shared>> -> memref<10240x64xf32, #tpu.memory_space<vmem_shared>>
        %dma_wait3A_338 = tpu.memref_slice %arg11[%dma_wait3A_327] : memref<5x!tpu.dma_semaphore, #tpu.memory_space<semaphore_mem>> -> memref<1x!tpu.dma_semaphore, #tpu.memory_space<semaphore_mem>>
        %dma_wait3A_339 = tpu.memref_squeeze %dma_wait3A_338 : memref<1x!tpu.dma_semaphore, #tpu.memory_space<semaphore_mem>> -> memref<!tpu.dma_semaphore, #tpu.memory_space<semaphore_mem>>
        tpu.wait_indirect_dma semaphore(%dma_wait3A_339 : memref<!tpu.dma_semaphore, #tpu.memory_space<semaphore_mem>>) src(%dma_wait3A_331 : memref<125x64xf32, #tpu.memory_space<vmem>>) dst(%dma_wait3A_337 : memref<10240x64xf32, #tpu.memory_space<vmem_shared>>)
      } else {
      }
      %add3A_272 = arith.constant 3 : i32
      %add3A_273 = arith.addi %add3A_234, %add3A_272 : i32
      %lt3A_274 = arith.constant 160 : i32
      %lt3A_275 = arith.cmpi slt, %add3A_273, %lt3A_274 : i32
      %convert_element_type3A_276 = arith.extui %lt3A_275 : i1 to i32
      %cond3A_277 = arith.constant 0 : i32
      %cond3A_278 = arith.cmpi ne, %convert_element_type3A_276, %cond3A_277 : i32
      scf.if %cond3A_278 {
        %add3A_325 = arith.constant 3 : i32
        %add3A_326 = arith.addi %add3A_234, %add3A_325 : i32
        %dma_start3A_327 = arith.constant 1 : i32
        %dma_start3A_328 = arith.constant 1 : i32
        %dma_start3A_329 = arith.constant 0 : i32
        %dma_start3A_330 = arith.constant 0 : i32
        %dma_start3A_331 = tpu.memref_slice %arg8[%dma_start3A_327, %dma_start3A_329, %dma_start3A_330] : memref<5x125x64xf32, #tpu.memory_space<vmem>> -> memref<1x125x64xf32, #tpu.memory_space<vmem>>
        %dma_start3A_332 = tpu.memref_squeeze %dma_start3A_331 : memref<1x125x64xf32, #tpu.memory_space<vmem>> -> memref<125x64xf32, #tpu.memory_space<vmem>>
        %dma_start3A_333 = arith.constant 0 : i32
        %dma_start3A_334 = tpu.memref_slice %arg6[%add3A_326, %dma_start3A_333] : memref<160x125xi32, #tpu.memory_space<vmem>> -> memref<1x125xi32, #tpu.memory_space<vmem>>
        %dma_start3A_335 = tpu.memref_squeeze %dma_start3A_334 : memref<1x125xi32, #tpu.memory_space<vmem>> -> memref<125xi32, #tpu.memory_space<vmem>>
        %dma_start3A_336 = arith.constant 0 : i32
        %dma_start3A_337 = arith.constant 0 : i32
        %dma_start3A_338 = tpu.memref_slice %arg3[%arg0, %dma_start3A_336, %dma_start3A_337] : memref<2x10000x64xf32, #tpu.memory_space<hbm>> -> memref<1x10000x64xf32, #tpu.memory_space<hbm>>
        %dma_start3A_339 = tpu.memref_squeeze %dma_start3A_338 : memref<1x10000x64xf32, #tpu.memory_space<hbm>> -> memref<10000x64xf32, #tpu.memory_space<hbm>>
        %dma_start3A_340 = arith.constant 0 : i32
        %dma_start3A_341 = arith.constant 0 : i32
        %dma_start3A_342 = tpu.memref_slice %dma_start3A_339[%dma_start3A_340, %dma_start3A_341] : memref<10000x64xf32, #tpu.memory_space<hbm>> -> memref<10000x64xf32, #tpu.memory_space<hbm>>
        %dma_start3A_343 = tpu.memref_slice %arg10[%dma_start3A_328] : memref<5x!tpu.dma_semaphore, #tpu.memory_space<semaphore_mem>> -> memref<1x!tpu.dma_semaphore, #tpu.memory_space<semaphore_mem>>
        %dma_start3A_344 = tpu.memref_squeeze %dma_start3A_343 : memref<1x!tpu.dma_semaphore, #tpu.memory_space<semaphore_mem>> -> memref<!tpu.dma_semaphore, #tpu.memory_space<semaphore_mem>>
        tpu.enqueue_indirect_dma source(%dma_start3A_342 : memref<10000x64xf32, #tpu.memory_space<hbm>>) target(%dma_start3A_332 : memref<125x64xf32, #tpu.memory_space<vmem>>) offsets(%dma_start3A_335 : memref<125xi32, #tpu.memory_space<vmem>>) semaphore(%dma_start3A_344 : memref<!tpu.dma_semaphore, #tpu.memory_space<semaphore_mem>>)
      } else {
      }
      %add3A_279 = arith.constant 4 : i32
      %add3A_280 = arith.addi %mul3A_99, %add3A_279 : i32
      %dma_wait3A_281 = arith.constant 4 : i32
      %dma_wait3A_282 = arith.constant 4 : i32
      %dma_wait3A_283 = arith.constant 0 : i32
      %dma_wait3A_284 = arith.constant 0 : i32
      %dma_wait3A_285 = tpu.memref_slice %arg8[%dma_wait3A_281, %dma_wait3A_283, %dma_wait3A_284] : memref<5x125x64xf32, #tpu.memory_space<vmem>> -> memref<1x125x64xf32, #tpu.memory_space<vmem>>
      %dma_wait3A_286 = tpu.memref_squeeze %dma_wait3A_285 : memref<1x125x64xf32, #tpu.memory_space<vmem>> -> memref<125x64xf32, #tpu.memory_space<vmem>>
      %dma_wait3A_287 = arith.constant 0 : i32
      %dma_wait3A_288 = tpu.memref_slice %arg6[%add3A_280, %dma_wait3A_287] : memref<160x125xi32, #tpu.memory_space<vmem>> -> memref<1x125xi32, #tpu.memory_space<vmem>>
      %dma_wait3A_289 = tpu.memref_squeeze %dma_wait3A_288 : memref<1x125xi32, #tpu.memory_space<vmem>> -> memref<125xi32, #tpu.memory_space<vmem>>
      %dma_wait3A_290 = arith.constant 0 : i32
      %dma_wait3A_291 = arith.constant 0 : i32
      %dma_wait3A_292 = tpu.memref_slice %arg3[%arg0, %dma_wait3A_290, %dma_wait3A_291] : memref<2x10000x64xf32, #tpu.memory_space<hbm>> -> memref<1x10000x64xf32, #tpu.memory_space<hbm>>
      %dma_wait3A_293 = tpu.memref_squeeze %dma_wait3A_292 : memref<1x10000x64xf32, #tpu.memory_space<hbm>> -> memref<10000x64xf32, #tpu.memory_space<hbm>>
      %dma_wait3A_294 = arith.constant 0 : i32
      %dma_wait3A_295 = arith.constant 0 : i32
      %dma_wait3A_296 = tpu.memref_slice %dma_wait3A_293[%dma_wait3A_294, %dma_wait3A_295] : memref<10000x64xf32, #tpu.memory_space<hbm>> -> memref<10000x64xf32, #tpu.memory_space<hbm>>
      %dma_wait3A_297 = tpu.memref_slice %arg10[%dma_wait3A_282] : memref<5x!tpu.dma_semaphore, #tpu.memory_space<semaphore_mem>> -> memref<1x!tpu.dma_semaphore, #tpu.memory_space<semaphore_mem>>
      %dma_wait3A_298 = tpu.memref_squeeze %dma_wait3A_297 : memref<1x!tpu.dma_semaphore, #tpu.memory_space<semaphore_mem>> -> memref<!tpu.dma_semaphore, #tpu.memory_space<semaphore_mem>>
      tpu.wait_indirect_dma semaphore(%dma_wait3A_298 : memref<!tpu.dma_semaphore, #tpu.memory_space<semaphore_mem>>) src(%dma_wait3A_296 : memref<10000x64xf32, #tpu.memory_space<hbm>>) dst(%dma_wait3A_286 : memref<125x64xf32, #tpu.memory_space<vmem>>)
      %dma_start3A_299 = arith.constant 4 : i32
      %dma_start3A_300 = arith.constant 4 : i32
      %dma_start3A_301 = arith.constant 0 : i32
      %dma_start3A_302 = arith.constant 0 : i32
      %dma_start3A_303 = tpu.memref_slice %arg8[%dma_start3A_299, %dma_start3A_301, %dma_start3A_302] : memref<5x125x64xf32, #tpu.memory_space<vmem>> -> memref<1x125x64xf32, #tpu.memory_space<vmem>>
      %dma_start3A_304 = tpu.memref_squeeze %dma_start3A_303 : memref<1x125x64xf32, #tpu.memory_space<vmem>> -> memref<125x64xf32, #tpu.memory_space<vmem>>
      %dma_start3A_305 = arith.constant 0 : i32
      %dma_start3A_306 = tpu.memref_slice %arg7[%add3A_280, %dma_start3A_305] : memref<160x125xi32, #tpu.memory_space<vmem>> -> memref<1x125xi32, #tpu.memory_space<vmem>>
      %dma_start3A_307 = tpu.memref_squeeze %dma_start3A_306 : memref<1x125xi32, #tpu.memory_space<vmem>> -> memref<125xi32, #tpu.memory_space<vmem>>
      %dma_start3A_308 = arith.constant 0 : i32
      %dma_start3A_309 = arith.constant 0 : i32
      %dma_start3A_310 = tpu.memref_slice %arg9[%dma_start3A_308, %dma_start3A_309] : memref<10240x64xf32, #tpu.memory_space<vmem_shared>> -> memref<10240x64xf32, #tpu.memory_space<vmem_shared>>
      %dma_start3A_311 = tpu.memref_slice %arg11[%dma_start3A_300] : memref<5x!tpu.dma_semaphore, #tpu.memory_space<semaphore_mem>> -> memref<1x!tpu.dma_semaphore, #tpu.memory_space<semaphore_mem>>
      %dma_start3A_312 = tpu.memref_squeeze %dma_start3A_311 : memref<1x!tpu.dma_semaphore, #tpu.memory_space<semaphore_mem>> -> memref<!tpu.dma_semaphore, #tpu.memory_space<semaphore_mem>>
      tpu.enqueue_indirect_dma source(%dma_start3A_304 : memref<125x64xf32, #tpu.memory_space<vmem>>) target(%dma_start3A_310 : memref<10240x64xf32, #tpu.memory_space<vmem_shared>>) offsets(%dma_start3A_307 : memref<125xi32, #tpu.memory_space<vmem>>) semaphore(%dma_start3A_312 : memref<!tpu.dma_semaphore, #tpu.memory_space<semaphore_mem>>) {add = true}
      %ge3A_313 = arith.constant 2 : i32
      %ge3A_314 = arith.cmpi sge, %add3A_280, %ge3A_313 : i32
      %convert_element_type3A_315 = arith.extui %ge3A_314 : i1 to i32
      %cond3A_316 = arith.constant 0 : i32
      %cond3A_317 = arith.cmpi ne, %convert_element_type3A_315, %cond3A_316 : i32
      scf.if %cond3A_317 {
        %dma_wait3A_325 = arith.constant 2 : i32
        %dma_wait3A_326 = arith.constant 0 : i32
        %dma_wait3A_327 = arith.constant 2 : i32
        %dma_wait3A_328 = arith.constant 0 : i32
        %dma_wait3A_329 = arith.constant 0 : i32
        %dma_wait3A_330 = tpu.memref_slice %arg8[%dma_wait3A_325, %dma_wait3A_328, %dma_wait3A_329] : memref<5x125x64xf32, #tpu.memory_space<vmem>> -> memref<1x125x64xf32, #tpu.memory_space<vmem>>
        %dma_wait3A_331 = tpu.memref_squeeze %dma_wait3A_330 : memref<1x125x64xf32, #tpu.memory_space<vmem>> -> memref<125x64xf32, #tpu.memory_space<vmem>>
        %dma_wait3A_332 = arith.constant 0 : i32
        %dma_wait3A_333 = tpu.memref_slice %arg7[%dma_wait3A_326, %dma_wait3A_332] : memref<160x125xi32, #tpu.memory_space<vmem>> -> memref<1x125xi32, #tpu.memory_space<vmem>>
        %dma_wait3A_334 = tpu.memref_squeeze %dma_wait3A_333 : memref<1x125xi32, #tpu.memory_space<vmem>> -> memref<125xi32, #tpu.memory_space<vmem>>
        %dma_wait3A_335 = arith.constant 0 : i32
        %dma_wait3A_336 = arith.constant 0 : i32
        %dma_wait3A_337 = tpu.memref_slice %arg9[%dma_wait3A_335, %dma_wait3A_336] : memref<10240x64xf32, #tpu.memory_space<vmem_shared>> -> memref<10240x64xf32, #tpu.memory_space<vmem_shared>>
        %dma_wait3A_338 = tpu.memref_slice %arg11[%dma_wait3A_327] : memref<5x!tpu.dma_semaphore, #tpu.memory_space<semaphore_mem>> -> memref<1x!tpu.dma_semaphore, #tpu.memory_space<semaphore_mem>>
        %dma_wait3A_339 = tpu.memref_squeeze %dma_wait3A_338 : memref<1x!tpu.dma_semaphore, #tpu.memory_space<semaphore_mem>> -> memref<!tpu.dma_semaphore, #tpu.memory_space<semaphore_mem>>
        tpu.wait_indirect_dma semaphore(%dma_wait3A_339 : memref<!tpu.dma_semaphore, #tpu.memory_space<semaphore_mem>>) src(%dma_wait3A_331 : memref<125x64xf32, #tpu.memory_space<vmem>>) dst(%dma_wait3A_337 : memref<10240x64xf32, #tpu.memory_space<vmem_shared>>)
      } else {
      }
      %add3A_318 = arith.constant 3 : i32
      %add3A_319 = arith.addi %add3A_280, %add3A_318 : i32
      %lt3A_320 = arith.constant 160 : i32
      %lt3A_321 = arith.cmpi slt, %add3A_319, %lt3A_320 : i32
      %convert_element_type3A_322 = arith.extui %lt3A_321 : i1 to i32
      %cond3A_323 = arith.constant 0 : i32
      %cond3A_324 = arith.cmpi ne, %convert_element_type3A_322, %cond3A_323 : i32
      scf.if %cond3A_324 {
        %add3A_325 = arith.constant 3 : i32
        %add3A_326 = arith.addi %add3A_280, %add3A_325 : i32
        %dma_start3A_327 = arith.constant 2 : i32
        %dma_start3A_328 = arith.constant 2 : i32
        %dma_start3A_329 = arith.constant 0 : i32
        %dma_start3A_330 = arith.constant 0 : i32
        %dma_start3A_331 = tpu.memref_slice %arg8[%dma_start3A_327, %dma_start3A_329, %dma_start3A_330] : memref<5x125x64xf32, #tpu.memory_space<vmem>> -> memref<1x125x64xf32, #tpu.memory_space<vmem>>
        %dma_start3A_332 = tpu.memref_squeeze %dma_start3A_331 : memref<1x125x64xf32, #tpu.memory_space<vmem>> -> memref<125x64xf32, #tpu.memory_space<vmem>>
        %dma_start3A_333 = arith.constant 0 : i32
        %dma_start3A_334 = tpu.memref_slice %arg6[%add3A_326, %dma_start3A_333] : memref<160x125xi32, #tpu.memory_space<vmem>> -> memref<1x125xi32, #tpu.memory_space<vmem>>
        %dma_start3A_335 = tpu.memref_squeeze %dma_start3A_334 : memref<1x125xi32, #tpu.memory_space<vmem>> -> memref<125xi32, #tpu.memory_space<vmem>>
        %dma_start3A_336 = arith.constant 0 : i32
        %dma_start3A_337 = arith.constant 0 : i32
        %dma_start3A_338 = tpu.memref_slice %arg3[%arg0, %dma_start3A_336, %dma_start3A_337] : memref<2x10000x64xf32, #tpu.memory_space<hbm>> -> memref<1x10000x64xf32, #tpu.memory_space<hbm>>
        %dma_start3A_339 = tpu.memref_squeeze %dma_start3A_338 : memref<1x10000x64xf32, #tpu.memory_space<hbm>> -> memref<10000x64xf32, #tpu.memory_space<hbm>>
        %dma_start3A_340 = arith.constant 0 : i32
        %dma_start3A_341 = arith.constant 0 : i32
        %dma_start3A_342 = tpu.memref_slice %dma_start3A_339[%dma_start3A_340, %dma_start3A_341] : memref<10000x64xf32, #tpu.memory_space<hbm>> -> memref<10000x64xf32, #tpu.memory_space<hbm>>
        %dma_start3A_343 = tpu.memref_slice %arg10[%dma_start3A_328] : memref<5x!tpu.dma_semaphore, #tpu.memory_space<semaphore_mem>> -> memref<1x!tpu.dma_semaphore, #tpu.memory_space<semaphore_mem>>
        %dma_start3A_344 = tpu.memref_squeeze %dma_start3A_343 : memref<1x!tpu.dma_semaphore, #tpu.memory_space<semaphore_mem>> -> memref<!tpu.dma_semaphore, #tpu.memory_space<semaphore_mem>>
        tpu.enqueue_indirect_dma source(%dma_start3A_342 : memref<10000x64xf32, #tpu.memory_space<hbm>>) target(%dma_start3A_332 : memref<125x64xf32, #tpu.memory_space<vmem>>) offsets(%dma_start3A_335 : memref<125xi32, #tpu.memory_space<vmem>>) semaphore(%dma_start3A_344 : memref<!tpu.dma_semaphore, #tpu.memory_space<semaphore_mem>>)
      } else {
      }
    }
    %scan3A_62 = arith.constant 32 : i32
    %dma_wait3A = arith.constant 3 : i32
    %dma_wait3A_63 = arith.constant 0 : i32
    %dma_wait3A_64 = arith.constant 3 : i32
    %dma_wait3A_65 = arith.constant 0 : i32
    %dma_wait3A_66 = arith.constant 0 : i32
    %dma_wait3A_67 = tpu.memref_slice %arg8[%dma_wait3A, %dma_wait3A_65, %dma_wait3A_66] : memref<5x125x64xf32, #tpu.memory_space<vmem>> -> memref<1x125x64xf32, #tpu.memory_space<vmem>>
    %dma_wait3A_68 = tpu.memref_squeeze %dma_wait3A_67 : memref<1x125x64xf32, #tpu.memory_space<vmem>> -> memref<125x64xf32, #tpu.memory_space<vmem>>
    %dma_wait3A_69 = arith.constant 0 : i32
    %dma_wait3A_70 = tpu.memref_slice %arg7[%dma_wait3A_63, %dma_wait3A_69] : memref<160x125xi32, #tpu.memory_space<vmem>> -> memref<1x125xi32, #tpu.memory_space<vmem>>
    %dma_wait3A_71 = tpu.memref_squeeze %dma_wait3A_70 : memref<1x125xi32, #tpu.memory_space<vmem>> -> memref<125xi32, #tpu.memory_space<vmem>>
    %dma_wait3A_72 = arith.constant 0 : i32
    %dma_wait3A_73 = arith.constant 0 : i32
    %dma_wait3A_74 = tpu.memref_slice %arg9[%dma_wait3A_72, %dma_wait3A_73] : memref<10240x64xf32, #tpu.memory_space<vmem_shared>> -> memref<10240x64xf32, #tpu.memory_space<vmem_shared>>
    %dma_wait3A_75 = tpu.memref_slice %arg11[%dma_wait3A_64] : memref<5x!tpu.dma_semaphore, #tpu.memory_space<semaphore_mem>> -> memref<1x!tpu.dma_semaphore, #tpu.memory_space<semaphore_mem>>
    %dma_wait3A_76 = tpu.memref_squeeze %dma_wait3A_75 : memref<1x!tpu.dma_semaphore, #tpu.memory_space<semaphore_mem>> -> memref<!tpu.dma_semaphore, #tpu.memory_space<semaphore_mem>>
    tpu.wait_indirect_dma semaphore(%dma_wait3A_76 : memref<!tpu.dma_semaphore, #tpu.memory_space<semaphore_mem>>) src(%dma_wait3A_68 : memref<125x64xf32, #tpu.memory_space<vmem>>) dst(%dma_wait3A_74 : memref<10240x64xf32, #tpu.memory_space<vmem_shared>>)
    %dma_wait3A_77 = arith.constant 4 : i32
    %dma_wait3A_78 = arith.constant 0 : i32
    %dma_wait3A_79 = arith.constant 4 : i32
    %dma_wait3A_80 = arith.constant 0 : i32
    %dma_wait3A_81 = arith.constant 0 : i32
    %dma_wait3A_82 = tpu.memref_slice %arg8[%dma_wait3A_77, %dma_wait3A_80, %dma_wait3A_81] : memref<5x125x64xf32, #tpu.memory_space<vmem>> -> memref<1x125x64xf32, #tpu.memory_space<vmem>>
    %dma_wait3A_83 = tpu.memref_squeeze %dma_wait3A_82 : memref<1x125x64xf32, #tpu.memory_space<vmem>> -> memref<125x64xf32, #tpu.memory_space<vmem>>
    %dma_wait3A_84 = arith.constant 0 : i32
    %dma_wait3A_85 = tpu.memref_slice %arg7[%dma_wait3A_78, %dma_wait3A_84] : memref<160x125xi32, #tpu.memory_space<vmem>> -> memref<1x125xi32, #tpu.memory_space<vmem>>
    %dma_wait3A_86 = tpu.memref_squeeze %dma_wait3A_85 : memref<1x125xi32, #tpu.memory_space<vmem>> -> memref<125xi32, #tpu.memory_space<vmem>>
    %dma_wait3A_87 = arith.constant 0 : i32
    %dma_wait3A_88 = arith.constant 0 : i32
    %dma_wait3A_89 = tpu.memref_slice %arg9[%dma_wait3A_87, %dma_wait3A_88] : memref<10240x64xf32, #tpu.memory_space<vmem_shared>> -> memref<10240x64xf32, #tpu.memory_space<vmem_shared>>
    %dma_wait3A_90 = tpu.memref_slice %arg11[%dma_wait3A_79] : memref<5x!tpu.dma_semaphore, #tpu.memory_space<semaphore_mem>> -> memref<1x!tpu.dma_semaphore, #tpu.memory_space<semaphore_mem>>
    %dma_wait3A_91 = tpu.memref_squeeze %dma_wait3A_90 : memref<1x!tpu.dma_semaphore, #tpu.memory_space<semaphore_mem>> -> memref<!tpu.dma_semaphore, #tpu.memory_space<semaphore_mem>>
    tpu.wait_indirect_dma semaphore(%dma_wait3A_91 : memref<!tpu.dma_semaphore, #tpu.memory_space<semaphore_mem>>) src(%dma_wait3A_83 : memref<125x64xf32, #tpu.memory_space<vmem>>) dst(%dma_wait3A_89 : memref<10240x64xf32, #tpu.memory_space<vmem_shared>>)
    %barrier3A_92 = arith.constant 0 : index
    tpu.barrier barrier_id(%barrier3A_92)
    %mul3A_93 = arith.constant 640 : i32
    %mul3A_94 = arith.muli %arg1, %mul3A_93 : i32
    %mul3A_95 = arith.constant 64 : i32
    %mul3A_96 = arith.muli %arg0, %mul3A_95 : i32
    "tpu.region"() ({
      %run_scoped3A_97 = tpu.sem_alloc : memref<!tpu.dma_semaphore, #tpu.memory_space<semaphore_mem>>
      %dma_start3A_98 = tpu.memref_slice %arg5[%mul3A_94, %mul3A_96] : memref<10240x128xf32, #tpu.memory_space<hbm>> -> memref<640x64xf32, #tpu.memory_space<hbm>>
      %dma_start3A_99 = arith.constant 0 : i32
      %dma_start3A_100 = tpu.memref_slice %arg9[%mul3A_94, %dma_start3A_99] : memref<10240x64xf32, #tpu.memory_space<vmem_shared>> -> memref<640x64xf32, #tpu.memory_space<vmem_shared>>
      tpu.enqueue_dma source(%dma_start3A_100 : memref<640x64xf32, #tpu.memory_space<vmem_shared>>) target(%dma_start3A_98 : memref<640x64xf32, #tpu.memory_space<hbm>>) target_semaphore(%run_scoped3A_97 : memref<!tpu.dma_semaphore, #tpu.memory_space<semaphore_mem>>)
      %dma_wait3A_101 = tpu.memref_slice %arg5[%mul3A_94, %mul3A_96] : memref<10240x128xf32, #tpu.memory_space<hbm>> -> memref<640x64xf32, #tpu.memory_space<hbm>>
      %dma_wait3A_102 = arith.constant 0 : i32
      %dma_wait3A_103 = tpu.memref_slice %arg9[%mul3A_94, %dma_wait3A_102] : memref<10240x64xf32, #tpu.memory_space<vmem_shared>> -> memref<640x64xf32, #tpu.memory_space<vmem_shared>>
      tpu.wait_dma2 semaphore(%run_scoped3A_97 : memref<!tpu.dma_semaphore, #tpu.memory_space<semaphore_mem>>) src(%dma_wait3A_103 : memref<640x64xf32, #tpu.memory_space<vmem_shared>>) dst(%dma_wait3A_101 : memref<640x64xf32, #tpu.memory_space<hbm>>)
      tpu.yield
    }) : () -> ()
    return
  }
}

module attributes {stable_mosaic.version = 14 : i64} {
  func.func @_mlp_body(%arg0: memref<10000x128xf32, #tpu.memory_space<vmem>>, %arg1: memref<128x128xf32, #tpu.memory_space<vmem>>, %arg2: memref<1x128xf32, #tpu.memory_space<vmem>>, %arg3: memref<1x128xf32, #tpu.memory_space<vmem>>, %arg4: memref<1x128xf32, #tpu.memory_space<vmem>>, %arg5: memref<128x128xf32, #tpu.memory_space<vmem>>, %arg6: memref<1x128xf32, #tpu.memory_space<vmem>>, %arg7: memref<1x128xf32, #tpu.memory_space<vmem>>, %arg8: memref<1x128xf32, #tpu.memory_space<vmem>>, %arg9: memref<10000x128xf32, #tpu.memory_space<vmem>>, %arg10: memref<2x5000x128xf32, #tpu.memory_space<vmem>>) attributes {dimension_semantics = [], scalar_prefetch = 0 : i64, scratch_operands = 0 : i64, tpu.core_type = #tpu.core_type<tc>} {
    %get3A = arith.constant 0 : index
    %get3A_0 = arith.constant 0 : index
    %get3A_1 = vector.load %arg0[%get3A, %get3A_0] : memref<10000x128xf32, #tpu.memory_space<vmem>>, vector<10000x128xf32>
    %get3A_2 = arith.constant 0 : index
    %get3A_3 = arith.constant 0 : index
    %get3A_4 = vector.load %arg1[%get3A_2, %get3A_3] : memref<128x128xf32, #tpu.memory_space<vmem>>, vector<128x128xf32>
    %dot_general3A = arith.constant dense<0.000000e+00> : vector<10000x128xf32>
    %dot_general3A_5 = tpu.matmul %get3A_1, %get3A_4, %dot_general3A {dimension_numbers = #tpu.dot_dimension_numbers<[1], [1], [0], [0], [0, 0, 1, 0], [], []>, transpose_lhs_hint = false} : vector<10000x128xf32>, vector<128x128xf32>, vector<10000x128xf32> -> vector<10000x128xf32>
    %get3A_6 = arith.constant 0 : index
    %get3A_7 = arith.constant 0 : index
    %get3A_8 = vector.load %arg2[%get3A_6, %get3A_7] : memref<1x128xf32, #tpu.memory_space<vmem>>, vector<1x128xf32>
    %add3A = vector.broadcast %get3A_8 : vector<1x128xf32> to vector<10000x128xf32>
    %add3A_9 = arith.addf %dot_general3A_5, %add3A : vector<10000x128xf32>
    %get3A_10 = arith.constant 0 : index
    %get3A_11 = arith.constant 0 : index
    %get3A_12 = vector.load %arg3[%get3A_10, %get3A_11] : memref<1x128xf32, #tpu.memory_space<vmem>>, vector<1x128xf32>
    %get3A_13 = arith.constant 0 : index
    %get3A_14 = arith.constant 0 : index
    %get3A_15 = vector.load %arg4[%get3A_13, %get3A_14] : memref<1x128xf32, #tpu.memory_space<vmem>>, vector<1x128xf32>
    %reduce_sum3A = arith.constant dense<0.000000e+00> : vector<128xf32>
    %reduce_sum3A_16 = vector.multi_reduction <add>, %add3A_9, %reduce_sum3A [0] : vector<10000x128xf32> to vector<128xf32>
    %div3A = arith.constant 1.000000e+04 : f32
    %div3A_17 = vector.broadcast %div3A : f32 to vector<128xf32>
    %div3A_18 = arith.divf %reduce_sum3A_16, %div3A_17 : vector<128xf32>
    %broadcast_in_dim3A = vector.shape_cast %div3A_18 : vector<128xf32> to vector<1x128xf32>
    %sub3A = vector.broadcast %broadcast_in_dim3A : vector<1x128xf32> to vector<10000x128xf32>
    %sub3A_19 = arith.subf %add3A_9, %sub3A : vector<10000x128xf32>
    %integer_pow3A = arith.mulf %sub3A_19, %sub3A_19 : vector<10000x128xf32>
    %reduce_sum3A_20 = arith.constant dense<0.000000e+00> : vector<128xf32>
    %reduce_sum3A_21 = vector.multi_reduction <add>, %integer_pow3A, %reduce_sum3A_20 [0] : vector<10000x128xf32> to vector<128xf32>
    %div3A_22 = arith.constant 1.000000e+04 : f32
    %div3A_23 = vector.broadcast %div3A_22 : f32 to vector<128xf32>
    %div3A_24 = arith.divf %reduce_sum3A_21, %div3A_23 : vector<128xf32>
    %broadcast_in_dim3A_25 = vector.shape_cast %div3A_18 : vector<128xf32> to vector<1x128xf32>
    %sub3A_26 = vector.broadcast %broadcast_in_dim3A_25 : vector<1x128xf32> to vector<10000x128xf32>
    %sub3A_27 = arith.subf %add3A_9, %sub3A_26 : vector<10000x128xf32>
    %add3A_28 = arith.constant 9.99999974E-6 : f32
    %add3A_29 = vector.broadcast %add3A_28 : f32 to vector<128xf32>
    %add3A_30 = arith.addf %div3A_24, %add3A_29 : vector<128xf32>
    %sqrt3A = math.sqrt %add3A_30 : vector<128xf32>
    %broadcast_in_dim3A_31 = vector.shape_cast %sqrt3A : vector<128xf32> to vector<1x128xf32>
    %div3A_32 = vector.broadcast %broadcast_in_dim3A_31 : vector<1x128xf32> to vector<10000x128xf32>
    %div3A_33 = arith.divf %sub3A_27, %div3A_32 : vector<10000x128xf32>
    %mul3A = vector.broadcast %get3A_12 : vector<1x128xf32> to vector<10000x128xf32>
    %mul3A_34 = arith.mulf %div3A_33, %mul3A : vector<10000x128xf32>
    %add3A_35 = vector.broadcast %get3A_15 : vector<1x128xf32> to vector<10000x128xf32>
    %add3A_36 = arith.addf %mul3A_34, %add3A_35 : vector<10000x128xf32>
    %max3A = arith.constant 0.000000e+00 : f32
    %max3A_37 = vector.broadcast %max3A : f32 to vector<10000x128xf32>
    %max3A_38 = arith.maximumf %add3A_36, %max3A_37 : vector<10000x128xf32>
    %get3A_39 = arith.constant 0 : index
    %get3A_40 = arith.constant 0 : index
    %get3A_41 = vector.load %arg5[%get3A_39, %get3A_40] : memref<128x128xf32, #tpu.memory_space<vmem>>, vector<128x128xf32>
    %dot_general3A_42 = arith.constant dense<0.000000e+00> : vector<10000x128xf32>
    %dot_general3A_43 = tpu.matmul %max3A_38, %get3A_41, %dot_general3A_42 {dimension_numbers = #tpu.dot_dimension_numbers<[1], [1], [0], [0], [0, 0, 1, 0], [], []>, transpose_lhs_hint = false} : vector<10000x128xf32>, vector<128x128xf32>, vector<10000x128xf32> -> vector<10000x128xf32>
    %get3A_44 = arith.constant 0 : index
    %get3A_45 = arith.constant 0 : index
    %get3A_46 = vector.load %arg6[%get3A_44, %get3A_45] : memref<1x128xf32, #tpu.memory_space<vmem>>, vector<1x128xf32>
    %add3A_47 = vector.broadcast %get3A_46 : vector<1x128xf32> to vector<10000x128xf32>
    %add3A_48 = arith.addf %dot_general3A_43, %add3A_47 : vector<10000x128xf32>
    %get3A_49 = arith.constant 0 : index
    %get3A_50 = arith.constant 0 : index
    %get3A_51 = vector.load %arg7[%get3A_49, %get3A_50] : memref<1x128xf32, #tpu.memory_space<vmem>>, vector<1x128xf32>
    %get3A_52 = arith.constant 0 : index
    %get3A_53 = arith.constant 0 : index
    %get3A_54 = vector.load %arg8[%get3A_52, %get3A_53] : memref<1x128xf32, #tpu.memory_space<vmem>>, vector<1x128xf32>
    %reduce_sum3A_55 = arith.constant dense<0.000000e+00> : vector<128xf32>
    %reduce_sum3A_56 = vector.multi_reduction <add>, %add3A_48, %reduce_sum3A_55 [0] : vector<10000x128xf32> to vector<128xf32>
    %div3A_57 = arith.constant 1.000000e+04 : f32
    %div3A_58 = vector.broadcast %div3A_57 : f32 to vector<128xf32>
    %div3A_59 = arith.divf %reduce_sum3A_56, %div3A_58 : vector<128xf32>
    %broadcast_in_dim3A_60 = vector.shape_cast %div3A_59 : vector<128xf32> to vector<1x128xf32>
    %sub3A_61 = vector.broadcast %broadcast_in_dim3A_60 : vector<1x128xf32> to vector<10000x128xf32>
    %sub3A_62 = arith.subf %add3A_48, %sub3A_61 : vector<10000x128xf32>
    %integer_pow3A_63 = arith.mulf %sub3A_62, %sub3A_62 : vector<10000x128xf32>
    %reduce_sum3A_64 = arith.constant dense<0.000000e+00> : vector<128xf32>
    %reduce_sum3A_65 = vector.multi_reduction <add>, %integer_pow3A_63, %reduce_sum3A_64 [0] : vector<10000x128xf32> to vector<128xf32>
    %div3A_66 = arith.constant 1.000000e+04 : f32
    %div3A_67 = vector.broadcast %div3A_66 : f32 to vector<128xf32>
    %div3A_68 = arith.divf %reduce_sum3A_65, %div3A_67 : vector<128xf32>
    %broadcast_in_dim3A_69 = vector.shape_cast %div3A_59 : vector<128xf32> to vector<1x128xf32>
    %sub3A_70 = vector.broadcast %broadcast_in_dim3A_69 : vector<1x128xf32> to vector<10000x128xf32>
    %sub3A_71 = arith.subf %add3A_48, %sub3A_70 : vector<10000x128xf32>
    %add3A_72 = arith.constant 9.99999974E-6 : f32
    %add3A_73 = vector.broadcast %add3A_72 : f32 to vector<128xf32>
    %add3A_74 = arith.addf %div3A_68, %add3A_73 : vector<128xf32>
    %sqrt3A_75 = math.sqrt %add3A_74 : vector<128xf32>
    %broadcast_in_dim3A_76 = vector.shape_cast %sqrt3A_75 : vector<128xf32> to vector<1x128xf32>
    %div3A_77 = vector.broadcast %broadcast_in_dim3A_76 : vector<1x128xf32> to vector<10000x128xf32>
    %div3A_78 = arith.divf %sub3A_71, %div3A_77 : vector<10000x128xf32>
    %mul3A_79 = vector.broadcast %get3A_51 : vector<1x128xf32> to vector<10000x128xf32>
    %mul3A_80 = arith.mulf %div3A_78, %mul3A_79 : vector<10000x128xf32>
    %add3A_81 = vector.broadcast %get3A_54 : vector<1x128xf32> to vector<10000x128xf32>
    %add3A_82 = arith.addf %mul3A_80, %add3A_81 : vector<10000x128xf32>
    %max3A_83 = arith.constant 0.000000e+00 : f32
    %max3A_84 = vector.broadcast %max3A_83 : f32 to vector<10000x128xf32>
    %max3A_85 = arith.maximumf %add3A_82, %max3A_84 : vector<10000x128xf32>
    %swap3A = arith.constant 0 : index
    %swap3A_86 = arith.constant 0 : index
    %swap3A_87 = vector.load %arg9[%swap3A, %swap3A_86] : memref<10000x128xf32, #tpu.memory_space<vmem>>, vector<10000x128xf32>
    tpu.vector_store %arg9[%swap3A, %swap3A_86], %max3A_85 {strides = array<i32>} : memref<10000x128xf32, #tpu.memory_space<vmem>>, vector<10000x128xf32>,
    %reshape3A = vector.shape_cast %max3A_85 : vector<10000x128xf32> to vector<5000x2x128xf32>
    %slice3A = vector.extract_strided_slice %reshape3A {offsets = [0, 0, 0], sizes = [5000, 1, 128], strides = [1, 1, 1]} : vector<5000x2x128xf32> to vector<5000x1x128xf32>
    %squeeze3A = vector.shape_cast %slice3A : vector<5000x1x128xf32> to vector<5000x128xf32>
    %slice3A_88 = vector.extract_strided_slice %reshape3A {offsets = [0, 1, 0], sizes = [5000, 1, 128], strides = [1, 1, 1]} : vector<5000x2x128xf32> to vector<5000x1x128xf32>
    %squeeze3A_89 = vector.shape_cast %slice3A_88 : vector<5000x1x128xf32> to vector<5000x128xf32>
    %slice3A_90 = vector.extract_strided_slice %squeeze3A {offsets = [0, 0], sizes = [5000, 64], strides = [1, 1]} : vector<5000x128xf32> to vector<5000x64xf32>
    %slice3A_91 = vector.extract_strided_slice %squeeze3A_89 {offsets = [0, 0], sizes = [5000, 64], strides = [1, 1]} : vector<5000x128xf32> to vector<5000x64xf32>
    %concatenate3A = tpu.concatenate %slice3A_90, %slice3A_91 in 1 : vector<5000x64xf32>, vector<5000x64xf32> -> vector<5000x128xf32>
    %swap3A_92 = arith.constant 0 : index
    %swap3A_93 = arith.constant 0 : index
    %swap3A_94 = arith.constant 0 : index
    %swap3A_95 = vector.load %arg10[%swap3A_92, %swap3A_93, %swap3A_94] : memref<2x5000x128xf32, #tpu.memory_space<vmem>>, vector<1x5000x128xf32>
    %swap3A_96 = vector.shape_cast %swap3A_95 : vector<1x5000x128xf32> to vector<5000x128xf32>
    %swap3A_97 = vector.shape_cast %concatenate3A : vector<5000x128xf32> to vector<1x5000x128xf32>
    tpu.vector_store %arg10[%swap3A_92, %swap3A_93, %swap3A_94], %swap3A_97 {strides = array<i32>} : memref<2x5000x128xf32, #tpu.memory_space<vmem>>, vector<1x5000x128xf32>,
    %slice3A_98 = vector.extract_strided_slice %squeeze3A {offsets = [0, 64], sizes = [5000, 64], strides = [1, 1]} : vector<5000x128xf32> to vector<5000x64xf32>
    %slice3A_99 = vector.extract_strided_slice %squeeze3A_89 {offsets = [0, 64], sizes = [5000, 64], strides = [1, 1]} : vector<5000x128xf32> to vector<5000x64xf32>
    %concatenate3A_100 = tpu.concatenate %slice3A_98, %slice3A_99 in 1 : vector<5000x64xf32>, vector<5000x64xf32> -> vector<5000x128xf32>
    %swap3A_101 = arith.constant 1 : index
    %swap3A_102 = arith.constant 0 : index
    %swap3A_103 = arith.constant 0 : index
    %swap3A_104 = vector.load %arg10[%swap3A_101, %swap3A_102, %swap3A_103] : memref<2x5000x128xf32, #tpu.memory_space<vmem>>, vector<1x5000x128xf32>
    %swap3A_105 = vector.shape_cast %swap3A_104 : vector<1x5000x128xf32> to vector<5000x128xf32>
    %swap3A_106 = vector.shape_cast %concatenate3A_100 : vector<5000x128xf32> to vector<1x5000x128xf32>
    tpu.vector_store %arg10[%swap3A_101, %swap3A_102, %swap3A_103], %swap3A_106 {strides = array<i32>} : memref<2x5000x128xf32, #tpu.memory_space<vmem>>, vector<1x5000x128xf32>,
    return
  }
}

module attributes {stable_mosaic.version = 14 : i64} {
  func.func @body(%arg0: memref<10240x128xf32, #tpu.memory_space<vmem>>, %arg1: memref<2x10240x16xf32, #tpu.memory_space<vmem>>, %arg2: memref<10000x128xf32, #tpu.memory_space<vmem>>, %arg3: memref<128x128xf32, #tpu.memory_space<vmem>>, %arg4: memref<1x128xf32, #tpu.memory_space<vmem>>, %arg5: memref<128x128xf32, #tpu.memory_space<vmem>>, %arg6: memref<1x128xf32, #tpu.memory_space<vmem>>, %arg7: memref<1x128xf32, #tpu.memory_space<vmem>>, %arg8: memref<10000x128xf32, #tpu.memory_space<vmem>>, %arg9: memref<2x5000x128xf32, #tpu.memory_space<vmem>>) attributes {dimension_semantics = [], scalar_prefetch = 0 : i64, scratch_operands = 0 : i64, tpu.core_type = #tpu.core_type<tc>} {
    %get3A = arith.constant 0 : index
    %get3A_0 = arith.constant 0 : index
    %get3A_1 = arith.constant 0 : index
    %get3A_2 = vector.load %arg1[%get3A, %get3A_0, %get3A_1] : memref<2x10240x16xf32, #tpu.memory_space<vmem>>, vector<1x10240x16xf32>
    %get3A_3 = vector.shape_cast %get3A_2 : vector<1x10240x16xf32> to vector<10240x16xf32>
    %get3A_4 = arith.constant 1 : index
    %get3A_5 = arith.constant 0 : index
    %get3A_6 = arith.constant 0 : index
    %get3A_7 = vector.load %arg1[%get3A_4, %get3A_5, %get3A_6] : memref<2x10240x16xf32, #tpu.memory_space<vmem>>, vector<1x10240x16xf32>
    %get3A_8 = vector.shape_cast %get3A_7 : vector<1x10240x16xf32> to vector<10240x16xf32>
    %add3A = arith.addf %get3A_3, %get3A_8 : vector<10240x16xf32>
    %slice3A = vector.extract_strided_slice %add3A {offsets = [0, 0], sizes = [10000, 1], strides = [1, 1]} : vector<10240x16xf32> to vector<10000x1xf32>
    %get3A_9 = arith.constant 0 : index
    %get3A_10 = arith.constant 0 : index
    %get3A_11 = vector.load %arg0[%get3A_9, %get3A_10] : memref<10240x128xf32, #tpu.memory_space<vmem>>, vector<10000x128xf32>
    %max3A = arith.constant 1.000000e+00 : f32
    %max3A_12 = vector.broadcast %max3A : f32 to vector<10000x1xf32>
    %max3A_13 = arith.maximumf %slice3A, %max3A_12 : vector<10000x1xf32>
    %div3A = vector.broadcast %max3A_13 : vector<10000x1xf32> to vector<10000x128xf32>
    %div3A_14 = arith.divf %get3A_11, %div3A : vector<10000x128xf32>
    %get3A_15 = arith.constant 0 : index
    %get3A_16 = arith.constant 0 : index
    %get3A_17 = vector.load %arg3[%get3A_15, %get3A_16] : memref<128x128xf32, #tpu.memory_space<vmem>>, vector<128x128xf32>
    %dot_general3A = arith.constant dense<0.000000e+00> : vector<10000x128xf32>
    %dot_general3A_18 = tpu.matmul %div3A_14, %get3A_17, %dot_general3A {dimension_numbers = #tpu.dot_dimension_numbers<[1], [1], [0], [0], [0, 0, 1, 0], [], []>, transpose_lhs_hint = false} : vector<10000x128xf32>, vector<128x128xf32>, vector<10000x128xf32> -> vector<10000x128xf32>
    %get3A_19 = arith.constant 0 : index
    %get3A_20 = arith.constant 0 : index
    %get3A_21 = vector.load %arg4[%get3A_19, %get3A_20] : memref<1x128xf32, #tpu.memory_space<vmem>>, vector<1x128xf32>
    %add3A_22 = vector.broadcast %get3A_21 : vector<1x128xf32> to vector<10000x128xf32>
    %add3A_23 = arith.addf %dot_general3A_18, %add3A_22 : vector<10000x128xf32>
    %get3A_24 = arith.constant 0 : index
    %get3A_25 = arith.constant 0 : index
    %get3A_26 = vector.load %arg2[%get3A_24, %get3A_25] : memref<10000x128xf32, #tpu.memory_space<vmem>>, vector<10000x128xf32>
    %get3A_27 = arith.constant 0 : index
    %get3A_28 = arith.constant 0 : index
    %get3A_29 = vector.load %arg5[%get3A_27, %get3A_28] : memref<128x128xf32, #tpu.memory_space<vmem>>, vector<128x128xf32>
    %dot_general3A_30 = arith.constant dense<0.000000e+00> : vector<10000x128xf32>
    %dot_general3A_31 = tpu.matmul %get3A_26, %get3A_29, %dot_general3A_30 {dimension_numbers = #tpu.dot_dimension_numbers<[1], [1], [0], [0], [0, 0, 1, 0], [], []>, transpose_lhs_hint = false} : vector<10000x128xf32>, vector<128x128xf32>, vector<10000x128xf32> -> vector<10000x128xf32>
    %add3A_32 = arith.addf %add3A_23, %dot_general3A_31 : vector<10000x128xf32>
    %get3A_33 = arith.constant 0 : index
    %get3A_34 = arith.constant 0 : index
    %get3A_35 = vector.load %arg6[%get3A_33, %get3A_34] : memref<1x128xf32, #tpu.memory_space<vmem>>, vector<1x128xf32>
    %get3A_36 = arith.constant 0 : index
    %get3A_37 = arith.constant 0 : index
    %get3A_38 = vector.load %arg7[%get3A_36, %get3A_37] : memref<1x128xf32, #tpu.memory_space<vmem>>, vector<1x128xf32>
    %reduce_sum3A = arith.constant dense<0.000000e+00> : vector<128xf32>
    %reduce_sum3A_39 = vector.multi_reduction <add>, %add3A_32, %reduce_sum3A [0] : vector<10000x128xf32> to vector<128xf32>
    %div3A_40 = arith.constant 1.000000e+04 : f32
    %div3A_41 = vector.broadcast %div3A_40 : f32 to vector<128xf32>
    %div3A_42 = arith.divf %reduce_sum3A_39, %div3A_41 : vector<128xf32>
    %broadcast_in_dim3A = vector.shape_cast %div3A_42 : vector<128xf32> to vector<1x128xf32>
    %sub3A = vector.broadcast %broadcast_in_dim3A : vector<1x128xf32> to vector<10000x128xf32>
    %sub3A_43 = arith.subf %add3A_32, %sub3A : vector<10000x128xf32>
    %integer_pow3A = arith.mulf %sub3A_43, %sub3A_43 : vector<10000x128xf32>
    %reduce_sum3A_44 = arith.constant dense<0.000000e+00> : vector<128xf32>
    %reduce_sum3A_45 = vector.multi_reduction <add>, %integer_pow3A, %reduce_sum3A_44 [0] : vector<10000x128xf32> to vector<128xf32>
    %div3A_46 = arith.constant 1.000000e+04 : f32
    %div3A_47 = vector.broadcast %div3A_46 : f32 to vector<128xf32>
    %div3A_48 = arith.divf %reduce_sum3A_45, %div3A_47 : vector<128xf32>
    %broadcast_in_dim3A_49 = vector.shape_cast %div3A_42 : vector<128xf32> to vector<1x128xf32>
    %sub3A_50 = vector.broadcast %broadcast_in_dim3A_49 : vector<1x128xf32> to vector<10000x128xf32>
    %sub3A_51 = arith.subf %add3A_32, %sub3A_50 : vector<10000x128xf32>
    %add3A_52 = arith.constant 9.99999974E-6 : f32
    %add3A_53 = vector.broadcast %add3A_52 : f32 to vector<128xf32>
    %add3A_54 = arith.addf %div3A_48, %add3A_53 : vector<128xf32>
    %sqrt3A = math.sqrt %add3A_54 : vector<128xf32>
    %broadcast_in_dim3A_55 = vector.shape_cast %sqrt3A : vector<128xf32> to vector<1x128xf32>
    %div3A_56 = vector.broadcast %broadcast_in_dim3A_55 : vector<1x128xf32> to vector<10000x128xf32>
    %div3A_57 = arith.divf %sub3A_51, %div3A_56 : vector<10000x128xf32>
    %mul3A = vector.broadcast %get3A_35 : vector<1x128xf32> to vector<10000x128xf32>
    %mul3A_58 = arith.mulf %div3A_57, %mul3A : vector<10000x128xf32>
    %add3A_59 = vector.broadcast %get3A_38 : vector<1x128xf32> to vector<10000x128xf32>
    %add3A_60 = arith.addf %mul3A_58, %add3A_59 : vector<10000x128xf32>
    %swap3A = arith.constant 0 : index
    %swap3A_61 = arith.constant 0 : index
    %swap3A_62 = vector.load %arg8[%swap3A, %swap3A_61] : memref<10000x128xf32, #tpu.memory_space<vmem>>, vector<10000x128xf32>
    tpu.vector_store %arg8[%swap3A, %swap3A_61], %add3A_60 {strides = array<i32>} : memref<10000x128xf32, #tpu.memory_space<vmem>>, vector<10000x128xf32>,
    %reshape3A = vector.shape_cast %add3A_60 : vector<10000x128xf32> to vector<5000x2x128xf32>
    %slice3A_63 = vector.extract_strided_slice %reshape3A {offsets = [0, 0, 0], sizes = [5000, 1, 128], strides = [1, 1, 1]} : vector<5000x2x128xf32> to vector<5000x1x128xf32>
    %squeeze3A = vector.shape_cast %slice3A_63 : vector<5000x1x128xf32> to vector<5000x128xf32>
    %slice3A_64 = vector.extract_strided_slice %reshape3A {offsets = [0, 1, 0], sizes = [5000, 1, 128], strides = [1, 1, 1]} : vector<5000x2x128xf32> to vector<5000x1x128xf32>
    %squeeze3A_65 = vector.shape_cast %slice3A_64 : vector<5000x1x128xf32> to vector<5000x128xf32>
    %slice3A_66 = vector.extract_strided_slice %squeeze3A {offsets = [0, 0], sizes = [5000, 64], strides = [1, 1]} : vector<5000x128xf32> to vector<5000x64xf32>
    %slice3A_67 = vector.extract_strided_slice %squeeze3A_65 {offsets = [0, 0], sizes = [5000, 64], strides = [1, 1]} : vector<5000x128xf32> to vector<5000x64xf32>
    %concatenate3A = tpu.concatenate %slice3A_66, %slice3A_67 in 1 : vector<5000x64xf32>, vector<5000x64xf32> -> vector<5000x128xf32>
    %swap3A_68 = arith.constant 0 : index
    %swap3A_69 = arith.constant 0 : index
    %swap3A_70 = arith.constant 0 : index
    %swap3A_71 = vector.load %arg9[%swap3A_68, %swap3A_69, %swap3A_70] : memref<2x5000x128xf32, #tpu.memory_space<vmem>>, vector<1x5000x128xf32>
    %swap3A_72 = vector.shape_cast %swap3A_71 : vector<1x5000x128xf32> to vector<5000x128xf32>
    %swap3A_73 = vector.shape_cast %concatenate3A : vector<5000x128xf32> to vector<1x5000x128xf32>
    tpu.vector_store %arg9[%swap3A_68, %swap3A_69, %swap3A_70], %swap3A_73 {strides = array<i32>} : memref<2x5000x128xf32, #tpu.memory_space<vmem>>, vector<1x5000x128xf32>,
    %slice3A_74 = vector.extract_strided_slice %squeeze3A {offsets = [0, 64], sizes = [5000, 64], strides = [1, 1]} : vector<5000x128xf32> to vector<5000x64xf32>
    %slice3A_75 = vector.extract_strided_slice %squeeze3A_65 {offsets = [0, 64], sizes = [5000, 64], strides = [1, 1]} : vector<5000x128xf32> to vector<5000x64xf32>
    %concatenate3A_76 = tpu.concatenate %slice3A_74, %slice3A_75 in 1 : vector<5000x64xf32>, vector<5000x64xf32> -> vector<5000x128xf32>
    %swap3A_77 = arith.constant 1 : index
    %swap3A_78 = arith.constant 0 : index
    %swap3A_79 = arith.constant 0 : index
    %swap3A_80 = vector.load %arg9[%swap3A_77, %swap3A_78, %swap3A_79] : memref<2x5000x128xf32, #tpu.memory_space<vmem>>, vector<1x5000x128xf32>
    %swap3A_81 = vector.shape_cast %swap3A_80 : vector<1x5000x128xf32> to vector<5000x128xf32>
    %swap3A_82 = vector.shape_cast %concatenate3A_76 : vector<5000x128xf32> to vector<1x5000x128xf32>
    tpu.vector_store %arg9[%swap3A_77, %swap3A_78, %swap3A_79], %swap3A_82 {strides = array<i32>} : memref<2x5000x128xf32, #tpu.memory_space<vmem>>, vector<1x5000x128xf32>,
    return
  }
}

module attributes {stable_mosaic.version = 14 : i64} {
  func.func @body(%arg0: memref<10240x128xf32, #tpu.memory_space<vmem>>, %arg1: memref<2x10240x16xf32, #tpu.memory_space<vmem>>, %arg2: memref<10000x128xf32, #tpu.memory_space<vmem>>, %arg3: memref<128x128xf32, #tpu.memory_space<vmem>>, %arg4: memref<1x128xf32, #tpu.memory_space<vmem>>, %arg5: memref<128x128xf32, #tpu.memory_space<vmem>>, %arg6: memref<1x128xf32, #tpu.memory_space<vmem>>, %arg7: memref<1x128xf32, #tpu.memory_space<vmem>>, %arg8: memref<10000x128xf32, #tpu.memory_space<vmem>>) attributes {dimension_semantics = [], scalar_prefetch = 0 : i64, scratch_operands = 0 : i64, tpu.core_type = #tpu.core_type<tc>} {
    %get3A = arith.constant 0 : index
    %get3A_0 = arith.constant 0 : index
    %get3A_1 = arith.constant 0 : index
    %get3A_2 = vector.load %arg1[%get3A, %get3A_0, %get3A_1] : memref<2x10240x16xf32, #tpu.memory_space<vmem>>, vector<1x10240x16xf32>
    %get3A_3 = vector.shape_cast %get3A_2 : vector<1x10240x16xf32> to vector<10240x16xf32>
    %get3A_4 = arith.constant 1 : index
    %get3A_5 = arith.constant 0 : index
    %get3A_6 = arith.constant 0 : index
    %get3A_7 = vector.load %arg1[%get3A_4, %get3A_5, %get3A_6] : memref<2x10240x16xf32, #tpu.memory_space<vmem>>, vector<1x10240x16xf32>
    %get3A_8 = vector.shape_cast %get3A_7 : vector<1x10240x16xf32> to vector<10240x16xf32>
    %add3A = arith.addf %get3A_3, %get3A_8 : vector<10240x16xf32>
    %slice3A = vector.extract_strided_slice %add3A {offsets = [0, 0], sizes = [10000, 1], strides = [1, 1]} : vector<10240x16xf32> to vector<10000x1xf32>
    %get3A_9 = arith.constant 0 : index
    %get3A_10 = arith.constant 0 : index
    %get3A_11 = vector.load %arg0[%get3A_9, %get3A_10] : memref<10240x128xf32, #tpu.memory_space<vmem>>, vector<10000x128xf32>
    %max3A = arith.constant 1.000000e+00 : f32
    %max3A_12 = vector.broadcast %max3A : f32 to vector<10000x1xf32>
    %max3A_13 = arith.maximumf %slice3A, %max3A_12 : vector<10000x1xf32>
    %div3A = vector.broadcast %max3A_13 : vector<10000x1xf32> to vector<10000x128xf32>
    %div3A_14 = arith.divf %get3A_11, %div3A : vector<10000x128xf32>
    %get3A_15 = arith.constant 0 : index
    %get3A_16 = arith.constant 0 : index
    %get3A_17 = vector.load %arg3[%get3A_15, %get3A_16] : memref<128x128xf32, #tpu.memory_space<vmem>>, vector<128x128xf32>
    %dot_general3A = arith.constant dense<0.000000e+00> : vector<10000x128xf32>
    %dot_general3A_18 = tpu.matmul %div3A_14, %get3A_17, %dot_general3A {dimension_numbers = #tpu.dot_dimension_numbers<[1], [1], [0], [0], [0, 0, 1, 0], [], []>, transpose_lhs_hint = false} : vector<10000x128xf32>, vector<128x128xf32>, vector<10000x128xf32> -> vector<10000x128xf32>
    %get3A_19 = arith.constant 0 : index
    %get3A_20 = arith.constant 0 : index
    %get3A_21 = vector.load %arg4[%get3A_19, %get3A_20] : memref<1x128xf32, #tpu.memory_space<vmem>>, vector<1x128xf32>
    %add3A_22 = vector.broadcast %get3A_21 : vector<1x128xf32> to vector<10000x128xf32>
    %add3A_23 = arith.addf %dot_general3A_18, %add3A_22 : vector<10000x128xf32>
    %get3A_24 = arith.constant 0 : index
    %get3A_25 = arith.constant 0 : index
    %get3A_26 = vector.load %arg2[%get3A_24, %get3A_25] : memref<10000x128xf32, #tpu.memory_space<vmem>>, vector<10000x128xf32>
    %get3A_27 = arith.constant 0 : index
    %get3A_28 = arith.constant 0 : index
    %get3A_29 = vector.load %arg5[%get3A_27, %get3A_28] : memref<128x128xf32, #tpu.memory_space<vmem>>, vector<128x128xf32>
    %dot_general3A_30 = arith.constant dense<0.000000e+00> : vector<10000x128xf32>
    %dot_general3A_31 = tpu.matmul %get3A_26, %get3A_29, %dot_general3A_30 {dimension_numbers = #tpu.dot_dimension_numbers<[1], [1], [0], [0], [0, 0, 1, 0], [], []>, transpose_lhs_hint = false} : vector<10000x128xf32>, vector<128x128xf32>, vector<10000x128xf32> -> vector<10000x128xf32>
    %add3A_32 = arith.addf %add3A_23, %dot_general3A_31 : vector<10000x128xf32>
    %get3A_33 = arith.constant 0 : index
    %get3A_34 = arith.constant 0 : index
    %get3A_35 = vector.load %arg6[%get3A_33, %get3A_34] : memref<1x128xf32, #tpu.memory_space<vmem>>, vector<1x128xf32>
    %get3A_36 = arith.constant 0 : index
    %get3A_37 = arith.constant 0 : index
    %get3A_38 = vector.load %arg7[%get3A_36, %get3A_37] : memref<1x128xf32, #tpu.memory_space<vmem>>, vector<1x128xf32>
    %reduce_sum3A = arith.constant dense<0.000000e+00> : vector<128xf32>
    %reduce_sum3A_39 = vector.multi_reduction <add>, %add3A_32, %reduce_sum3A [0] : vector<10000x128xf32> to vector<128xf32>
    %div3A_40 = arith.constant 1.000000e+04 : f32
    %div3A_41 = vector.broadcast %div3A_40 : f32 to vector<128xf32>
    %div3A_42 = arith.divf %reduce_sum3A_39, %div3A_41 : vector<128xf32>
    %broadcast_in_dim3A = vector.shape_cast %div3A_42 : vector<128xf32> to vector<1x128xf32>
    %sub3A = vector.broadcast %broadcast_in_dim3A : vector<1x128xf32> to vector<10000x128xf32>
    %sub3A_43 = arith.subf %add3A_32, %sub3A : vector<10000x128xf32>
    %integer_pow3A = arith.mulf %sub3A_43, %sub3A_43 : vector<10000x128xf32>
    %reduce_sum3A_44 = arith.constant dense<0.000000e+00> : vector<128xf32>
    %reduce_sum3A_45 = vector.multi_reduction <add>, %integer_pow3A, %reduce_sum3A_44 [0] : vector<10000x128xf32> to vector<128xf32>
    %div3A_46 = arith.constant 1.000000e+04 : f32
    %div3A_47 = vector.broadcast %div3A_46 : f32 to vector<128xf32>
    %div3A_48 = arith.divf %reduce_sum3A_45, %div3A_47 : vector<128xf32>
    %broadcast_in_dim3A_49 = vector.shape_cast %div3A_42 : vector<128xf32> to vector<1x128xf32>
    %sub3A_50 = vector.broadcast %broadcast_in_dim3A_49 : vector<1x128xf32> to vector<10000x128xf32>
    %sub3A_51 = arith.subf %add3A_32, %sub3A_50 : vector<10000x128xf32>
    %add3A_52 = arith.constant 9.99999974E-6 : f32
    %add3A_53 = vector.broadcast %add3A_52 : f32 to vector<128xf32>
    %add3A_54 = arith.addf %div3A_48, %add3A_53 : vector<128xf32>
    %sqrt3A = math.sqrt %add3A_54 : vector<128xf32>
    %broadcast_in_dim3A_55 = vector.shape_cast %sqrt3A : vector<128xf32> to vector<1x128xf32>
    %div3A_56 = vector.broadcast %broadcast_in_dim3A_55 : vector<1x128xf32> to vector<10000x128xf32>
    %div3A_57 = arith.divf %sub3A_51, %div3A_56 : vector<10000x128xf32>
    %mul3A = vector.broadcast %get3A_35 : vector<1x128xf32> to vector<10000x128xf32>
    %mul3A_58 = arith.mulf %div3A_57, %mul3A : vector<10000x128xf32>
    %add3A_59 = vector.broadcast %get3A_38 : vector<1x128xf32> to vector<10000x128xf32>
    %add3A_60 = arith.addf %mul3A_58, %add3A_59 : vector<10000x128xf32>
    %swap3A = arith.constant 0 : index
    %swap3A_61 = arith.constant 0 : index
    %swap3A_62 = vector.load %arg8[%swap3A, %swap3A_61] : memref<10000x128xf32, #tpu.memory_space<vmem>>, vector<10000x128xf32>
    tpu.vector_store %arg8[%swap3A, %swap3A_61], %add3A_60 {strides = array<i32>} : memref<10000x128xf32, #tpu.memory_space<vmem>>, vector<10000x128xf32>,
    return
  }
}

</mosaic_0001>

<sc_bundles>
// kernel: kernel.11.cloned.1.call-start
scs
__scs_entry_jumppad:
0x0: {  	(pc) =	sbr.rel $0x88, $3  }
0x1: {  	(tag) =	ssettag $0x0;
	lr =	simm.s32 $0x1  }
0x2: {  	[smem:$0x3F8D] =	sst lr;
	_ =	strace $0xD0000000  }
0x3: {  	_ = 	snop  }
0x4: {  	_ = 	snop  }
0x5: {  	_ = 	snop  }
0x6: {  	_ = 	snop  }
0x7: {  	_ = 	snop  }
__scs_overlays_trampoline_lowered:
0x8: {  	[smem:$0x3F9C] =	sst s0  }
0x9: {  	[smem:$0x3F9D] =	sst s1  }
0xa: {  	[smem:$0x3F9E] =	sst s2  }
0xb: {  	[smem:$0x3F9F] =	sst s3  }
0xc: {  	[smem:$0x3FA0] =	sst s4  }
0xd: {  	[smem:$0x3FA1] =	sst s5  }
0xe: {  	[smem:$0x3FA2] =	sst s6  }
0xf: {  	[smem:$0x3FA3] =	sst s7  }
0x10: {  	[smem:$0x3FA4] =	sst s8  }
0x11: {  	[smem:$0x3FA5] =	sst s9;
	s0 =	simm.s32 @!p0 $0x0  }
0x12: {  	s1 =	sld [smem:$0x3F8B];
	s0 =	simm.s32 @p0 $0x1  }
0x13: {  	[smem:$0x3FA6] =	sst s0;
	s0 =	simm.s32 @!p1 $0x0  }
0x14: {  	s2 =	sld [smem:$0x3F8A];
	s0 =	simm.s32 @p1 $0x1  }
0x15: {  	[smem:$0x3FA7] =	sst s0;
	s0 =	simm.s32 @!p2 $0x0  }
0x16: {  	s3 =	sld [smem:$0x3FDB];
	s0 =	simm.s32 @p2 $0x1  }
0x17: {  	s4 =	simm.s32 $0x1BF5;
	[smem:$0x3FA9] =	sst s0  }
0x18: {  	s0 =	sld [smem:$0x3F8C];
	_ =	swait.ge [sflag:s4], $0x0  }
0x19: {  	s7 =	sld [smem:$0x3F8D]  }
0x1a: {  	s8 =	sadd.s32 $0xFFFFE003, lr  }
0x1b: {  	s9 =	sadd.s32 $0xFFFFFEF7, lr;
	s5 =	simm.s32 $0xFFFFFFFF;
	p2 =	slt.u32 s8, $0xFFFFF086  }
0x1c: {  	p1 =	slt.u32 s9, $0xF7A;
	s5 =	simm.s32 @!p2 $0x0  }
0x1d: {  	s5 =	simm.s32 @p1 $0x1;
	p0 =	seq.s32 s7, s2  }
0x1e: {  	s7 =	smul.u32 @!p0 $0xF7A, s2;
	p2 =	seq.s32 @!p0 s5, $0x0  }
0x1f: {  	s9 =	smul.u32 $0xF7A, s1;
	s8 =	simm.s32 @!p0 $0x1BF5;
	p2 =	por !p2, p0  }
0x20: {  	[sflag:s8] =	ssyncset.s32 @!p0 $0xFFFFF086;
	s6 =	sadd.s32 @!p0 s3, s7;
	s7 =	simm.s32 @!p0 $0x108  }
0x21: {  	s3 =	sadd.s32 s3, s9;
	s6 =	sadd.s32 @!p0 $0x88, s6;
	s7 =	simm.s32 @p2 $0x1082  }
0x22: {  	[simem:s7], [sflag:s8] =	dma.local @!p0 [hbm:s6], $0xF7A  }
0x23: {  	s9 =	sor.u32 $0xD0000000, s2;
	s6 =	simm.s32 $0x108;
	_ =	swait.ge @!p0 [sflag:s8], $0x0  }
0x24: {  	s3 =	sadd.s32 $0x88, s3;
	s6 =	simm.s32 @!p1 $0x1082;
	[sflag:s4] =	ssyncset.s32 $0xFFFFF086  }
0x25: {  	[simem:s6], [sflag:s4] =	dma.local [hbm:s3], $0xF7A  }
0x26: {  	[smem:$0x3F8D] =	sst s1;
	(tag) =	ssettag s2;
	_ =	strace s9  }
0x27: {  	s1 =	sld [smem:$0x3F9D]  }
0x28: {  	s2 =	sld [smem:$0x3F9E]  }
0x29: {  	s4 =	sld [smem:$0x3FA0]  }
0x2a: {  	p0 =	seq.s32 s5, $0x0;
	s5 =	sld [smem:$0x3FA1]  }
0x2b: {  	s6 =	sld [smem:$0x3FA2]  }
0x2c: {  	s7 =	sld [smem:$0x3FA3]  }
0x2d: {  	s3 =	simm.s32 $0x108;
	s8 =	sld [smem:$0x3FA4]  }
0x2e: {  	s3 =	simm.s32 @!p0 $0x1082;
	s9 =	sld [smem:$0x3FA5]  }
0x2f: {  	lr =	sadd.s32 s0, s3;
	s0 =	sld [smem:$0x3F9C]  }
0x30: {  	s3 =	sld [smem:$0x3F9F]  }
0x31: {  	[smem:$0x3FA8] =	sst s10  }
0x32: {  	s10 =	sld [smem:$0x3FA6];
	_ =	sdelay $0x3  }
0x33: {  	p0 =	seq.s32 s10, $0x1;
	s10 =	sld [smem:$0x3FA8];
	_ =	sdelay $0x3  }
0x34: {  	[smem:$0x3FA8] =	sst s10  }
0x35: {  	s10 =	sld [smem:$0x3FA7];
	_ =	sdelay $0x3  }
0x36: {  	p1 =	seq.s32 s10, $0x1;
	s10 =	sld [smem:$0x3FA8];
	_ =	sdelay $0x3  }
0x37: {  	[smem:$0x3FA8] =	sst s10  }
0x38: {  	s10 =	sld [smem:$0x3FA9]  }
0x39: {  	_ = 	snop;
	(pc) =	sbr.ind lr, $3  }
0x3a: {  	_ = 	snop  }
0x3b: {  	_ = 	snop  }
0x3c: {  	p2 =	seq.s32 s10, $0x1;
	s10 =	sld [smem:$0x3FA8]  }
0x3d: {  	_ =	shalt  }
0x3e: {  	_ =	shalt  }
0x3f: {  	_ =	shalt  }
0x40: {  	_ =	shalt  }
0x41: {  	_ =	shalt  }
0x42: {  	_ =	shalt  }
0x43: {  	_ =	shalt  }
0x44: {  	_ =	shalt  }
0x45: {  	_ =	shalt  }
0x46: {  	_ =	shalt  }
0x47: {  	_ =	shalt  }
0x48: {  	_ =	shalt  }
0x49: {  	_ =	shalt  }
0x4a: {  	_ =	shalt  }
0x4b: {  	_ =	shalt  }
0x4c: {  	_ =	shalt  }
0x4d: {  	_ =	shalt  }
0x4e: {  	_ =	shalt  }
0x4f: {  	_ =	shalt  }
0x50: {  	_ =	shalt  }
0x51: {  	_ =	shalt  }
0x52: {  	_ =	shalt  }
0x53: {  	_ =	shalt  }
0x54: {  	_ =	shalt  }
0x55: {  	_ =	shalt  }
0x56: {  	_ =	shalt  }
0x57: {  	_ =	shalt  }
0x58: {  	_ =	shalt  }
0x59: {  	_ =	shalt  }
0x5a: {  	_ =	shalt  }
0x5b: {  	_ =	shalt  }
0x5c: {  	_ =	shalt  }
0x5d: {  	_ =	shalt  }
0x5e: {  	_ =	shalt  }
0x5f: {  	_ =	shalt  }
0x60: {  	_ =	shalt  }
0x61: {  	_ =	shalt  }
0x62: {  	_ =	shalt  }
0x63: {  	_ =	shalt  }
0x64: {  	_ =	shalt  }
0x65: {  	_ =	shalt  }
0x66: {  	_ =	shalt  }
0x67: {  	_ =	shalt  }
0x68: {  	_ =	shalt  }
0x69: {  	_ =	shalt  }
0x6a: {  	_ =	shalt  }
0x6b: {  	_ =	shalt  }
0x6c: {  	_ =	shalt  }
0x6d: {  	_ =	shalt  }
0x6e: {  	_ =	shalt  }
0x6f: {  	_ =	shalt  }
0x70: {  	_ =	shalt  }
0x71: {  	_ =	shalt  }
0x72: {  	_ =	shalt  }
0x73: {  	_ =	shalt  }
0x74: {  	_ =	shalt  }
0x75: {  	_ =	shalt  }
0x76: {  	_ =	shalt  }
0x77: {  	_ =	shalt  }
0x78: {  	_ =	shalt  }
0x79: {  	_ =	shalt  }
0x7a: {  	_ =	shalt  }
0x7b: {  	_ =	shalt  }
0x7c: {  	_ =	shalt  }
0x7d: {  	_ =	shalt  }
0x7e: {  	_ =	shalt  }
0x7f: {  	_ =	shalt  }
0x80: {  	_ =	shalt  }
0x81: {  	_ =	shalt  }
0x82: {  	_ =	shalt  }
0x83: {  	_ =	shalt  }
0x84: {  	_ =	shalt  }
0x85: {  	_ =	shalt  }
0x86: {  	_ =	shalt  }
0x87: {  	_ =	shalt  }
.Lfunc_end0:
.L_simem_size_0:
called_computation.1_lowered:
.L_overlay_start_0:
0x88: {  	s2 =	sld [smem:$0x3FD9]  }
0x89: {  	s3 =	sld [smem:$0x3FFE];
	_ =	sdelay $0x1  }
0x8a: {  	s1 =	srdreg.scid  }
0x8b: {  	s0 =	sand.u32 $0x1, s1  }
0x8c: {  	s15 =	sshll.u32 s0, $0xA;
	s2 =	sadd.s32 s3, s2  }
0x8d: {  	s2 =	sadd.s32 s2, s15  }
0x8e: {  	[smem:$0x3FB4] =	sst s2  }
0x8f: {  	_ = 	snop  }
0x90: {  	s2 =	sld [smem:$0x3FD0];
	_ =	sdelay $0x2  }
0x91: {  	s16 =	simm.s32 $0xB;
	s4 =	simm.s32 $0x10  }
0x92: {  	[smem:s4], [sflag:s16] =	dma.local [hbm:s2], $0x1  }
0x93: {  	_ =	swait.eq [sflag:s16], $0x1  }
0x94: {  	[sflag:s16] =	ssyncset.done $0x0  }
0x95: {  	[sflag:s16] =	ssyncadd.s32 $0xFFFFFFFF  }
0x96: {  	s17 =	sld [smem:$0x11];
	(tm) =	ssettm $0x1  }
0x97: {  	s18 =	sld [smem:$0x3FFB];
	_ =	sdelay $0x3  }
0x98: {  	_ =	strace s18  }
0x99: {  	s2 =	sld [smem:$0x3FFC];
	_ =	sdelay $0x3  }
0x9a: {  	_ =	strace s2  }
0x9b: {  	s2 =	sld [smem:$0x3FFD];
	_ =	sdelay $0x3  }
0x9c: {  	_ =	strace s2  }
0x9d: {  	_ =	strace $0x8FFFFFFF  }
0x9e: {  	s19 =	sld [smem:$0x3FDB];
	_ =	sdelay $0x1  }
0x9f: {  	s20 =	simm.s32 $_scs_section_size  }
0xa0: {  	s5 =	simm.s32 $_size__tile_overlayer_lowered;
	s6 =	simm.s32 $_tile_overlayer_lowered  }
0xa1: {  	s7 =	simm.s32 $0x1BFF;
	s21 =	sshll.u32 s6, $0x1;
	s4 =	sadd.s32 s20, s19  }
0xa2: {  	s22 =	simm.s32 $0x0;
	s5 =	sshll.u32 s5, $0x1;
	s6 =	sadd.s32 s21, s4  }
0xa3: {  	[timem:s22], [sflag:s7] =	dma.local [hbm:s6], s5  }
0xa4: {  	_ =	swait.ge [sflag:s7], s5  }
0xa5: {  	s5 =	ssub.s32 $0x0, s5;
	[sflag:s7] =	ssyncset.done $0x0  }
0xa6: {  	[sflag:s7] =	ssyncadd.s32 s5;
	_ =	sdelay $0x1  }
0xa7: {  	s23 =	simm.s32 $0x1B8B  }
0xa8: {  	_ =	swait.ge [sflag:s23], $0x1  }
0xa9: {  	[sflag:s23] =	ssyncset.done $0x0  }
0xaa: {  	[sflag:s23] =	ssyncadd.s32 $0xFFFFFFFF  }
0xab: {  	s5 =	sld [smem:$0x0]  }
0xac: {  	s6 =	sand.u32 $0xFFFFFFFE, s1  }
0xad: {  	p0 =	sne.s32 s1, s6  }
0xae: {  	s6 =	sshll.u32 @p0 s6, $0xE  }
0xaf: {  	s6 =	sadd.s32 @p0 $0x11B8D, s6;
	s7 =	sshll.u32 @p0 s5, $0x11  }
0xb0: {  	s6 =	sor.u32 @p0 s7, s6  }
0xb1: {  	[sflag:s6] =	ssyncadd.remote.s32 @p0 $0x1;
	_ =	sdelay $0x1  }
0xb2: {  	s6 =	simm.s32 @p0 $0x1B8D  }
0xb3: {  	_ =	swait.eq @p0 [sflag:s6], $0x1  }
0xb4: {  	[sflag:s6] =	ssyncadd.s32 @p0 $0xFFFFFFFF  }
0xb5: {  	s7 =	sshll.u32 @!p0 s1, $0xE  }
0xb6: {  	s7 =	sor.u32 @!p0 $0x4000, s7;
	s6 =	simm.s32 @!p0 $0x1B8D  }
0xb7: {  	s5 =	sshll.u32 @!p0 s5, $0x11;
	s7 =	sadd.s32 @!p0 $0x11B8D, s7;
	_ =	swait.eq @!p0 [sflag:s6], $0x1  }
0xb8: {  	s5 =	sor.u32 @!p0 s5, s7;
	[sflag:s6] =	ssyncadd.s32 @!p0 $0xFFFFFFFF  }
0xb9: {  	s25 =	simm.s32 $0x1B8E;
	s24 =	sld [smem:$0x3FFE];
	[sflag:s5] =	ssyncadd.remote.s32 @!p0 $0x1  }
0xba: {  	s26 =	simm.s32 $execute0_lowered;
	[smem:$0x3FD2] =	sst s25  }
0xbb: {  	s6 =	sshll.u32 s26, $0x1;
	_ =	strace $0x80000049;
	[dreg:$0x1] =	wrdreg $0xFFFFFFFF  }
0xbc: {  	s28 =	simm.s32 $_size_execute0_lowered;
	s4 =	sadd.s32 s4, s6;
	[dreg:$0x0] =	wrdreg $0x0  }
0xbd: {  	s6 =	sshll.u32 s28, $0x1;
	[dreg:$0x2] =	wrdreg s4  }
0xbe: {  	[dreg:$0x3] =	wrdreg s6  }
0xbf: {  	[dreg:$0x4] =	wrdreg $0xC0  }
0xc0: {  	_ =	task [dreg:s22], $0x5FFFF  }
0xc1: {  	[dreg:$0x1] =	wrdreg $0xFFFFFFFF  }
0xc2: {  	[dreg:$0x0] =	wrdreg $0x60  }
0xc3: {  	[dreg:$0x2] =	wrdreg s24  }
0xc4: {  	[dreg:$0x3] =	wrdreg s17  }
0xc5: {  	[dreg:$0x4] =	wrdreg $0x13C400  }
0xc6: {  	[dreg:$0x5] =	wrdreg $0xA  }
0xc7: {  	_ =	task.clear_ibuf [dreg:s22], $0x6FFFF;
	_ =	strace $0x90000049  }
0xc8: {  	s29 =	simm.s32 $0xA;
	_ =	strace $0x8000004B  }
0xc9: {  	_ =	swait.ge [sflag:s29], $0x1  }
0xca: {  	[sflag:s29] =	ssyncadd.s32 $0xFFFFFFFF  }
0xcb: {  	_ =	strace $0x9000004B  }
0xcc: {  	_ =	sfence  }
0xcd: {  	s30 =	sld [smem:$0x0];
	_ =	sdelay $0x2  }
0xce: {  	s31 =	sshll.u32 s1, $0xD;
	s1 =	sshrl.u32 s1, $0x2  }
0xcf: {  	s4 =	sand.u32 $0x4000, s31;
	s1 =	sadd.s32 s1, s30  }
0xd0: {  	s0 =	sor.u32 s4, s0;
	s1 =	sshll.u32 s1, $0x11  }
0xd1: {  	s0 =	sor.u32 s1, s0  }
0xd2: {  	s0 =	sadd.s32 $0x8F2B, s0  }
0xd3: {  	[sflag:s0] =	ssyncadd.remote.s32 $0x1  }
0xd4: {  	_ =	sfence.sel $0xFFFF  }
0xd5: {  	[dreg:$0x0] =	wrdreg $0xFFFFFFFF;
	(pc) =	sbr.abs _section_cstart, $3  }
0xd6: {  	[dreg:$0x1] =	wrdreg $0xFFFFFFFF  }
0xd7: {  	_ =	task.clear_ibuf [dreg:s22], $0x2FFFF;
	_ =	strace $0x9FFFFFFF  }
0xd8: {  	(tm) =	ssettm $0x7FFFFFFF  }
0xd9: {  	_ =	shalt  }
tec
execute0_lowered:
.L_overlay_start_1:
0x0: {  	(tag) =	ssettag $0x1  }
0x1: {  	s0 =	rddreg [dreg:$0x0]  }
0x2: {  	s1 =	rddreg [dreg:$0x1]  }
0x3: {  	s2 =	rddreg [dreg:$0x2]  }
0x4: {  	s12 =	stileid.u32;
	s3 =	simm.s32 $0x0;
	s5 =	srdreg.scid  }
0x5: {  	s14 =	simm.s32 $0x7D;
	s15 =	simm.s32 $0xA000;
	s17 =	simm.s32 $0xBF40  }
0x6: {  	s19 =	simm.s32 $0xDE80;
	s20 =	simm.s32 $0x1;
	s28 =	simm.s32 $0x3  }
0x7: {  	s30 =	simm.s32 $0x6;
	s16 =	simm.s32 $0x7;
	s4 =	smul.u32 $0x5000, s12  }
0x8: {  	s31 =	simm.s32 $0x9;
	[smem:$0x7FF] =	sst s3;
	s6 =	smul.u32 $0x14000, s12  }
0x9: {  	s5 =	sand.u32 $0x1, s5;
	s21 =	sadd.s32 $0x23A00, s0;
	s9 =	smul.u32 $0x28000, s12  }
0xa: {  	s29 =	sshll.u32 s12, $0x6;
	_ =	strace $0x8000004A;
	s7 =	sshll.u32 s5, $0x6  }
0xb: {  	[dreg:$0x4] =	wrdreg s21;
	s22 =	ssub.s32 $0x2, s5;
	s10 =	smul.u32 $0x13880, s5  }
0xc: {  	s12 =	sor.u32 $0x1C0B, s29;
	s21 =	simm.s32 $0x5;
	s4 =	sshrl.u32 s4, $0x3  }
0xd: {  	s6 =	sor.u32 s7, s6;
	s23 =	sshrl.u32 s22, $0x1;
	s25 =	sshrl.u32 s9, $0x2  }
0xe: {  	s8 =	sadd.s32 s4, s0;
	s6 =	sshrl.u32 s6, $0x3;
	s11 =	ssub.s32 s22, s23  }
0xf: {  	s13 =	sadd.s32 s25, s2;
	s7 =	sadd.s32 s1, s10;
	s10 =	simm.s32 $0xB  }
0x10: {  	s22 =	simm.s32 $0xFDC0;
	s23 =	simm.s32 $0x2;
	s25 =	simm.s32 $0x8  }
.Ltmp0:
0x11: {  	s1 =	simm.s32 $0xA;
	s0 =	sadd.s32 s6, s0;
	(pc) =	sbr.rel .LBB2_1-.Ltmp0, $4  }
0x12: {  	s24 =	sadd.s32 $0x5200, s8;
	s26 =	sadd.s32 $0xF200, s8;
	s9 =	smax.u32 s11, $0x1  }
0x13: {  	s11 =	simm.s32 $0x5000;
	s13 =	sshrl.u32 s13, $0x3;
	[dreg:$0x5] =	wrdreg s24  }
0x14: {  	[dreg:$0x6] =	wrdreg s26;
	s0 =	sadd.s32 $0x24E00, s0;
	s26 =	simm.s32 $0x11D00  }
0x15: {  	s24 =	simm.s32 $0x0;
	[dreg:$0x7] =	wrdreg s0;
	s0 =	simm.s32 $0x4  }
.LBB2_4:
0x16: {  	_ =	swait.ge [sflag:s31], $0x1F40  }
0x17: {  	[sflag:s31] =	ssyncset.done $0x0  }
0x18: {  	[sflag:s31] =	ssyncadd.s32 $0xFFFFE0C0  }
0x19: {  	_ =	swait.ge [sflag:s1], $0x1F40  }
0x1a: {  	[sflag:s1] =	ssyncset.done $0x0  }
0x1b: {  	s24 =	sadd.s32 $0x1, s24;
	[sflag:s1] =	ssyncadd.s32 $0xFFFFE0C0  }
0x1c: {  	p0 =	sne.s32 s24, s9;
	[bflag:$0x0] =	sbarrier.arrive $0xFFFF  }
.Ltmp1:
0x1d: {  	s5 =	simm.s32 $0x10;
	s4 =	rddreg [dreg:$0x7];
	(pc) =	sbr.rel @!p0 .LBB2_5-.Ltmp1, $4  }
0x1e: {  	[hbm:s4@s5], [sflag:s12] =	dma.strided [spmem:s13@s25], $0x1400, s20, $0x8   }
0x1f: {  	_ =	swait.ge [sflag:s10], $0x1400  }
0x20: {  	[sflag:s10] =	ssyncset.done $0x0  }
0x21: {  	[sflag:s10] =	ssyncadd.s32 $0xFFFFEC00  }
.LBB2_1:
0x22: {  	s4 =	rddreg [dreg:$0x5]  }
0x23: {  	[tilespmem:s3], [sflag:$0xB] =	stream.linear.gather [hbm4b:s4+s3], $0x5000, $0x38;
	[tilespmem:$0x1DC40] =	vst v63  }
0x24: {  	_ =	swait.ge [sflag:s10], $0x5000  }
0x25: {  	[sflag:s10] =	ssyncset.done $0x0  }
0x26: {  	s18 =	rddreg [dreg:$0x6];
	[sflag:s10] =	ssyncadd.s32 $0xFFFFB000  }
0x27: {  	[tilespmem:s11], [sflag:$0xB] =	stream.linear.gather [hbm4b:s18+s3], $0x5000, $0x38;
	[tilespmem:$0x1DC40] =	vst v63  }
0x28: {  	_ =	swait.ge [sflag:s10], $0x5000  }
0x29: {  	[sflag:s10] =	ssyncset.done $0x0  }
0x2a: {  	s5 =	rddreg [dreg:$0x4];
	[sflag:s10] =	ssyncadd.s32 $0xFFFFB000  }
0x2b: {  	[spmem:s13], [sflag:s12] =	dma.local [hbm:s5], $0x1400  }
0x2c: {  	_ =	swait.ge [sflag:s10], $0x1400  }
0x2d: {  	[sflag:s10] =	ssyncset.done $0x0  }
0x2e: {  	[sflag:s10] =	ssyncadd.s32 $0xFFFFEC00  }
0x2f: {  	[bflag:$0x0] =	sbarrier.arrive $0xFFFF  }
0x30: {  	[tilespmem:s15], [sflag:$0x1] =	stream.indirect.gather [hbm4b:s7+s14], $0x40, s3, s14, $0xb8;
	[tilespmem:$0x1DC40] =	vst v63  }
0x31: {  	s6 =	simm.s32 $0x80  }
0x32: {  	[tilespmem:s17], [sflag:$0x2] =	stream.indirect.gather [hbm4b:s7+s14], $0x40, s6, s14, $0xb8;
	[tilespmem:$0x1DC40] =	vst v63  }
0x33: {  	s8 =	simm.s32 $0x100  }
0x34: {  	[tilespmem:s19], [sflag:$0x3] =	stream.indirect.gather [hbm4b:s7+s14], $0x40, s8, s14, $0xb8;
	[tilespmem:$0x1DC40] =	vst v63  }
0x35: {  	_ =	swait.ge [sflag:s20], $0x1F40  }
0x36: {  	[sflag:s20] =	ssyncset.done $0x0  }
0x37: {  	[sflag:s20] =	ssyncadd.s32 $0xFFFFE0C0  }
0x38: {  	[spmem:s2] =	stream.indirect.scatter.add.f32 [tilespmem:s15], [sflag:$0x6], $0x40, s11, s14, $0xb8;
	[tilespmem:$0x1DC40] =	vst v63  }
0x39: {  	s18 =	simm.s32 $0x180  }
0x3a: {  	[tilespmem:s22], [sflag:$0x4] =	stream.indirect.gather [hbm4b:s7+s14], $0x40, s18, s14, $0xb8;
	[tilespmem:$0x1DC40] =	vst v63  }
0x3b: {  	_ =	swait.ge [sflag:s23], $0x1F40  }
0x3c: {  	[sflag:s23] =	ssyncset.done $0x0  }
0x3d: {  	s5 =	simm.s32 $0x5080;
	[sflag:s23] =	ssyncadd.s32 $0xFFFFE0C0  }
0x3e: {  	[spmem:s2] =	stream.indirect.scatter.add.f32 [tilespmem:s17], [sflag:$0x7], $0x40, s5, s14, $0xb8;
	[tilespmem:$0x1DC40] =	vst v63  }
0x3f: {  	s6 =	simm.s32 $0x200  }
0x40: {  	[tilespmem:s26], [sflag:$0x5] =	stream.indirect.gather [hbm4b:s7+s14], $0x40, s6, s14, $0xb8;
	[tilespmem:$0x1DC40] =	vst v63  }
0x41: {  	_ =	swait.ge [sflag:s28], $0x1F40  }
0x42: {  	[sflag:s28] =	ssyncset.done $0x0  }
0x43: {  	s8 =	simm.s32 $0x5100;
	[sflag:s28] =	ssyncadd.s32 $0xFFFFE0C0  }
0x44: {  	[spmem:s2] =	stream.indirect.scatter.add.f32 [tilespmem:s19], [sflag:$0x8], $0x40, s8, s14, $0xb8;
	[tilespmem:$0x1DC40] =	vst v63  }
0x45: {  	_ =	swait.ge [sflag:s30], $0x1F40  }
0x46: {  	[sflag:s30] =	ssyncset.done $0x0  }
0x47: {  	s18 =	simm.s32 $0x280;
	[sflag:s30] =	ssyncadd.s32 $0xFFFFE0C0  }
0x48: {  	[tilespmem:s15], [sflag:$0x1] =	stream.indirect.gather [hbm4b:s7+s14], $0x40, s18, s14, $0xb8;
	[tilespmem:$0x1DC40] =	vst v63  }
0x49: {  	_ =	swait.ge [sflag:s0], $0x1F40  }
0x4a: {  	[sflag:s0] =	ssyncset.done $0x0  }
0x4b: {  	s5 =	simm.s32 $0x5180;
	[sflag:s0] =	ssyncadd.s32 $0xFFFFE0C0  }
0x4c: {  	[spmem:s2] =	stream.indirect.scatter.add.f32 [tilespmem:s22], [sflag:$0x9], $0x40, s5, s14, $0xb8;
	[tilespmem:$0x1DC40] =	vst v63  }
0x4d: {  	_ =	swait.ge [sflag:s16], $0x1F40  }
0x4e: {  	[sflag:s16] =	ssyncset.done $0x0  }
0x4f: {  	s6 =	simm.s32 $0x300;
	[sflag:s16] =	ssyncadd.s32 $0xFFFFE0C0  }
0x50: {  	[tilespmem:s17], [sflag:$0x2] =	stream.indirect.gather [hbm4b:s7+s14], $0x40, s6, s14, $0xb8;
	[tilespmem:$0x1DC40] =	vst v63  }
0x51: {  	_ =	swait.ge [sflag:s21], $0x1F40  }
0x52: {  	[sflag:s21] =	ssyncset.done $0x0  }
0x53: {  	s8 =	simm.s32 $0x5200;
	[sflag:s21] =	ssyncadd.s32 $0xFFFFE0C0  }
0x54: {  	[spmem:s2] =	stream.indirect.scatter.add.f32 [tilespmem:s26], [sflag:$0xA], $0x40, s8, s14, $0xb8;
	[tilespmem:$0x1DC40] =	vst v63  }
0x55: {  	_ =	swait.ge [sflag:s25], $0x1F40  }
0x56: {  	[sflag:s25] =	ssyncset.done $0x0  }
0x57: {  	s29 =	simm.s32 $0x0;
	s18 =	simm.s32 $0x380;
	[sflag:s25] =	ssyncadd.s32 $0xFFFFE0C0  }
0x58: {  	[tilespmem:s19], [sflag:$0x3] =	stream.indirect.gather [hbm4b:s7+s14], $0x40, s18, s14, $0xb8;
	[tilespmem:$0x1DC40] =	vst v63  }
.LBB2_2:
0x59: {  	_ =	swait.ge [sflag:s20], $0x1F40  }
0x5a: {  	s18 =	sshra.s32 s29, $0x2;
	[sflag:s20] =	ssyncset.done $0x0  }
0x5b: {  	s4 =	sadd.s32 $0x5280, s18;
	[sflag:s20] =	ssyncadd.s32 $0xFFFFE0C0  }
0x5c: {  	[spmem:s2] =	stream.indirect.scatter.add.f32 [tilespmem:s15], [sflag:$0x6], $0x40, s4, s14, $0xb8;
	[tilespmem:$0x1DC40] =	vst v63  }
0x5d: {  	_ =	swait.ge [sflag:s31], $0x1F40  }
0x5e: {  	[sflag:s31] =	ssyncset.done $0x0  }
0x5f: {  	s6 =	sadd.s32 $0x400, s18;
	[sflag:s31] =	ssyncadd.s32 $0xFFFFE0C0  }
0x60: {  	[tilespmem:s22], [sflag:$0x4] =	stream.indirect.gather [hbm4b:s7+s14], $0x40, s6, s14, $0xb8;
	[tilespmem:$0x1DC40] =	vst v63  }
0x61: {  	_ =	swait.ge [sflag:s23], $0x1F40  }
0x62: {  	[sflag:s23] =	ssyncset.done $0x0  }
0x63: {  	s8 =	sadd.s32 $0x5300, s18;
	[sflag:s23] =	ssyncadd.s32 $0xFFFFE0C0  }
0x64: {  	[spmem:s2] =	stream.indirect.scatter.add.f32 [tilespmem:s17], [sflag:$0x7], $0x40, s8, s14, $0xb8;
	[tilespmem:$0x1DC40] =	vst v63  }
0x65: {  	_ =	swait.ge [sflag:s1], $0x1F40  }
0x66: {  	[sflag:s1] =	ssyncset.done $0x0  }
0x67: {  	s5 =	sadd.s32 $0x480, s18;
	[sflag:s1] =	ssyncadd.s32 $0xFFFFE0C0  }
0x68: {  	[tilespmem:s26], [sflag:$0x5] =	stream.indirect.gather [hbm4b:s7+s14], $0x40, s5, s14, $0xb8;
	[tilespmem:$0x1DC40] =	vst v63  }
0x69: {  	_ =	swait.ge [sflag:s28], $0x1F40  }
0x6a: {  	[sflag:s28] =	ssyncset.done $0x0  }
0x6b: {  	s6 =	sadd.s32 $0x5380, s18;
	[sflag:s28] =	ssyncadd.s32 $0xFFFFE0C0  }
0x6c: {  	[spmem:s2] =	stream.indirect.scatter.add.f32 [tilespmem:s19], [sflag:$0x8], $0x40, s6, s14, $0xb8;
	[tilespmem:$0x1DC40] =	vst v63  }
0x6d: {  	_ =	swait.ge [sflag:s30], $0x1F40  }
0x6e: {  	p0 =	seq.s32 s29, $0x12C00;
	[sflag:s30] =	ssyncset.done $0x0  }
0x6f: {  	s4 =	simm.s32 @p0 $0x4;
	[sflag:s30] =	ssyncadd.s32 $0xFFFFE0C0  }
0x70: {  	_ =	swait.ge @p0 [sflag:s4], $0x1F40  }
0x71: {  	[sflag:s4] =	ssyncset.done @p0 $0x0  }
0x72: {  	[sflag:s4] =	ssyncadd.s32 @p0 $0xFFFFE0C0;
	s4 =	sshra.s32 @p0 s29, $0x2  }
0x73: {  	s5 =	simm.s32 @p0 $0x7D;
	s6 =	simm.s32 @p0 $0xFDC0;
	s4 =	sadd.s32 @p0 $0x5400, s4  }
0x74: {  	[spmem:s2] =	stream.indirect.scatter.add.f32 @p0 [tilespmem:s6], [sflag:$0x9], $0x40, s4, s5, $0xb8;
	[tilespmem:$0x1DC40] =	vst v63  }
0x75: {  	s4 =	simm.s32 @p0 $0x7  }
0x76: {  	_ =	swait.ge @p0 [sflag:s4], $0x1F40  }
0x77: {  	[sflag:s4] =	ssyncset.done @p0 $0x0  }
0x78: {  	[sflag:s4] =	ssyncadd.s32 @p0 $0xFFFFE0C0;
	s4 =	sshra.s32 @!p0 s29, $0x2  }
0x79: {  	s8 =	simm.s32 @!p0 $0xA000;
	s6 =	simm.s32 @!p0 $0x7D;
	s5 =	sadd.s32 @!p0 $0x500, s4  }
0x7a: {  	[tilespmem:s8], [sflag:$0x1] =	stream.indirect.gather @!p0 [hbm4b:s7+s6], $0x40, s5, s6, $0xb8;
	[tilespmem:$0x1DC40] =	vst v63  }
0x7b: {  	s5 =	simm.s32 @!p0 $0x4  }
0x7c: {  	_ =	swait.ge @!p0 [sflag:s5], $0x1F40  }
0x7d: {  	[sflag:s5] =	ssyncset.done @!p0 $0x0  }
0x7e: {  	s8 =	simm.s32 @!p0 $0xFDC0;
	[sflag:s5] =	ssyncadd.s32 @!p0 $0xFFFFE0C0;
	s5 =	sadd.s32 @!p0 $0x5400, s4  }
0x7f: {  	[spmem:s2] =	stream.indirect.scatter.add.f32 @!p0 [tilespmem:s8], [sflag:$0x9], $0x40, s5, s6, $0xb8;
	[tilespmem:$0x1DC40] =	vst v63  }
0x80: {  	s5 =	simm.s32 @!p0 $0x7  }
0x81: {  	_ =	swait.ge @!p0 [sflag:s5], $0x1F40  }
0x82: {  	[sflag:s5] =	ssyncset.done @!p0 $0x0  }
0x83: {  	s4 =	sadd.s32 @!p0 $0x580, s4;
	[sflag:s5] =	ssyncadd.s32 @!p0 $0xFFFFE0C0;
	s5 =	simm.s32 @!p0 $0xBF40  }
0x84: {  	[tilespmem:s5], [sflag:$0x2] =	stream.indirect.gather @!p0 [hbm4b:s7+s6], $0x40, s4, s6, $0xb8;
	[tilespmem:$0x1DC40] =	vst v63  }
0x85: {  	_ =	swait.ge [sflag:s21], $0x1F40  }
0x86: {  	[sflag:s21] =	ssyncset.done $0x0  }
.Ltmp2:
0x87: {  	s8 =	sadd.s32 $0x5480, s18;
	[sflag:s21] =	ssyncadd.s32 $0xFFFFE0C0;
	(pc) =	sbr.rel @p0 .LBB2_4-.Ltmp2, $4  }
0x88: {  	[spmem:s2] =	stream.indirect.scatter.add.f32 [tilespmem:s26], [sflag:$0xA], $0x40, s8, s14, $0xb8;
	[tilespmem:$0x1DC40] =	vst v63  }
0x89: {  	_ =	swait.ge [sflag:s25], $0x1F40  }
0x8a: {  	[sflag:s25] =	ssyncset.done $0x0  }
0x8b: {  	[sflag:s25] =	ssyncadd.s32 $0xFFFFE0C0  }
.Ltmp3:
0x8c: {  	(pc) =	sbr.rel .LBB2_2-.Ltmp3, $3  }
0x8d: {  	_ =	sdelay $0x1  }
0x8e: {  	s4 =	sadd.s32 $0x600, s18;
	s29 =	sadd.s32 $0xA00, s29  }
0x8f: {  	[tilespmem:s19], [sflag:$0x3] =	stream.indirect.gather [hbm4b:s7+s14], $0x40, s4, s14, $0xb8;
	[tilespmem:$0x1DC40] =	vst v63  }
.LBB2_5:
0x90: {  	_ =	sfence.sel $0x180000  }
0x91: {  	[bflag:$0x0] =	sbarrier.arrive $0xFFFF  }
0x92: {  	_ =	strace $0x9000004A  }
0x93: {  	s0 =	stileid.u32;
	[bflag:$0x2] =	sbarrier.arrive $0xFFFF  }
0x94: {  	p0 =	sne.s32 s0, $0x0;
	s0 =	rddreg [dreg:$0x3]  }
0x95: {  	s0 =	sadd.s32 @!p0 $0x100000, s0  }
0x96: {  	[sflag:s0] =	ssyncadd.tile.s32 @!p0 $0x1;
	_ =	shalt  }
.Lfunc_end2:
_tile_overlayer_lowered:
.L_overlay_start_2:
0x97: {  	(tag) =	ssettag $0x2  }
0x98: {  	s0 =	rddreg [dreg:$0x0];
	s2 =	stileid.u32  }
0x99: {  	s1 =	rddreg [dreg:$0x1];
	p0 =	sne.s32 s2, $0x0  }
0x9a: {  	s3 =	rddreg [dreg:$0x2];
	[bflag:$0x3] =	sbarrier.arrive $0xFFFF;
	s2 =	simm.s32 @!p0 $0x1C0B  }
0x9b: {  	[timem:s3], [sflag:s2] =	dma.local @!p0 [hbm:s0], s1  }
0x9c: {  	s0 =	simm.s32 @!p0 $0xB  }
0x9d: {  	_ =	swait.ge @!p0 [sflag:s0], s1  }
0x9e: {  	s1 =	ssub.s32 @!p0 $0x0, s1;
	[sflag:s0] =	ssyncset.done @!p0 $0x0  }
0x9f: {  	[sflag:s0] =	ssyncadd.s32 @!p0 s1  }
0xa0: {  	[bflag:$0x3] =	sbarrier.arrive $0xFFFF  }
0xa1: {  	_ =	shalt  }

// kernel: kernel.14.cloned.1.call-start
scs
__scs_entry_jumppad:
0x0: {  	(pc) =	sbr.rel $0x88, $3  }
0x1: {  	(tag) =	ssettag $0x0;
	lr =	simm.s32 $0x1  }
0x2: {  	[smem:$0x3F8D] =	sst lr;
	_ =	strace $0xD0000000  }
0x3: {  	_ = 	snop  }
0x4: {  	_ = 	snop  }
0x5: {  	_ = 	snop  }
0x6: {  	_ = 	snop  }
0x7: {  	_ = 	snop  }
__scs_overlays_trampoline_lowered:
0x8: {  	[smem:$0x3F9C] =	sst s0  }
0x9: {  	[smem:$0x3F9D] =	sst s1  }
0xa: {  	[smem:$0x3F9E] =	sst s2  }
0xb: {  	[smem:$0x3F9F] =	sst s3  }
0xc: {  	[smem:$0x3FA0] =	sst s4  }
0xd: {  	[smem:$0x3FA1] =	sst s5  }
0xe: {  	[smem:$0x3FA2] =	sst s6  }
0xf: {  	[smem:$0x3FA3] =	sst s7  }
0x10: {  	[smem:$0x3FA4] =	sst s8  }
0x11: {  	[smem:$0x3FA5] =	sst s9;
	s0 =	simm.s32 @!p0 $0x0  }
0x12: {  	s1 =	sld [smem:$0x3F8B];
	s0 =	simm.s32 @p0 $0x1  }
0x13: {  	[smem:$0x3FA6] =	sst s0;
	s0 =	simm.s32 @!p1 $0x0  }
0x14: {  	s2 =	sld [smem:$0x3F8A];
	s0 =	simm.s32 @p1 $0x1  }
0x15: {  	[smem:$0x3FA7] =	sst s0;
	s0 =	simm.s32 @!p2 $0x0  }
0x16: {  	s3 =	sld [smem:$0x3FDB];
	s0 =	simm.s32 @p2 $0x1  }
0x17: {  	s4 =	simm.s32 $0x1BF5;
	[smem:$0x3FA9] =	sst s0  }
0x18: {  	s0 =	sld [smem:$0x3F8C];
	_ =	swait.ge [sflag:s4], $0x0  }
0x19: {  	s7 =	sld [smem:$0x3F8D]  }
0x1a: {  	s8 =	sadd.s32 $0xFFFFE003, lr  }
0x1b: {  	s9 =	sadd.s32 $0xFFFFFEF7, lr;
	s5 =	simm.s32 $0xFFFFFFFF;
	p2 =	slt.u32 s8, $0xFFFFF086  }
0x1c: {  	p1 =	slt.u32 s9, $0xF7A;
	s5 =	simm.s32 @!p2 $0x0  }
0x1d: {  	s5 =	simm.s32 @p1 $0x1;
	p0 =	seq.s32 s7, s2  }
0x1e: {  	s7 =	smul.u32 @!p0 $0xF7A, s2;
	p2 =	seq.s32 @!p0 s5, $0x0  }
0x1f: {  	s9 =	smul.u32 $0xF7A, s1;
	s8 =	simm.s32 @!p0 $0x1BF5;
	p2 =	por !p2, p0  }
0x20: {  	[sflag:s8] =	ssyncset.s32 @!p0 $0xFFFFF086;
	s6 =	sadd.s32 @!p0 s3, s7;
	s7 =	simm.s32 @!p0 $0x108  }
0x21: {  	s3 =	sadd.s32 s3, s9;
	s6 =	sadd.s32 @!p0 $0x88, s6;
	s7 =	simm.s32 @p2 $0x1082  }
0x22: {  	[simem:s7], [sflag:s8] =	dma.local @!p0 [hbm:s6], $0xF7A  }
0x23: {  	s9 =	sor.u32 $0xD0000000, s2;
	s6 =	simm.s32 $0x108;
	_ =	swait.ge @!p0 [sflag:s8], $0x0  }
0x24: {  	s3 =	sadd.s32 $0x88, s3;
	s6 =	simm.s32 @!p1 $0x1082;
	[sflag:s4] =	ssyncset.s32 $0xFFFFF086  }
0x25: {  	[simem:s6], [sflag:s4] =	dma.local [hbm:s3], $0xF7A  }
0x26: {  	[smem:$0x3F8D] =	sst s1;
	(tag) =	ssettag s2;
	_ =	strace s9  }
0x27: {  	s1 =	sld [smem:$0x3F9D]  }
0x28: {  	s2 =	sld [smem:$0x3F9E]  }
0x29: {  	s4 =	sld [smem:$0x3FA0]  }
0x2a: {  	p0 =	seq.s32 s5, $0x0;
	s5 =	sld [smem:$0x3FA1]  }
0x2b: {  	s6 =	sld [smem:$0x3FA2]  }
0x2c: {  	s7 =	sld [smem:$0x3FA3]  }
0x2d: {  	s3 =	simm.s32 $0x108;
	s8 =	sld [smem:$0x3FA4]  }
0x2e: {  	s3 =	simm.s32 @!p0 $0x1082;
	s9 =	sld [smem:$0x3FA5]  }
0x2f: {  	lr =	sadd.s32 s0, s3;
	s0 =	sld [smem:$0x3F9C]  }
0x30: {  	s3 =	sld [smem:$0x3F9F]  }
0x31: {  	[smem:$0x3FA8] =	sst s10  }
0x32: {  	s10 =	sld [smem:$0x3FA6];
	_ =	sdelay $0x3  }
0x33: {  	p0 =	seq.s32 s10, $0x1;
	s10 =	sld [smem:$0x3FA8];
	_ =	sdelay $0x3  }
0x34: {  	[smem:$0x3FA8] =	sst s10  }
0x35: {  	s10 =	sld [smem:$0x3FA7];
	_ =	sdelay $0x3  }
0x36: {  	p1 =	seq.s32 s10, $0x1;
	s10 =	sld [smem:$0x3FA8];
	_ =	sdelay $0x3  }
0x37: {  	[smem:$0x3FA8] =	sst s10  }
0x38: {  	s10 =	sld [smem:$0x3FA9]  }
0x39: {  	_ = 	snop;
	(pc) =	sbr.ind lr, $3  }
0x3a: {  	_ = 	snop  }
0x3b: {  	_ = 	snop  }
0x3c: {  	p2 =	seq.s32 s10, $0x1;
	s10 =	sld [smem:$0x3FA8]  }
0x3d: {  	_ =	shalt  }
0x3e: {  	_ =	shalt  }
0x3f: {  	_ =	shalt  }
0x40: {  	_ =	shalt  }
0x41: {  	_ =	shalt  }
0x42: {  	_ =	shalt  }
0x43: {  	_ =	shalt  }
0x44: {  	_ =	shalt  }
0x45: {  	_ =	shalt  }
0x46: {  	_ =	shalt  }
0x47: {  	_ =	shalt  }
0x48: {  	_ =	shalt  }
0x49: {  	_ =	shalt  }
0x4a: {  	_ =	shalt  }
0x4b: {  	_ =	shalt  }
0x4c: {  	_ =	shalt  }
0x4d: {  	_ =	shalt  }
0x4e: {  	_ =	shalt  }
0x4f: {  	_ =	shalt  }
0x50: {  	_ =	shalt  }
0x51: {  	_ =	shalt  }
0x52: {  	_ =	shalt  }
0x53: {  	_ =	shalt  }
0x54: {  	_ =	shalt  }
0x55: {  	_ =	shalt  }
0x56: {  	_ =	shalt  }
0x57: {  	_ =	shalt  }
0x58: {  	_ =	shalt  }
0x59: {  	_ =	shalt  }
0x5a: {  	_ =	shalt  }
0x5b: {  	_ =	shalt  }
0x5c: {  	_ =	shalt  }
0x5d: {  	_ =	shalt  }
0x5e: {  	_ =	shalt  }
0x5f: {  	_ =	shalt  }
0x60: {  	_ =	shalt  }
0x61: {  	_ =	shalt  }
0x62: {  	_ =	shalt  }
0x63: {  	_ =	shalt  }
0x64: {  	_ =	shalt  }
0x65: {  	_ =	shalt  }
0x66: {  	_ =	shalt  }
0x67: {  	_ =	shalt  }
0x68: {  	_ =	shalt  }
0x69: {  	_ =	shalt  }
0x6a: {  	_ =	shalt  }
0x6b: {  	_ =	shalt  }
0x6c: {  	_ =	shalt  }
0x6d: {  	_ =	shalt  }
0x6e: {  	_ =	shalt  }
0x6f: {  	_ =	shalt  }
0x70: {  	_ =	shalt  }
0x71: {  	_ =	shalt  }
0x72: {  	_ =	shalt  }
0x73: {  	_ =	shalt  }
0x74: {  	_ =	shalt  }
0x75: {  	_ =	shalt  }
0x76: {  	_ =	shalt  }
0x77: {  	_ =	shalt  }
0x78: {  	_ =	shalt  }
0x79: {  	_ =	shalt  }
0x7a: {  	_ =	shalt  }
0x7b: {  	_ =	shalt  }
0x7c: {  	_ =	shalt  }
0x7d: {  	_ =	shalt  }
0x7e: {  	_ =	shalt  }
0x7f: {  	_ =	shalt  }
0x80: {  	_ =	shalt  }
0x81: {  	_ =	shalt  }
0x82: {  	_ =	shalt  }
0x83: {  	_ =	shalt  }
0x84: {  	_ =	shalt  }
0x85: {  	_ =	shalt  }
0x86: {  	_ =	shalt  }
0x87: {  	_ =	shalt  }
.Lfunc_end0:
.L_simem_size_0:
called_computation.2_lowered:
.L_overlay_start_0:
0x88: {  	s2 =	sld [smem:$0x3FD9]  }
0x89: {  	s3 =	sld [smem:$0x3FFE];
	_ =	sdelay $0x1  }
0x8a: {  	s1 =	srdreg.scid  }
0x8b: {  	s0 =	sand.u32 $0x1, s1  }
0x8c: {  	s14 =	sshll.u32 s0, $0xA;
	s2 =	sadd.s32 s3, s2  }
0x8d: {  	s2 =	sadd.s32 s2, s14  }
0x8e: {  	[smem:$0x3FB4] =	sst s2  }
0x8f: {  	_ = 	snop  }
0x90: {  	s2 =	sld [smem:$0x3FD0];
	_ =	sdelay $0x2  }
0x91: {  	s15 =	simm.s32 $0xB;
	s4 =	simm.s32 $0x10  }
0x92: {  	[smem:s4], [sflag:s15] =	dma.local [hbm:s2], $0x1  }
0x93: {  	_ =	swait.eq [sflag:s15], $0x1  }
0x94: {  	[sflag:s15] =	ssyncset.done $0x0  }
0x95: {  	[sflag:s15] =	ssyncadd.s32 $0xFFFFFFFF  }
0x96: {  	s16 =	sld [smem:$0x11];
	(tm) =	ssettm $0x1  }
0x97: {  	s17 =	sld [smem:$0x3FFB];
	_ =	sdelay $0x3  }
0x98: {  	_ =	strace s17  }
0x99: {  	s3 =	sld [smem:$0x3FFC];
	_ =	sdelay $0x3  }
0x9a: {  	_ =	strace s3  }
0x9b: {  	s3 =	sld [smem:$0x3FFD];
	_ =	sdelay $0x3  }
0x9c: {  	_ =	strace s3  }
0x9d: {  	_ =	strace $0x8FFFFFFF  }
0x9e: {  	s18 =	sld [smem:$0x3FDB];
	_ =	sdelay $0x1  }
0x9f: {  	s19 =	simm.s32 $_scs_section_size  }
0xa0: {  	s5 =	simm.s32 $_size__tile_overlayer_lowered;
	s6 =	simm.s32 $_tile_overlayer_lowered  }
0xa1: {  	s22 =	simm.s32 $0x1BFF;
	s21 =	sshll.u32 s6, $0x1;
	s3 =	sadd.s32 s19, s18  }
0xa2: {  	s7 =	simm.s32 $0x0;
	s20 =	sshll.u32 s5, $0x1;
	s5 =	sadd.s32 s21, s3  }
0xa3: {  	[timem:s7], [sflag:s22] =	dma.local [hbm:s5], s20  }
0xa4: {  	_ =	swait.ge [sflag:s22], s20  }
0xa5: {  	s4 =	ssub.s32 $0x0, s20;
	[sflag:s22] =	ssyncset.done $0x0  }
0xa6: {  	[sflag:s22] =	ssyncadd.s32 s4;
	_ =	sdelay $0x1  }
0xa7: {  	s23 =	simm.s32 $0x1B8B  }
0xa8: {  	_ =	swait.ge [sflag:s23], $0x1  }
0xa9: {  	[sflag:s23] =	ssyncset.done $0x0  }
0xaa: {  	s25 =	simm.s32 $0x1B8E;
	s24 =	sld [smem:$0x3FFE];
	[sflag:s23] =	ssyncadd.s32 $0xFFFFFFFF  }
0xab: {  	s26 =	simm.s32 $execute0_lowered;
	[smem:$0x3FD2] =	sst s25  }
0xac: {  	s5 =	sshll.u32 s26, $0x1;
	_ =	strace $0x8000004C;
	[dreg:$0x1] =	wrdreg $0xFFFFFFFF  }
0xad: {  	s28 =	simm.s32 $_size_execute0_lowered;
	s3 =	sadd.s32 s3, s5;
	[dreg:$0x0] =	wrdreg $0x0  }
0xae: {  	s5 =	sshll.u32 s28, $0x1;
	[dreg:$0x2] =	wrdreg s3  }
0xaf: {  	[dreg:$0x3] =	wrdreg s5  }
0xb0: {  	[dreg:$0x4] =	wrdreg $0xC0  }
0xb1: {  	_ =	task [dreg:s7], $0x5FFFF  }
0xb2: {  	[dreg:$0x1] =	wrdreg $0xFFFFFFFF  }
0xb3: {  	[dreg:$0x0] =	wrdreg $0x60  }
0xb4: {  	[dreg:$0x2] =	wrdreg s24  }
0xb5: {  	[dreg:$0x3] =	wrdreg s16  }
0xb6: {  	[dreg:$0x4] =	wrdreg $0x13C400  }
0xb7: {  	[dreg:$0x5] =	wrdreg $0x9  }
0xb8: {  	_ =	task.clear_ibuf [dreg:s7], $0x6FFFF;
	_ =	strace $0x9000004C  }
0xb9: {  	s29 =	simm.s32 $0x9;
	_ =	strace $0x8000004E  }
0xba: {  	_ =	swait.ge [sflag:s29], $0x1  }
0xbb: {  	[sflag:s29] =	ssyncadd.s32 $0xFFFFFFFF  }
0xbc: {  	_ =	strace $0x9000004E  }
0xbd: {  	_ =	sfence  }
0xbe: {  	s30 =	sld [smem:$0x0];
	_ =	sdelay $0x2  }
0xbf: {  	s31 =	sshll.u32 s1, $0xD;
	s1 =	sshrl.u32 s1, $0x2  }
0xc0: {  	s3 =	sand.u32 $0x4000, s31;
	s1 =	sadd.s32 s1, s30  }
0xc1: {  	s0 =	sor.u32 s3, s0;
	s1 =	sshll.u32 s1, $0x11  }
0xc2: {  	s0 =	sor.u32 s1, s0  }
0xc3: {  	s0 =	sadd.s32 $0x8F2B, s0  }
0xc4: {  	[sflag:s0] =	ssyncadd.remote.s32 $0x1  }
0xc5: {  	_ =	sfence.sel $0xFFFF  }
0xc6: {  	[dreg:$0x0] =	wrdreg $0xFFFFFFFF;
	(pc) =	sbr.abs _section_cstart, $3  }
0xc7: {  	[dreg:$0x1] =	wrdreg $0xFFFFFFFF  }
0xc8: {  	_ =	task.clear_ibuf [dreg:s7], $0x2FFFF;
	_ =	strace $0x9FFFFFFF  }
0xc9: {  	(tm) =	ssettm $0x7FFFFFFF  }
tec
execute0_lowered:
.L_overlay_start_1:
0x0: {  	(tag) =	ssettag $0x1  }
0x1: {  	s0 =	rddreg [dreg:$0x0]  }
0x2: {  	s1 =	rddreg [dreg:$0x1]  }
0x3: {  	s2 =	rddreg [dreg:$0x2]  }
0x4: {  	s12 =	stileid.u32;
	s3 =	simm.s32 $0x0;
	s5 =	srdreg.scid  }
0x5: {  	s14 =	simm.s32 $0x7D;
	s15 =	simm.s32 $0xA000;
	s17 =	simm.s32 $0xBF40  }
0x6: {  	s19 =	simm.s32 $0xDE80;
	s20 =	simm.s32 $0x1;
	s28 =	simm.s32 $0x3  }
0x7: {  	s30 =	simm.s32 $0x6;
	s16 =	simm.s32 $0x7;
	s4 =	smul.u32 $0x5000, s12  }
0x8: {  	s31 =	simm.s32 $0x9;
	[smem:$0x7FF] =	sst s3;
	s6 =	smul.u32 $0x14000, s12  }
0x9: {  	s5 =	sand.u32 $0x1, s5;
	s21 =	sadd.s32 $0x23A00, s0;
	s9 =	smul.u32 $0x28000, s12  }
0xa: {  	s29 =	sshll.u32 s12, $0x6;
	_ =	strace $0x8000004D;
	s7 =	sshll.u32 s5, $0x6  }
0xb: {  	[dreg:$0x4] =	wrdreg s21;
	s22 =	ssub.s32 $0x2, s5;
	s10 =	smul.u32 $0x13880, s5  }
0xc: {  	s12 =	sor.u32 $0x1C0B, s29;
	s21 =	simm.s32 $0x5;
	s4 =	sshrl.u32 s4, $0x3  }
0xd: {  	s6 =	sor.u32 s7, s6;
	s23 =	sshrl.u32 s22, $0x1;
	s25 =	sshrl.u32 s9, $0x2  }
0xe: {  	s8 =	sadd.s32 s4, s0;
	s6 =	sshrl.u32 s6, $0x3;
	s11 =	ssub.s32 s22, s23  }
0xf: {  	s13 =	sadd.s32 s25, s2;
	s7 =	sadd.s32 s1, s10;
	s10 =	simm.s32 $0xB  }
0x10: {  	s22 =	simm.s32 $0xFDC0;
	s23 =	simm.s32 $0x2;
	s25 =	simm.s32 $0x8  }
.Ltmp0:
0x11: {  	s1 =	simm.s32 $0xA;
	s0 =	sadd.s32 s6, s0;
	(pc) =	sbr.rel .LBB2_1-.Ltmp0, $4  }
0x12: {  	s24 =	sadd.s32 $0x5200, s8;
	s26 =	sadd.s32 $0xF200, s8;
	s9 =	smax.u32 s11, $0x1  }
0x13: {  	s11 =	simm.s32 $0x5000;
	s13 =	sshrl.u32 s13, $0x3;
	[dreg:$0x5] =	wrdreg s24  }
0x14: {  	[dreg:$0x6] =	wrdreg s26;
	s0 =	sadd.s32 $0x24E00, s0;
	s26 =	simm.s32 $0x11D00  }
0x15: {  	s24 =	simm.s32 $0x0;
	[dreg:$0x7] =	wrdreg s0;
	s0 =	simm.s32 $0x4  }
.LBB2_4:
0x16: {  	_ =	swait.ge [sflag:s31], $0x1F40  }
0x17: {  	[sflag:s31] =	ssyncset.done $0x0  }
0x18: {  	[sflag:s31] =	ssyncadd.s32 $0xFFFFE0C0  }
0x19: {  	_ =	swait.ge [sflag:s1], $0x1F40  }
0x1a: {  	[sflag:s1] =	ssyncset.done $0x0  }
0x1b: {  	s24 =	sadd.s32 $0x1, s24;
	[sflag:s1] =	ssyncadd.s32 $0xFFFFE0C0  }
0x1c: {  	p0 =	sne.s32 s24, s9;
	[bflag:$0x0] =	sbarrier.arrive $0xFFFF  }
.Ltmp1:
0x1d: {  	s5 =	simm.s32 $0x10;
	s4 =	rddreg [dreg:$0x7];
	(pc) =	sbr.rel @!p0 .LBB2_5-.Ltmp1, $4  }
0x1e: {  	[hbm:s4@s5], [sflag:s12] =	dma.strided [spmem:s13@s25], $0x1400, s20, $0x8   }
0x1f: {  	_ =	swait.ge [sflag:s10], $0x1400  }
0x20: {  	[sflag:s10] =	ssyncset.done $0x0  }
0x21: {  	[sflag:s10] =	ssyncadd.s32 $0xFFFFEC00  }
.LBB2_1:
0x22: {  	s4 =	rddreg [dreg:$0x5]  }
0x23: {  	[tilespmem:s3], [sflag:$0xB] =	stream.linear.gather [hbm4b:s4+s3], $0x5000, $0x38;
	[tilespmem:$0x1DC40] =	vst v63  }
0x24: {  	_ =	swait.ge [sflag:s10], $0x5000  }
0x25: {  	[sflag:s10] =	ssyncset.done $0x0  }
0x26: {  	s18 =	rddreg [dreg:$0x6];
	[sflag:s10] =	ssyncadd.s32 $0xFFFFB000  }
0x27: {  	[tilespmem:s11], [sflag:$0xB] =	stream.linear.gather [hbm4b:s18+s3], $0x5000, $0x38;
	[tilespmem:$0x1DC40] =	vst v63  }
0x28: {  	_ =	swait.ge [sflag:s10], $0x5000  }
0x29: {  	[sflag:s10] =	ssyncset.done $0x0  }
0x2a: {  	s5 =	rddreg [dreg:$0x4];
	[sflag:s10] =	ssyncadd.s32 $0xFFFFB000  }
0x2b: {  	[spmem:s13], [sflag:s12] =	dma.local [hbm:s5], $0x1400  }
0x2c: {  	_ =	swait.ge [sflag:s10], $0x1400  }
0x2d: {  	[sflag:s10] =	ssyncset.done $0x0  }
0x2e: {  	[sflag:s10] =	ssyncadd.s32 $0xFFFFEC00  }
0x2f: {  	[bflag:$0x0] =	sbarrier.arrive $0xFFFF  }
0x30: {  	[tilespmem:s15], [sflag:$0x1] =	stream.indirect.gather [hbm4b:s7+s14], $0x40, s3, s14, $0xb8;
	[tilespmem:$0x1DC40] =	vst v63  }
0x31: {  	s6 =	simm.s32 $0x80  }
0x32: {  	[tilespmem:s17], [sflag:$0x2] =	stream.indirect.gather [hbm4b:s7+s14], $0x40, s6, s14, $0xb8;
	[tilespmem:$0x1DC40] =	vst v63  }
0x33: {  	s8 =	simm.s32 $0x100  }
0x34: {  	[tilespmem:s19], [sflag:$0x3] =	stream.indirect.gather [hbm4b:s7+s14], $0x40, s8, s14, $0xb8;
	[tilespmem:$0x1DC40] =	vst v63  }
0x35: {  	_ =	swait.ge [sflag:s20], $0x1F40  }
0x36: {  	[sflag:s20] =	ssyncset.done $0x0  }
0x37: {  	[sflag:s20] =	ssyncadd.s32 $0xFFFFE0C0  }
0x38: {  	[spmem:s2] =	stream.indirect.scatter.add.f32 [tilespmem:s15], [sflag:$0x6], $0x40, s11, s14, $0xb8;
	[tilespmem:$0x1DC40] =	vst v63  }
0x39: {  	s18 =	simm.s32 $0x180  }
0x3a: {  	[tilespmem:s22], [sflag:$0x4] =	stream.indirect.gather [hbm4b:s7+s14], $0x40, s18, s14, $0xb8;
	[tilespmem:$0x1DC40] =	vst v63  }
0x3b: {  	_ =	swait.ge [sflag:s23], $0x1F40  }
0x3c: {  	[sflag:s23] =	ssyncset.done $0x0  }
0x3d: {  	s5 =	simm.s32 $0x5080;
	[sflag:s23] =	ssyncadd.s32 $0xFFFFE0C0  }
0x3e: {  	[spmem:s2] =	stream.indirect.scatter.add.f32 [tilespmem:s17], [sflag:$0x7], $0x40, s5, s14, $0xb8;
	[tilespmem:$0x1DC40] =	vst v63  }
0x3f: {  	s6 =	simm.s32 $0x200  }
0x40: {  	[tilespmem:s26], [sflag:$0x5] =	stream.indirect.gather [hbm4b:s7+s14], $0x40, s6, s14, $0xb8;
	[tilespmem:$0x1DC40] =	vst v63  }
0x41: {  	_ =	swait.ge [sflag:s28], $0x1F40  }
0x42: {  	[sflag:s28] =	ssyncset.done $0x0  }
0x43: {  	s8 =	simm.s32 $0x5100;
	[sflag:s28] =	ssyncadd.s32 $0xFFFFE0C0  }
0x44: {  	[spmem:s2] =	stream.indirect.scatter.add.f32 [tilespmem:s19], [sflag:$0x8], $0x40, s8, s14, $0xb8;
	[tilespmem:$0x1DC40] =	vst v63  }
0x45: {  	_ =	swait.ge [sflag:s30], $0x1F40  }
0x46: {  	[sflag:s30] =	ssyncset.done $0x0  }
0x47: {  	s18 =	simm.s32 $0x280;
	[sflag:s30] =	ssyncadd.s32 $0xFFFFE0C0  }
0x48: {  	[tilespmem:s15], [sflag:$0x1] =	stream.indirect.gather [hbm4b:s7+s14], $0x40, s18, s14, $0xb8;
	[tilespmem:$0x1DC40] =	vst v63  }
0x49: {  	_ =	swait.ge [sflag:s0], $0x1F40  }
0x4a: {  	[sflag:s0] =	ssyncset.done $0x0  }
0x4b: {  	s5 =	simm.s32 $0x5180;
	[sflag:s0] =	ssyncadd.s32 $0xFFFFE0C0  }
0x4c: {  	[spmem:s2] =	stream.indirect.scatter.add.f32 [tilespmem:s22], [sflag:$0x9], $0x40, s5, s14, $0xb8;
	[tilespmem:$0x1DC40] =	vst v63  }
0x4d: {  	_ =	swait.ge [sflag:s16], $0x1F40  }
0x4e: {  	[sflag:s16] =	ssyncset.done $0x0  }
0x4f: {  	s6 =	simm.s32 $0x300;
	[sflag:s16] =	ssyncadd.s32 $0xFFFFE0C0  }
0x50: {  	[tilespmem:s17], [sflag:$0x2] =	stream.indirect.gather [hbm4b:s7+s14], $0x40, s6, s14, $0xb8;
	[tilespmem:$0x1DC40] =	vst v63  }
0x51: {  	_ =	swait.ge [sflag:s21], $0x1F40  }
0x52: {  	[sflag:s21] =	ssyncset.done $0x0  }
0x53: {  	s8 =	simm.s32 $0x5200;
	[sflag:s21] =	ssyncadd.s32 $0xFFFFE0C0  }
0x54: {  	[spmem:s2] =	stream.indirect.scatter.add.f32 [tilespmem:s26], [sflag:$0xA], $0x40, s8, s14, $0xb8;
	[tilespmem:$0x1DC40] =	vst v63  }
0x55: {  	_ =	swait.ge [sflag:s25], $0x1F40  }
0x56: {  	[sflag:s25] =	ssyncset.done $0x0  }
0x57: {  	s29 =	simm.s32 $0x0;
	s18 =	simm.s32 $0x380;
	[sflag:s25] =	ssyncadd.s32 $0xFFFFE0C0  }
0x58: {  	[tilespmem:s19], [sflag:$0x3] =	stream.indirect.gather [hbm4b:s7+s14], $0x40, s18, s14, $0xb8;
	[tilespmem:$0x1DC40] =	vst v63  }
.LBB2_2:
0x59: {  	_ =	swait.ge [sflag:s20], $0x1F40  }
0x5a: {  	s18 =	sshra.s32 s29, $0x2;
	[sflag:s20] =	ssyncset.done $0x0  }
0x5b: {  	s4 =	sadd.s32 $0x5280, s18;
	[sflag:s20] =	ssyncadd.s32 $0xFFFFE0C0  }
0x5c: {  	[spmem:s2] =	stream.indirect.scatter.add.f32 [tilespmem:s15], [sflag:$0x6], $0x40, s4, s14, $0xb8;
	[tilespmem:$0x1DC40] =	vst v63  }
0x5d: {  	_ =	swait.ge [sflag:s31], $0x1F40  }
0x5e: {  	[sflag:s31] =	ssyncset.done $0x0  }
0x5f: {  	s6 =	sadd.s32 $0x400, s18;
	[sflag:s31] =	ssyncadd.s32 $0xFFFFE0C0  }
0x60: {  	[tilespmem:s22], [sflag:$0x4] =	stream.indirect.gather [hbm4b:s7+s14], $0x40, s6, s14, $0xb8;
	[tilespmem:$0x1DC40] =	vst v63  }
0x61: {  	_ =	swait.ge [sflag:s23], $0x1F40  }
0x62: {  	[sflag:s23] =	ssyncset.done $0x0  }
0x63: {  	s8 =	sadd.s32 $0x5300, s18;
	[sflag:s23] =	ssyncadd.s32 $0xFFFFE0C0  }
0x64: {  	[spmem:s2] =	stream.indirect.scatter.add.f32 [tilespmem:s17], [sflag:$0x7], $0x40, s8, s14, $0xb8;
	[tilespmem:$0x1DC40] =	vst v63  }
0x65: {  	_ =	swait.ge [sflag:s1], $0x1F40  }
0x66: {  	[sflag:s1] =	ssyncset.done $0x0  }
0x67: {  	s5 =	sadd.s32 $0x480, s18;
	[sflag:s1] =	ssyncadd.s32 $0xFFFFE0C0  }
0x68: {  	[tilespmem:s26], [sflag:$0x5] =	stream.indirect.gather [hbm4b:s7+s14], $0x40, s5, s14, $0xb8;
	[tilespmem:$0x1DC40] =	vst v63  }
0x69: {  	_ =	swait.ge [sflag:s28], $0x1F40  }
0x6a: {  	[sflag:s28] =	ssyncset.done $0x0  }
0x6b: {  	s6 =	sadd.s32 $0x5380, s18;
	[sflag:s28] =	ssyncadd.s32 $0xFFFFE0C0  }
0x6c: {  	[spmem:s2] =	stream.indirect.scatter.add.f32 [tilespmem:s19], [sflag:$0x8], $0x40, s6, s14, $0xb8;
	[tilespmem:$0x1DC40] =	vst v63  }
0x6d: {  	_ =	swait.ge [sflag:s30], $0x1F40  }
0x6e: {  	p0 =	seq.s32 s29, $0x12C00;
	[sflag:s30] =	ssyncset.done $0x0  }
0x6f: {  	s4 =	simm.s32 @p0 $0x4;
	[sflag:s30] =	ssyncadd.s32 $0xFFFFE0C0  }
0x70: {  	_ =	swait.ge @p0 [sflag:s4], $0x1F40  }
0x71: {  	[sflag:s4] =	ssyncset.done @p0 $0x0  }
0x72: {  	[sflag:s4] =	ssyncadd.s32 @p0 $0xFFFFE0C0;
	s4 =	sshra.s32 @p0 s29, $0x2  }
0x73: {  	s5 =	simm.s32 @p0 $0x7D;
	s6 =	simm.s32 @p0 $0xFDC0;
	s4 =	sadd.s32 @p0 $0x5400, s4  }
0x74: {  	[spmem:s2] =	stream.indirect.scatter.add.f32 @p0 [tilespmem:s6], [sflag:$0x9], $0x40, s4, s5, $0xb8;
	[tilespmem:$0x1DC40] =	vst v63  }
0x75: {  	s4 =	simm.s32 @p0 $0x7  }
0x76: {  	_ =	swait.ge @p0 [sflag:s4], $0x1F40  }
0x77: {  	[sflag:s4] =	ssyncset.done @p0 $0x0  }
0x78: {  	[sflag:s4] =	ssyncadd.s32 @p0 $0xFFFFE0C0;
	s4 =	sshra.s32 @!p0 s29, $0x2  }
0x79: {  	s8 =	simm.s32 @!p0 $0xA000;
	s6 =	simm.s32 @!p0 $0x7D;
	s5 =	sadd.s32 @!p0 $0x500, s4  }
0x7a: {  	[tilespmem:s8], [sflag:$0x1] =	stream.indirect.gather @!p0 [hbm4b:s7+s6], $0x40, s5, s6, $0xb8;
	[tilespmem:$0x1DC40] =	vst v63  }
0x7b: {  	s5 =	simm.s32 @!p0 $0x4  }
0x7c: {  	_ =	swait.ge @!p0 [sflag:s5], $0x1F40  }
0x7d: {  	[sflag:s5] =	ssyncset.done @!p0 $0x0  }
0x7e: {  	s8 =	simm.s32 @!p0 $0xFDC0;
	[sflag:s5] =	ssyncadd.s32 @!p0 $0xFFFFE0C0;
	s5 =	sadd.s32 @!p0 $0x5400, s4  }
0x7f: {  	[spmem:s2] =	stream.indirect.scatter.add.f32 @!p0 [tilespmem:s8], [sflag:$0x9], $0x40, s5, s6, $0xb8;
	[tilespmem:$0x1DC40] =	vst v63  }
0x80: {  	s5 =	simm.s32 @!p0 $0x7  }
0x81: {  	_ =	swait.ge @!p0 [sflag:s5], $0x1F40  }
0x82: {  	[sflag:s5] =	ssyncset.done @!p0 $0x0  }
0x83: {  	s4 =	sadd.s32 @!p0 $0x580, s4;
	[sflag:s5] =	ssyncadd.s32 @!p0 $0xFFFFE0C0;
	s5 =	simm.s32 @!p0 $0xBF40  }
0x84: {  	[tilespmem:s5], [sflag:$0x2] =	stream.indirect.gather @!p0 [hbm4b:s7+s6], $0x40, s4, s6, $0xb8;
	[tilespmem:$0x1DC40] =	vst v63  }
0x85: {  	_ =	swait.ge [sflag:s21], $0x1F40  }
0x86: {  	[sflag:s21] =	ssyncset.done $0x0  }
.Ltmp2:
0x87: {  	s8 =	sadd.s32 $0x5480, s18;
	[sflag:s21] =	ssyncadd.s32 $0xFFFFE0C0;
	(pc) =	sbr.rel @p0 .LBB2_4-.Ltmp2, $4  }
0x88: {  	[spmem:s2] =	stream.indirect.scatter.add.f32 [tilespmem:s26], [sflag:$0xA], $0x40, s8, s14, $0xb8;
	[tilespmem:$0x1DC40] =	vst v63  }
0x89: {  	_ =	swait.ge [sflag:s25], $0x1F40  }
0x8a: {  	[sflag:s25] =	ssyncset.done $0x0  }
0x8b: {  	[sflag:s25] =	ssyncadd.s32 $0xFFFFE0C0  }
.Ltmp3:
0x8c: {  	(pc) =	sbr.rel .LBB2_2-.Ltmp3, $3  }
0x8d: {  	_ =	sdelay $0x1  }
0x8e: {  	s4 =	sadd.s32 $0x600, s18;
	s29 =	sadd.s32 $0xA00, s29  }
0x8f: {  	[tilespmem:s19], [sflag:$0x3] =	stream.indirect.gather [hbm4b:s7+s14], $0x40, s4, s14, $0xb8;
	[tilespmem:$0x1DC40] =	vst v63  }
.LBB2_5:
0x90: {  	_ =	sfence.sel $0x180000  }
0x91: {  	[bflag:$0x0] =	sbarrier.arrive $0xFFFF  }
0x92: {  	_ =	strace $0x9000004D  }
0x93: {  	s0 =	stileid.u32;
	[bflag:$0x2] =	sbarrier.arrive $0xFFFF  }
0x94: {  	p0 =	sne.s32 s0, $0x0;
	s0 =	rddreg [dreg:$0x3]  }
0x95: {  	s0 =	sadd.s32 @!p0 $0x100000, s0  }
0x96: {  	[sflag:s0] =	ssyncadd.tile.s32 @!p0 $0x1;
	_ =	shalt  }
.Lfunc_end2:
_tile_overlayer_lowered:
.L_overlay_start_2:
0x97: {  	(tag) =	ssettag $0x2  }
0x98: {  	s0 =	rddreg [dreg:$0x0];
	s2 =	stileid.u32  }
0x99: {  	s1 =	rddreg [dreg:$0x1];
	p0 =	sne.s32 s2, $0x0  }
0x9a: {  	s3 =	rddreg [dreg:$0x2];
	[bflag:$0x3] =	sbarrier.arrive $0xFFFF;
	s2 =	simm.s32 @!p0 $0x1C0B  }
0x9b: {  	[timem:s3], [sflag:s2] =	dma.local @!p0 [hbm:s0], s1  }
0x9c: {  	s0 =	simm.s32 @!p0 $0xB  }
0x9d: {  	_ =	swait.ge @!p0 [sflag:s0], s1  }
0x9e: {  	s1 =	ssub.s32 @!p0 $0x0, s1;
	[sflag:s0] =	ssyncset.done @!p0 $0x0  }
0x9f: {  	[sflag:s0] =	ssyncadd.s32 @!p0 s1  }
0xa0: {  	[bflag:$0x3] =	sbarrier.arrive $0xFFFF  }
0xa1: {  	_ =	shalt  }

// kernel: kernel.8.cloned.1.call-start
scs
__scs_entry_jumppad:
0x0: {  	(pc) =	sbr.rel $0x88, $3  }
0x1: {  	(tag) =	ssettag $0x0;
	lr =	simm.s32 $0x1  }
0x2: {  	[smem:$0x3F8D] =	sst lr;
	_ =	strace $0xD0000000  }
0x3: {  	_ = 	snop  }
0x4: {  	_ = 	snop  }
0x5: {  	_ = 	snop  }
0x6: {  	_ = 	snop  }
0x7: {  	_ = 	snop  }
__scs_overlays_trampoline_lowered:
0x8: {  	[smem:$0x3F9C] =	sst s0  }
0x9: {  	[smem:$0x3F9D] =	sst s1  }
0xa: {  	[smem:$0x3F9E] =	sst s2  }
0xb: {  	[smem:$0x3F9F] =	sst s3  }
0xc: {  	[smem:$0x3FA0] =	sst s4  }
0xd: {  	[smem:$0x3FA1] =	sst s5  }
0xe: {  	[smem:$0x3FA2] =	sst s6  }
0xf: {  	[smem:$0x3FA3] =	sst s7  }
0x10: {  	[smem:$0x3FA4] =	sst s8  }
0x11: {  	[smem:$0x3FA5] =	sst s9;
	s0 =	simm.s32 @!p0 $0x0  }
0x12: {  	s1 =	sld [smem:$0x3F8B];
	s0 =	simm.s32 @p0 $0x1  }
0x13: {  	[smem:$0x3FA6] =	sst s0;
	s0 =	simm.s32 @!p1 $0x0  }
0x14: {  	s2 =	sld [smem:$0x3F8A];
	s0 =	simm.s32 @p1 $0x1  }
0x15: {  	[smem:$0x3FA7] =	sst s0;
	s0 =	simm.s32 @!p2 $0x0  }
0x16: {  	s3 =	sld [smem:$0x3FDB];
	s0 =	simm.s32 @p2 $0x1  }
0x17: {  	s4 =	simm.s32 $0x1BF5;
	[smem:$0x3FA9] =	sst s0  }
0x18: {  	s0 =	sld [smem:$0x3F8C];
	_ =	swait.ge [sflag:s4], $0x0  }
0x19: {  	s7 =	sld [smem:$0x3F8D]  }
0x1a: {  	s8 =	sadd.s32 $0xFFFFE003, lr  }
0x1b: {  	s9 =	sadd.s32 $0xFFFFFEF7, lr;
	s5 =	simm.s32 $0xFFFFFFFF;
	p2 =	slt.u32 s8, $0xFFFFF086  }
0x1c: {  	p1 =	slt.u32 s9, $0xF7A;
	s5 =	simm.s32 @!p2 $0x0  }
0x1d: {  	s5 =	simm.s32 @p1 $0x1;
	p0 =	seq.s32 s7, s2  }
0x1e: {  	s7 =	smul.u32 @!p0 $0xF7A, s2;
	p2 =	seq.s32 @!p0 s5, $0x0  }
0x1f: {  	s9 =	smul.u32 $0xF7A, s1;
	s8 =	simm.s32 @!p0 $0x1BF5;
	p2 =	por !p2, p0  }
0x20: {  	[sflag:s8] =	ssyncset.s32 @!p0 $0xFFFFF086;
	s6 =	sadd.s32 @!p0 s3, s7;
	s7 =	simm.s32 @!p0 $0x108  }
0x21: {  	s3 =	sadd.s32 s3, s9;
	s6 =	sadd.s32 @!p0 $0x88, s6;
	s7 =	simm.s32 @p2 $0x1082  }
0x22: {  	[simem:s7], [sflag:s8] =	dma.local @!p0 [hbm:s6], $0xF7A  }
0x23: {  	s9 =	sor.u32 $0xD0000000, s2;
	s6 =	simm.s32 $0x108;
	_ =	swait.ge @!p0 [sflag:s8], $0x0  }
0x24: {  	s3 =	sadd.s32 $0x88, s3;
	s6 =	simm.s32 @!p1 $0x1082;
	[sflag:s4] =	ssyncset.s32 $0xFFFFF086  }
0x25: {  	[simem:s6], [sflag:s4] =	dma.local [hbm:s3], $0xF7A  }
0x26: {  	[smem:$0x3F8D] =	sst s1;
	(tag) =	ssettag s2;
	_ =	strace s9  }
0x27: {  	s1 =	sld [smem:$0x3F9D]  }
0x28: {  	s2 =	sld [smem:$0x3F9E]  }
0x29: {  	s4 =	sld [smem:$0x3FA0]  }
0x2a: {  	p0 =	seq.s32 s5, $0x0;
	s5 =	sld [smem:$0x3FA1]  }
0x2b: {  	s6 =	sld [smem:$0x3FA2]  }
0x2c: {  	s7 =	sld [smem:$0x3FA3]  }
0x2d: {  	s3 =	simm.s32 $0x108;
	s8 =	sld [smem:$0x3FA4]  }
0x2e: {  	s3 =	simm.s32 @!p0 $0x1082;
	s9 =	sld [smem:$0x3FA5]  }
0x2f: {  	lr =	sadd.s32 s0, s3;
	s0 =	sld [smem:$0x3F9C]  }
0x30: {  	s3 =	sld [smem:$0x3F9F]  }
0x31: {  	[smem:$0x3FA8] =	sst s10  }
0x32: {  	s10 =	sld [smem:$0x3FA6];
	_ =	sdelay $0x3  }
0x33: {  	p0 =	seq.s32 s10, $0x1;
	s10 =	sld [smem:$0x3FA8];
	_ =	sdelay $0x3  }
0x34: {  	[smem:$0x3FA8] =	sst s10  }
0x35: {  	s10 =	sld [smem:$0x3FA7];
	_ =	sdelay $0x3  }
0x36: {  	p1 =	seq.s32 s10, $0x1;
	s10 =	sld [smem:$0x3FA8];
	_ =	sdelay $0x3  }
0x37: {  	[smem:$0x3FA8] =	sst s10  }
0x38: {  	s10 =	sld [smem:$0x3FA9]  }
0x39: {  	_ = 	snop;
	(pc) =	sbr.ind lr, $3  }
0x3a: {  	_ = 	snop  }
0x3b: {  	_ = 	snop  }
0x3c: {  	p2 =	seq.s32 s10, $0x1;
	s10 =	sld [smem:$0x3FA8]  }
0x3d: {  	_ =	shalt  }
0x3e: {  	_ =	shalt  }
0x3f: {  	_ =	shalt  }
0x40: {  	_ =	shalt  }
0x41: {  	_ =	shalt  }
0x42: {  	_ =	shalt  }
0x43: {  	_ =	shalt  }
0x44: {  	_ =	shalt  }
0x45: {  	_ =	shalt  }
0x46: {  	_ =	shalt  }
0x47: {  	_ =	shalt  }
0x48: {  	_ =	shalt  }
0x49: {  	_ =	shalt  }
0x4a: {  	_ =	shalt  }
0x4b: {  	_ =	shalt  }
0x4c: {  	_ =	shalt  }
0x4d: {  	_ =	shalt  }
0x4e: {  	_ =	shalt  }
0x4f: {  	_ =	shalt  }
0x50: {  	_ =	shalt  }
0x51: {  	_ =	shalt  }
0x52: {  	_ =	shalt  }
0x53: {  	_ =	shalt  }
0x54: {  	_ =	shalt  }
0x55: {  	_ =	shalt  }
0x56: {  	_ =	shalt  }
0x57: {  	_ =	shalt  }
0x58: {  	_ =	shalt  }
0x59: {  	_ =	shalt  }
0x5a: {  	_ =	shalt  }
0x5b: {  	_ =	shalt  }
0x5c: {  	_ =	shalt  }
0x5d: {  	_ =	shalt  }
0x5e: {  	_ =	shalt  }
0x5f: {  	_ =	shalt  }
0x60: {  	_ =	shalt  }
0x61: {  	_ =	shalt  }
0x62: {  	_ =	shalt  }
0x63: {  	_ =	shalt  }
0x64: {  	_ =	shalt  }
0x65: {  	_ =	shalt  }
0x66: {  	_ =	shalt  }
0x67: {  	_ =	shalt  }
0x68: {  	_ =	shalt  }
0x69: {  	_ =	shalt  }
0x6a: {  	_ =	shalt  }
0x6b: {  	_ =	shalt  }
0x6c: {  	_ =	shalt  }
0x6d: {  	_ =	shalt  }
0x6e: {  	_ =	shalt  }
0x6f: {  	_ =	shalt  }
0x70: {  	_ =	shalt  }
0x71: {  	_ =	shalt  }
0x72: {  	_ =	shalt  }
0x73: {  	_ =	shalt  }
0x74: {  	_ =	shalt  }
0x75: {  	_ =	shalt  }
0x76: {  	_ =	shalt  }
0x77: {  	_ =	shalt  }
0x78: {  	_ =	shalt  }
0x79: {  	_ =	shalt  }
0x7a: {  	_ =	shalt  }
0x7b: {  	_ =	shalt  }
0x7c: {  	_ =	shalt  }
0x7d: {  	_ =	shalt  }
0x7e: {  	_ =	shalt  }
0x7f: {  	_ =	shalt  }
0x80: {  	_ =	shalt  }
0x81: {  	_ =	shalt  }
0x82: {  	_ =	shalt  }
0x83: {  	_ =	shalt  }
0x84: {  	_ =	shalt  }
0x85: {  	_ =	shalt  }
0x86: {  	_ =	shalt  }
0x87: {  	_ =	shalt  }
.Lfunc_end0:
.L_simem_size_0:
called_computation_lowered:
.L_overlay_start_0:
0x88: {  	s2 =	sld [smem:$0x3FD9]  }
0x89: {  	s3 =	sld [smem:$0x3FFE];
	_ =	sdelay $0x1  }
0x8a: {  	s1 =	srdreg.scid  }
0x8b: {  	s0 =	sand.u32 $0x1, s1  }
0x8c: {  	s16 =	sshll.u32 s0, $0xA;
	s2 =	sadd.s32 s3, s2  }
0x8d: {  	s2 =	sadd.s32 s2, s16  }
0x8e: {  	[smem:$0x3FB4] =	sst s2  }
0x8f: {  	_ = 	snop  }
0x90: {  	(tm) =	ssettm $0x1  }
0x91: {  	s17 =	sld [smem:$0x3FFB];
	_ =	sdelay $0x3  }
0x92: {  	_ =	strace s17  }
0x93: {  	s2 =	sld [smem:$0x3FFC];
	_ =	sdelay $0x3  }
0x94: {  	_ =	strace s2  }
0x95: {  	s2 =	sld [smem:$0x3FFD];
	_ =	sdelay $0x3  }
0x96: {  	_ =	strace s2  }
0x97: {  	_ =	strace $0x8FFFFFFF  }
0x98: {  	s18 =	sld [smem:$0x3FDB];
	_ =	sdelay $0x1  }
0x99: {  	s19 =	simm.s32 $_scs_section_size  }
0x9a: {  	s4 =	simm.s32 $_size__tile_overlayer_lowered;
	s5 =	simm.s32 $_tile_overlayer_lowered  }
0x9b: {  	s22 =	simm.s32 $0x1BFF;
	s21 =	sshll.u32 s5, $0x1;
	s2 =	sadd.s32 s19, s18  }
0x9c: {  	s6 =	simm.s32 $0x0;
	s20 =	sshll.u32 s4, $0x1;
	s4 =	sadd.s32 s21, s2  }
0x9d: {  	[timem:s6], [sflag:s22] =	dma.local [hbm:s4], s20  }
0x9e: {  	_ =	swait.ge [sflag:s22], s20  }
0x9f: {  	s3 =	ssub.s32 $0x0, s20;
	[sflag:s22] =	ssyncset.done $0x0  }
0xa0: {  	[sflag:s22] =	ssyncadd.s32 s3;
	_ =	sdelay $0x1  }
0xa1: {  	s23 =	simm.s32 $0x1B8B  }
0xa2: {  	_ =	swait.ge [sflag:s23], $0x1  }
0xa3: {  	[sflag:s23] =	ssyncset.done $0x0  }
0xa4: {  	s25 =	simm.s32 $0x1B8E;
	s24 =	sld [smem:$0x3FFE];
	[sflag:s23] =	ssyncadd.s32 $0xFFFFFFFF  }
0xa5: {  	s26 =	simm.s32 $execute0_lowered;
	[smem:$0x3FD2] =	sst s25  }
0xa6: {  	s4 =	sshll.u32 s26, $0x1;
	_ =	strace $0x80000046;
	[dreg:$0x1] =	wrdreg $0xFFFFFFFF  }
0xa7: {  	s28 =	simm.s32 $_size_execute0_lowered;
	s2 =	sadd.s32 s2, s4;
	[dreg:$0x0] =	wrdreg $0x0  }
0xa8: {  	s4 =	sshll.u32 s28, $0x1;
	[dreg:$0x2] =	wrdreg s2  }
0xa9: {  	[dreg:$0x3] =	wrdreg s4  }
0xaa: {  	[dreg:$0x4] =	wrdreg $0xC0  }
0xab: {  	_ =	task [dreg:s6], $0x5FFFF  }
0xac: {  	[dreg:$0x1] =	wrdreg $0xFFFFFFFF  }
0xad: {  	[dreg:$0x0] =	wrdreg $0x60  }
0xae: {  	[dreg:$0x2] =	wrdreg s24  }
0xaf: {  	[dreg:$0x3] =	wrdreg $0x57D00  }
0xb0: {  	[dreg:$0x4] =	wrdreg $0x9  }
0xb1: {  	_ =	task.clear_ibuf [dreg:s6], $0x5FFFF;
	_ =	strace $0x90000046  }
0xb2: {  	s29 =	simm.s32 $0x9;
	_ =	strace $0x80000048  }
0xb3: {  	_ =	swait.ge [sflag:s29], $0x1  }
0xb4: {  	[sflag:s29] =	ssyncadd.s32 $0xFFFFFFFF  }
0xb5: {  	_ =	strace $0x90000048  }
0xb6: {  	_ =	sfence  }
0xb7: {  	s30 =	sld [smem:$0x0];
	_ =	sdelay $0x2  }
0xb8: {  	s31 =	sshll.u32 s1, $0xD;
	s1 =	sshrl.u32 s1, $0x2  }
0xb9: {  	s3 =	sand.u32 $0x4000, s31;
	s1 =	sadd.s32 s1, s30  }
0xba: {  	s0 =	sor.u32 s3, s0;
	s1 =	sshll.u32 s1, $0x11  }
0xbb: {  	s0 =	sor.u32 s1, s0  }
0xbc: {  	s0 =	sadd.s32 $0x8F2B, s0  }
0xbd: {  	[sflag:s0] =	ssyncadd.remote.s32 $0x1  }
0xbe: {  	_ =	sfence.sel $0xFFFF  }
0xbf: {  	[dreg:$0x0] =	wrdreg $0xFFFFFFFF;
	(pc) =	sbr.abs _section_cstart, $3  }
0xc0: {  	[dreg:$0x1] =	wrdreg $0xFFFFFFFF  }
0xc1: {  	_ =	task.clear_ibuf [dreg:s6], $0x2FFFF;
	_ =	strace $0x9FFFFFFF  }
0xc2: {  	(tm) =	ssettm $0x7FFFFFFF  }
0xc3: {  	_ =	shalt  }
tec
execute0_lowered:
.L_overlay_start_1:
0x0: {  	(tag) =	ssettag $0x1  }
0x1: {  	s6 =	rddreg [dreg:$0x0]  }
0x2: {  	s2 =	rddreg [dreg:$0x1]  }
0x3: {  	s0 =	rddreg [dreg:$0x2]  }
0x4: {  	s4 =	srdreg.scid;
	s1 =	stileid.u32;
	s3 =	simm.s32 $0x0  }
0x5: {  	s13 =	simm.s32 $0x5;
	s14 =	simm.s32 $0x5000;
	s17 =	simm.s32 $0x7D  }
0x6: {  	s18 =	simm.s32 $0x1;
	s19 =	simm.s32 $0x2;
	s20 =	simm.s32 $0x3  }
0x7: {  	s21 =	simm.s32 $0x4;
	s22 =	simm.s32 $0x0;
	s7 =	sand.u32 $0x1, s4  }
0x8: {  	s8 =	smul.u32 $0x2800, s1;
	[smem:$0x7FF] =	sst s3;
	s4 =	sadd.s32 $0x19400, s6  }
0x9: {  	s5 =	sadd.s32 $0x19200, s6;
	s10 =	smul.u32 $0x5000, s1;
	s15 =	sshll.u32 s1, $0x6  }
0xa: {  	s9 =	smul.u32 $0x28000, s7;
	_ =	strace $0x80000047;
	s11 =	ssub.s32 $0x2, s7  }
0xb: {  	s7 =	smul.u32 $0xA000, s7;
	s15 =	sor.u32 $0x1C05, s15;
	s30 =	sshrl.u32 s11, $0x1  }
0xc: {  	s10 =	sshrl.u32 s10, $0x3;
	s16 =	sadd.s32 s8, s2;
	s9 =	sadd.s32 s8, s9  }
0xd: {  	s11 =	ssub.s32 s11, s30;
	s31 =	sadd.s32 s6, s10;
	s9 =	sshrl.u32 s9, $0x3  }
0xe: {  	s16 =	sshrl.u32 s16, $0x3;
	s12 =	sadd.s32 s9, s6;
	s6 =	sshrl.u32 s7, $0x2  }
0xf: {  	s11 =	smax.u32 s11, $0x1;
	s7 =	sadd.s32 $0xF200, s31;
	s8 =	sor.u32 $0x80, s6  }
0x10: {  	s9 =	sor.u32 $0x100, s6;
	s10 =	sadd.s32 $0x19A00, s12;
	s12 =	sor.u32 $0x180, s6  }
.LBB2_1:
0x11: {  	[tilespmem:s3], [sflag:$0x5] =	stream.linear.gather [hbm4b:s7+s3], $0x5000, $0x38;
	[tilespmem:$0x7FD0] =	vst v63  }
0x12: {  	_ =	swait.ge [sflag:s13], $0x5000  }
0x13: {  	[sflag:s13] =	ssyncset.done $0x0  }
0x14: {  	[sflag:s13] =	ssyncadd.s32 $0xFFFFB000  }
0x15: {  	[tilespmem:s14], [sflag:$0x5] =	stream.linear.gather [hbm4b:s5+s3], $0x7D0, $0x38;
	[tilespmem:$0x7FD0] =	vst v63  }
0x16: {  	_ =	swait.ge [sflag:s13], $0x7D0  }
0x17: {  	[sflag:s13] =	ssyncset.done $0x0  }
0x18: {  	[sflag:s13] =	ssyncadd.s32 $0xFFFFF830  }
0x19: {  	[spmem:s16], [sflag:s15] =	dma.local [hbm:s4], $0x500  }
0x1a: {  	_ =	swait.ge [sflag:s13], $0x500  }
0x1b: {  	[sflag:s13] =	ssyncset.done $0x0  }
0x1c: {  	[sflag:s13] =	ssyncadd.s32 $0xFFFFFB00  }
0x1d: {  	[bflag:$0x0] =	sbarrier.arrive $0xFFFF  }
0x1e: {  	[spmem:s2] =	stream.indirect.scatter.add.f32 [tilespmem:s14], [sflag:$0x1], $0x10, s6, s17, $0xb8;
	[tilespmem:$0x7FD0] =	vst v63  }
0x1f: {  	_ = 	snop  }
0x20: {  	[spmem:s2] =	stream.indirect.scatter.add.f32 [tilespmem:s14], [sflag:$0x2], $0x10, s8, s17, $0xb8;
	[tilespmem:$0x7FD0] =	vst v63  }
0x21: {  	_ = 	snop  }
0x22: {  	[spmem:s2] =	stream.indirect.scatter.add.f32 [tilespmem:s14], [sflag:$0x3], $0x10, s9, s17, $0xb8;
	[tilespmem:$0x7FD0] =	vst v63  }
0x23: {  	_ = 	snop  }
0x24: {  	[spmem:s2] =	stream.indirect.scatter.add.f32 [tilespmem:s14], [sflag:$0x4], $0x10, s12, s17, $0xb8;
	[tilespmem:$0x7FD0] =	vst v63  }
0x25: {  	_ =	swait.ge [sflag:s18], $0x7D0  }
0x26: {  	s24 =	sadd.s32 $0xFFFFDA00, s6;
	[sflag:s18] =	ssyncset.done $0x0  }
0x27: {  	s23 =	sadd.s32 $0x2800, s24;
	[sflag:s18] =	ssyncadd.s32 $0xFFFFF830  }
0x28: {  	[spmem:s2] =	stream.indirect.scatter.add.f32 [tilespmem:s14], [sflag:$0x1], $0x10, s23, s17, $0xb8;
	[tilespmem:$0x7FD0] =	vst v63  }
0x29: {  	_ =	swait.ge [sflag:s19], $0x7D0  }
0x2a: {  	[sflag:s19] =	ssyncset.done $0x0  }
0x2b: {  	s30 =	sadd.s32 $0x2880, s24;
	[sflag:s19] =	ssyncadd.s32 $0xFFFFF830  }
0x2c: {  	[spmem:s2] =	stream.indirect.scatter.add.f32 [tilespmem:s14], [sflag:$0x2], $0x10, s30, s17, $0xb8;
	[tilespmem:$0x7FD0] =	vst v63  }
0x2d: {  	_ =	swait.ge [sflag:s20], $0x7D0  }
0x2e: {  	[sflag:s20] =	ssyncset.done $0x0  }
0x2f: {  	s31 =	sadd.s32 $0x2900, s24;
	[sflag:s20] =	ssyncadd.s32 $0xFFFFF830  }
0x30: {  	[spmem:s2] =	stream.indirect.scatter.add.f32 [tilespmem:s14], [sflag:$0x3], $0x10, s31, s17, $0xb8;
	[tilespmem:$0x7FD0] =	vst v63  }
0x31: {  	_ =	swait.ge [sflag:s21], $0x7D0  }
0x32: {  	[sflag:s21] =	ssyncset.done $0x0  }
0x33: {  	s24 =	sadd.s32 $0x2980, s24;
	s23 =	simm.s32 $0xFFFF7000;
	[sflag:s21] =	ssyncadd.s32 $0xFFFFF830  }
.LBB2_2:
0x34: {  	[spmem:s2] =	stream.indirect.scatter.add.f32 [tilespmem:s14], [sflag:$0x4], $0x10, s24, s17, $0xb8;
	[tilespmem:$0x7FD0] =	vst v63  }
0x35: {  	s24 =	sshra.s32 s23, $0x2;
	p0 =	sne.s32 s23, $0xFFFFF800;
	_ =	swait.ge [sflag:s18], $0x7D0  }
0x36: {  	s23 =	sadd.s32 $0x800, s23;
	s24 =	sadd.s32 s24, s6;
	[sflag:s18] =	ssyncset.done $0x0  }
0x37: {  	s25 =	sadd.s32 $0x2800, s24;
	[sflag:s18] =	ssyncadd.s32 $0xFFFFF830  }
0x38: {  	[spmem:s2] =	stream.indirect.scatter.add.f32 [tilespmem:s14], [sflag:$0x1], $0x10, s25, s17, $0xb8;
	[tilespmem:$0x7FD0] =	vst v63  }
0x39: {  	_ =	swait.ge [sflag:s19], $0x7D0  }
0x3a: {  	[sflag:s19] =	ssyncset.done $0x0  }
0x3b: {  	s25 =	sadd.s32 $0x2880, s24;
	[sflag:s19] =	ssyncadd.s32 $0xFFFFF830  }
0x3c: {  	[spmem:s2] =	stream.indirect.scatter.add.f32 [tilespmem:s14], [sflag:$0x2], $0x10, s25, s17, $0xb8;
	[tilespmem:$0x7FD0] =	vst v63  }
0x3d: {  	_ =	swait.ge [sflag:s20], $0x7D0  }
0x3e: {  	[sflag:s20] =	ssyncset.done $0x0  }
.Ltmp0:
0x3f: {  	s25 =	sadd.s32 $0x2900, s24;
	[sflag:s20] =	ssyncadd.s32 $0xFFFFF830;
	(pc) =	sbr.rel @p0 .LBB2_2-.Ltmp0, $4  }
0x40: {  	[spmem:s2] =	stream.indirect.scatter.add.f32 [tilespmem:s14], [sflag:$0x3], $0x10, s25, s17, $0xb8;
	[tilespmem:$0x7FD0] =	vst v63  }
0x41: {  	_ =	swait.ge [sflag:s21], $0x7D0  }
0x42: {  	[sflag:s21] =	ssyncset.done $0x0  }
0x43: {  	s24 =	sadd.s32 $0x2980, s24;
	[sflag:s21] =	ssyncadd.s32 $0xFFFFF830  }
0x44: {  	[spmem:s2] =	stream.indirect.scatter.add.f32 [tilespmem:s14], [sflag:$0x4], $0x10, s24, s17, $0xb8;
	[tilespmem:$0x7FD0] =	vst v63  }
0x45: {  	_ =	swait.ge [sflag:s18], $0x7D0  }
0x46: {  	[sflag:s18] =	ssyncset.done $0x0  }
0x47: {  	[sflag:s18] =	ssyncadd.s32 $0xFFFFF830  }
0x48: {  	_ =	swait.ge [sflag:s19], $0x7D0  }
0x49: {  	[sflag:s19] =	ssyncset.done $0x0  }
0x4a: {  	[sflag:s19] =	ssyncadd.s32 $0xFFFFF830  }
0x4b: {  	_ =	swait.ge [sflag:s20], $0x7D0  }
0x4c: {  	[sflag:s20] =	ssyncset.done $0x0  }
0x4d: {  	[sflag:s20] =	ssyncadd.s32 $0xFFFFF830  }
0x4e: {  	_ =	swait.ge [sflag:s21], $0x7D0  }
0x4f: {  	s22 =	sadd.s32 $0x1, s22;
	[sflag:s21] =	ssyncset.done $0x0  }
0x50: {  	p0 =	sne.s32 s22, s11;
	[sflag:s21] =	ssyncadd.s32 $0xFFFFF830  }
.Ltmp1:
0x51: {  	[bflag:$0x0] =	sbarrier.arrive $0xFFFF;
	(pc) =	sbr.rel @p0 .LBB2_1-.Ltmp1, $4  }
0x52: {  	[hbm:s10], [sflag:s15] =	dma.local [spmem:s16], $0x500  }
0x53: {  	_ =	swait.ge [sflag:s13], $0x500  }
0x54: {  	[sflag:s13] =	ssyncset.done $0x0  }
0x55: {  	[sflag:s13] =	ssyncadd.s32 $0xFFFFFB00  }
0x56: {  	_ =	sfence.sel $0x180000  }
0x57: {  	[bflag:$0x0] =	sbarrier.arrive $0xFFFF  }
0x58: {  	p0 =	sne.s32 s1, $0x0;
	_ =	strace $0x90000047  }
0x59: {  	s0 =	sadd.s32 @!p0 $0x100000, s0;
	[bflag:$0x2] =	sbarrier.arrive $0xFFFF  }
0x5a: {  	[sflag:s0] =	ssyncadd.tile.s32 @!p0 $0x1;
	_ =	shalt  }
.Lfunc_end2:
_tile_overlayer_lowered:
.L_overlay_start_2:
0x5b: {  	(tag) =	ssettag $0x2  }
0x5c: {  	s0 =	rddreg [dreg:$0x0];
	s2 =	stileid.u32  }
0x5d: {  	s1 =	rddreg [dreg:$0x1];
	p0 =	sne.s32 s2, $0x0  }
0x5e: {  	s3 =	rddreg [dreg:$0x2];
	[bflag:$0x3] =	sbarrier.arrive $0xFFFF;
	s2 =	simm.s32 @!p0 $0x1C05  }
0x5f: {  	[timem:s3], [sflag:s2] =	dma.local @!p0 [hbm:s0], s1  }
0x60: {  	s0 =	simm.s32 @!p0 $0x5  }
0x61: {  	_ =	swait.ge @!p0 [sflag:s0], s1  }
0x62: {  	s1 =	ssub.s32 @!p0 $0x0, s1;
	[sflag:s0] =	ssyncset.done @!p0 $0x0  }
0x63: {  	[sflag:s0] =	ssyncadd.s32 @!p0 s1  }
0x64: {  	[bflag:$0x3] =	sbarrier.arrive $0xFFFF  }
0x65: {  	_ =	shalt  }

</sc_bundles>
